<compile_context>
chip_gen: v7x
topology: tpu7x:2x2x1
jax: 0.10.2.dev20260603
libtpu: 0.0.44.dev20260713+nightly
codegen_flags: <defaults>
</compile_context>

<pallas_src>
import functools

import jax
import jax.numpy as jnp
from jax import lax
from jax.experimental import pallas as pl
from jax.experimental.pallas import tpu as pltpu
from jax.experimental.pallas import tpu_sc as plsc

N = 10000
E = 160000
D = 256
HALF = 128
NC = 2
NS = 16
EPT = E // NS
CH = 128
NBUF = 2
NSEG = 2
SEGC = 40
NCH = NSEG * SEGC
EPAD = NCH * CH
TR = 512
ACC_ROWS = N + TR
RPT = 624
REM = N - NS * RPT


def _sc_agg_body(xh, esrc, edst, out, idx_buf, dst_buf,
                 rows0, rows1, acc, sem_g0, sem_g1, sem_s0, sem_s1):
    c = lax.axis_index("c")
    s = lax.axis_index("s")
    w = c * NS + s
    base = s * RPT
    pltpu.sync_copy(xh.at[pl.ds(c * N + base, RPT)], acc.at[pl.ds(base, RPT)])

    @pl.when(s == 0)
    def _init_tail():
        pltpu.sync_copy(xh.at[pl.ds(c * N + NS * RPT, REM)],
                        acc.at[pl.ds(NS * RPT, REM)])
    plsc.subcore_barrier()
    rows = (rows0, rows1)
    sem_g = (sem_g0, sem_g1)
    sem_s = (sem_s0, sem_s1)

    def g_start(j, b):
        pltpu.make_async_copy(xh.at[idx_buf.at[j]], rows[b], sem_g[b]).start()

    def g_wait(j, b):
        pltpu.make_async_copy(xh.at[idx_buf.at[j]], rows[b], sem_g[b]).wait()

    def s_start(j, b):
        pltpu.make_async_copy(rows[b], acc.at[dst_buf.at[j]],
                              sem_s[b]).start(add=True)

    def s_wait(j, b):
        pltpu.make_async_copy(rows[b], acc.at[dst_buf.at[j]], sem_s[b]).wait()

    for h in range(NSEG):
        pltpu.sync_copy(esrc.at[w, pl.ds(h * SEGC, SEGC)], idx_buf)
        pltpu.sync_copy(edst.at[w, pl.ds(h * SEGC, SEGC)], dst_buf)
        g_start(0, 0)

        def step_body(t, carry):
            for b in range(NBUF):
                j = t * NBUF + b
                g_wait(j, b)
                s_start(j, b)

                @pl.when(j >= 1)
                def _():
                    s_wait(j - 1, 1 - b)

                @pl.when(j + 1 < SEGC)
                def _():
                    g_start(j + 1, 1 - b)
            return carry

        lax.fori_loop(0, SEGC // NBUF, step_body, 0)
        s_wait(SEGC - 1, (SEGC - 1) % NBUF)
    plsc.subcore_barrier()
    pltpu.sync_copy(acc.at[pl.ds(base, RPT)], out.at[pl.ds(c * N + base, RPT)])

    @pl.when(s == 0)
    def _write_tail():
        pltpu.sync_copy(acc.at[pl.ds(NS * RPT, REM)],
                        out.at[pl.ds(c * N + NS * RPT, REM)])


_sc_aggregate = functools.partial(
    pl.kernel,
    out_type=jax.ShapeDtypeStruct((NC * N, HALF), jnp.float32),
    mesh=plsc.VectorSubcoreMesh(
        core_axis_name="c", subcore_axis_name="s", num_cores=NC, num_subcores=NS
    ),
    scratch_types=[
        pltpu.VMEM((SEGC, CH), jnp.int32),
        pltpu.VMEM((SEGC, CH), jnp.int32),
        pltpu.VMEM((CH, HALF), jnp.float32),
        pltpu.VMEM((CH, HALF), jnp.float32),
        pltpu.VMEM_SHARED((ACC_ROWS, HALF), jnp.float32),
        pltpu.SemaphoreType.DMA,
        pltpu.SemaphoreType.DMA,
        pltpu.SemaphoreType.DMA,
        pltpu.SemaphoreType.DMA,
    ],
)(_sc_agg_body)


BN = 1000


def _mlp_body_split(a_ref, w1_ref, b1_ref, w2_ref, b2_ref, o_ref):
    h = jnp.dot(a_ref[0], w1_ref[0], preferred_element_type=jnp.float32)
    h = h + jnp.dot(a_ref[1], w1_ref[1], preferred_element_type=jnp.float32)
    h = jnp.maximum(h + b1_ref[...], 0.0)
    o_ref[0] = jnp.dot(h, w2_ref[:, :HALF], preferred_element_type=jnp.float32) + b2_ref[:, :HALF]
    o_ref[1] = jnp.dot(h, w2_ref[:, HALF:], preferred_element_type=jnp.float32) + b2_ref[:, HALF:]


def _mlp_body_final(a_ref, w1_ref, b1_ref, w2_ref, b2_ref, o_ref):
    h = jnp.dot(a_ref[0], w1_ref[0], preferred_element_type=jnp.float32)
    h = h + jnp.dot(a_ref[1], w1_ref[1], preferred_element_type=jnp.float32)
    h = jnp.maximum(h + b1_ref[...], 0.0)
    o_ref[...] = jnp.dot(h, w2_ref[...], preferred_element_type=jnp.float32) + b2_ref[...]


def _mlp_call(split, aggh, W1, b1, W2, b2):
    a3 = aggh.reshape(NC, N, HALF)
    w1 = W1.reshape(NC, HALF, D)
    b1r = b1.reshape(1, D)
    b2r = b2.reshape(1, D)
    in_specs = [
        pl.BlockSpec((NC, BN, HALF), lambda i: (0, i, 0)),
        pl.BlockSpec((NC, HALF, D), lambda i: (0, 0, 0)),
        pl.BlockSpec((1, D), lambda i: (0, 0)),
        pl.BlockSpec((D, D), lambda i: (0, 0)),
        pl.BlockSpec((1, D), lambda i: (0, 0)),
    ]
    if split:
        out_shape = jax.ShapeDtypeStruct((NC, N, HALF), jnp.float32)
        out_spec = pl.BlockSpec((NC, BN, HALF), lambda i: (0, i, 0))
        body = _mlp_body_split
    else:
        out_shape = jax.ShapeDtypeStruct((N, D), jnp.float32)
        out_spec = pl.BlockSpec((BN, D), lambda i: (i, 0))
        body = _mlp_body_final
    return pl.pallas_call(
        body,
        grid=(N // BN,),
        in_specs=in_specs,
        out_specs=out_spec,
        out_shape=out_shape,
    )(a3, w1, b1r, W2, b2r)


def kernel(x, edge_index, W1_0, b1_0, W2_0, b2_0, W1_1, b1_1, W2_1, b2_1,
           W1_2, b1_2, W2_2, b2_2):
    src = edge_index[0]
    dst = edge_index[1]
    PADN = EPAD - EPT
    pad_rng = jnp.arange(PADN, dtype=jnp.int32)
    pad_src = (jnp.arange(NS, dtype=jnp.int32)[None, :, None] * RPT
               + pad_rng[None, None, :]
               + jnp.arange(NC, dtype=jnp.int32)[:, None, None] * N)
    src2 = jnp.concatenate(
        [jnp.concatenate([src, src + N]).reshape(NC, NS, EPT),
         pad_src], axis=2)
    esrc = src2.reshape(NC * NS, NCH, CH)
    w_ids = jnp.arange(NC * NS, dtype=jnp.int32).reshape(NC, NS)
    pad_dst = N + (w_ids[:, :, None] * PADN + pad_rng[None, None, :]) % TR
    d3 = jnp.concatenate(
        [jnp.broadcast_to(dst.reshape(1, NS, EPT), (NC, NS, EPT)),
         pad_dst.astype(jnp.int32)], axis=2)
    edst = d3.reshape(NC * NS, NCH, CH)

    xh = x.reshape(N, NC, HALF).transpose(1, 0, 2).reshape(NC * N, HALF)

    params = [(W1_0, b1_0, W2_0, b2_0), (W1_1, b1_1, W2_1, b2_1),
              (W1_2, b1_2, W2_2, b2_2)]
    for l, (W1, b1, W2, b2) in enumerate(params):
        aggh = _sc_aggregate(xh, esrc, edst)
        if l < 2:
            xh = _mlp_call(True, aggh, W1, b1, W2, b2).reshape(NC * N, HALF)
        else:
            return _mlp_call(False, aggh, W1, b1, W2, b2)

# --- scband reference (transcript-rebuilt; emitter-appended) ---
"""Pipeline reference for scband-gin-47158740910666 (READ-ONLY COPY).

The authoritative reference and input builder live on the scoring server;
editing this copy changes nothing except your own understanding.
"""

import jax, jax.numpy as jnp
import numpy as np

N = 10000
E = 160000
D = 256
L = 3

def setup_inputs(seed: int = 0) -> dict:
    key = jax.random.key(seed)
    inp = {}
    k1, k2, key = jax.random.split(key, 3)
    inp["x"] = jax.random.normal(k1, (N, D), dtype=jnp.float32)
    inp["edge_index"] = jax.random.randint(k2, (2, E), 0, N, dtype=jnp.int32)
    s = 1.0 / np.sqrt(D)
    for l in range(L):
        kw1, kb1, kw2, kb2, key = jax.random.split(key, 5)
        inp[f"W1_{l}"] = jax.random.uniform(kw1, (D, D), jnp.float32, -s, s)
        inp[f"b1_{l}"] = jax.random.uniform(kb1, (D,), jnp.float32, -s, s)
        inp[f"W2_{l}"] = jax.random.uniform(kw2, (D, D), jnp.float32, -s, s)
        inp[f"b2_{l}"] = jax.random.uniform(kb2, (D,), jnp.float32, -s, s)
    return inp

def reference(x, edge_index, W1_0, b1_0, W2_0, b2_0, W1_1, b1_1, W2_1, b2_1, W1_2, b1_2, W2_2, b2_2):
    # GINConv (eps=0): out_i = MLP( (1+eps)*x_i + sum_{j->i} x_j ), stacked L times
    src = edge_index[0]
    dst = edge_index[1]
    params = [(W1_0, b1_0, W2_0, b2_0), (W1_1, b1_1, W2_1, b2_1), (W1_2, b1_2, W2_2, b2_2)]
    for (W1, b1, W2, b2) in params:
        msgs = jnp.take(x, src, axis=0)                      # gather x_j over edges
        agg = x + jax.ops.segment_sum(msgs, dst, num_segments=N)  # (1+eps)*x + sum aggregation, eps=0
        h = jnp.maximum(agg @ W1 + b1, 0.0)                  # Linear + ReLU
        x = h @ W2 + b2                                      # Linear
    return x

if __name__ == "__main__":
    import jax
    _d = setup_inputs()
    print(jax.jit(kernel)(*tuple(_d.values())))

</pallas_src>

<mosaic_0001>
#map = affine_map<(d0, d1) -> (0, 0)>
#map1 = affine_map<(d0, d1) -> (0, 0, 0)>
module attributes {stable_mosaic.version = 14 : i64} {
  func.func @_sc_agg_body(%arg0: i32, %arg1: i32, %arg2: memref<20000x128xf32, #tpu.memory_space<hbm>>, %arg3: memref<32x80x128xi32, #tpu.memory_space<hbm>>, %arg4: memref<32x80x128xi32, #tpu.memory_space<hbm>>, %arg5: memref<20000x128xf32, #tpu.memory_space<hbm>>, %arg6: memref<40x128xi32, #tpu.memory_space<vmem>>, %arg7: memref<40x128xi32, #tpu.memory_space<vmem>>, %arg8: memref<128x128xf32, #tpu.memory_space<vmem>>, %arg9: memref<128x128xf32, #tpu.memory_space<vmem>>, %arg10: memref<10512x128xf32, #tpu.memory_space<vmem_shared>>, %arg11: memref<!tpu.dma_semaphore, #tpu.memory_space<semaphore_mem>>, %arg12: memref<!tpu.dma_semaphore, #tpu.memory_space<semaphore_mem>>, %arg13: memref<!tpu.dma_semaphore, #tpu.memory_space<semaphore_mem>>, %arg14: memref<!tpu.dma_semaphore, #tpu.memory_space<semaphore_mem>>) attributes {dimension_semantics = [#tpu.dimension_semantics<core_parallel>, #tpu.dimension_semantics<subcore_parallel>], iteration_bounds = array<i64: 2, 16>, scalar_prefetch = 0 : i64, scratch_operands = 9 : i64, tpu.core_type = #tpu.core_type<sc_vector_subcore>, window_params = [{transform_indices = #map}, {transform_indices = #map1}, {transform_indices = #map1}, {transform_indices = #map}]} {
    %mul3A = arith.constant 16 : i32
    %mul3A_0 = arith.muli %arg0, %mul3A : i32
    %add3A = arith.addi %mul3A_0, %arg1 : i32
    %mul3A_1 = arith.constant 624 : i32
    %mul3A_2 = arith.muli %arg1, %mul3A_1 : i32
    %mul3A_3 = arith.constant 10000 : i32
    %mul3A_4 = arith.muli %arg0, %mul3A_3 : i32
    %add3A_5 = arith.addi %mul3A_4, %mul3A_2 : i32
    "tpu.region"() ({
      %run_scoped3A = tpu.sem_alloc : memref<!tpu.dma_semaphore, #tpu.memory_space<semaphore_mem>>
      %dma_start3A_54 = arith.constant 0 : i32
      %dma_start3A_55 = tpu.memref_slice %arg10[%mul3A_2, %dma_start3A_54] : memref<10512x128xf32, #tpu.memory_space<vmem_shared>> -> memref<624x128xf32, #tpu.memory_space<vmem_shared>>
      %dma_start3A_56 = arith.constant 0 : i32
      %dma_start3A_57 = tpu.memref_slice %arg2[%add3A_5, %dma_start3A_56] : memref<20000x128xf32, #tpu.memory_space<hbm>> -> memref<624x128xf32, #tpu.memory_space<hbm>>
      tpu.enqueue_dma source(%dma_start3A_57 : memref<624x128xf32, #tpu.memory_space<hbm>>) target(%dma_start3A_55 : memref<624x128xf32, #tpu.memory_space<vmem_shared>>) target_semaphore(%run_scoped3A : memref<!tpu.dma_semaphore, #tpu.memory_space<semaphore_mem>>)
      %dma_wait3A_58 = arith.constant 0 : i32
      %dma_wait3A_59 = tpu.memref_slice %arg10[%mul3A_2, %dma_wait3A_58] : memref<10512x128xf32, #tpu.memory_space<vmem_shared>> -> memref<624x128xf32, #tpu.memory_space<vmem_shared>>
      %dma_wait3A_60 = arith.constant 0 : i32
      %dma_wait3A_61 = tpu.memref_slice %arg2[%add3A_5, %dma_wait3A_60] : memref<20000x128xf32, #tpu.memory_space<hbm>> -> memref<624x128xf32, #tpu.memory_space<hbm>>
      tpu.wait_dma2 semaphore(%run_scoped3A : memref<!tpu.dma_semaphore, #tpu.memory_space<semaphore_mem>>) src(%dma_wait3A_61 : memref<624x128xf32, #tpu.memory_space<hbm>>) dst(%dma_wait3A_59 : memref<624x128xf32, #tpu.memory_space<vmem_shared>>)
      tpu.yield
    }) : () -> ()
    %eq3A = arith.constant 0 : i32
    %eq3A_6 = arith.cmpi eq, %arg1, %eq3A : i32
    %convert_element_type3A = arith.extui %eq3A_6 : i1 to i32
    %cond3A = arith.constant 0 : i32
    %cond3A_7 = arith.cmpi ne, %convert_element_type3A, %cond3A : i32
    scf.if %cond3A_7 {
      %mul3A_54 = arith.constant 10000 : i32
      %mul3A_55 = arith.muli %arg0, %mul3A_54 : i32
      %add3A_56 = arith.constant 9984 : i32
      %add3A_57 = arith.addi %mul3A_55, %add3A_56 : i32
      "tpu.region"() ({
        %run_scoped3A = tpu.sem_alloc : memref<!tpu.dma_semaphore, #tpu.memory_space<semaphore_mem>>
        %dma_start3A_58 = arith.constant 9984 : i32
        %dma_start3A_59 = arith.constant 0 : i32
        %dma_start3A_60 = tpu.memref_slice %arg10[%dma_start3A_58, %dma_start3A_59] : memref<10512x128xf32, #tpu.memory_space<vmem_shared>> -> memref<16x128xf32, #tpu.memory_space<vmem_shared>>
        %dma_start3A_61 = arith.constant 0 : i32
        %dma_start3A_62 = tpu.memref_slice %arg2[%add3A_57, %dma_start3A_61] : memref<20000x128xf32, #tpu.memory_space<hbm>> -> memref<16x128xf32, #tpu.memory_space<hbm>>
        tpu.enqueue_dma source(%dma_start3A_62 : memref<16x128xf32, #tpu.memory_space<hbm>>) target(%dma_start3A_60 : memref<16x128xf32, #tpu.memory_space<vmem_shared>>) target_semaphore(%run_scoped3A : memref<!tpu.dma_semaphore, #tpu.memory_space<semaphore_mem>>)
        %dma_wait3A_63 = arith.constant 9984 : i32
        %dma_wait3A_64 = arith.constant 0 : i32
        %dma_wait3A_65 = tpu.memref_slice %arg10[%dma_wait3A_63, %dma_wait3A_64] : memref<10512x128xf32, #tpu.memory_space<vmem_shared>> -> memref<16x128xf32, #tpu.memory_space<vmem_shared>>
        %dma_wait3A_66 = arith.constant 0 : i32
        %dma_wait3A_67 = tpu.memref_slice %arg2[%add3A_57, %dma_wait3A_66] : memref<20000x128xf32, #tpu.memory_space<hbm>> -> memref<16x128xf32, #tpu.memory_space<hbm>>
        tpu.wait_dma2 semaphore(%run_scoped3A : memref<!tpu.dma_semaphore, #tpu.memory_space<semaphore_mem>>) src(%dma_wait3A_67 : memref<16x128xf32, #tpu.memory_space<hbm>>) dst(%dma_wait3A_65 : memref<16x128xf32, #tpu.memory_space<vmem_shared>>)
        tpu.yield
      }) : () -> ()
    } else {
    }
    %barrier3A = arith.constant 0 : index
    tpu.barrier barrier_id(%barrier3A)
    "tpu.region"() ({
      %run_scoped3A = tpu.sem_alloc : memref<!tpu.dma_semaphore, #tpu.memory_space<semaphore_mem>>
      %dma_start3A_54 = arith.constant 0 : i32
      %dma_start3A_55 = arith.constant 0 : i32
      %dma_start3A_56 = tpu.memref_slice %arg3[%add3A, %dma_start3A_54, %dma_start3A_55] : memref<32x80x128xi32, #tpu.memory_space<hbm>> -> memref<1x40x128xi32, #tpu.memory_space<hbm>>
      %dma_start3A_57 = tpu.memref_squeeze %dma_start3A_56 : memref<1x40x128xi32, #tpu.memory_space<hbm>> -> memref<40x128xi32, #tpu.memory_space<hbm>>
      %dma_start3A_58 = arith.constant 0 : i32
      %dma_start3A_59 = arith.constant 0 : i32
      %dma_start3A_60 = tpu.memref_slice %arg3[%add3A, %dma_start3A_58, %dma_start3A_59] : memref<32x80x128xi32, #tpu.memory_space<hbm>> -> memref<1x40x128xi32, #tpu.memory_space<hbm>>
      %dma_start3A_61 = tpu.memref_squeeze %dma_start3A_60 : memref<1x40x128xi32, #tpu.memory_space<hbm>> -> memref<40x128xi32, #tpu.memory_space<hbm>>
      tpu.enqueue_dma source(%dma_start3A_61 : memref<40x128xi32, #tpu.memory_space<hbm>>) target(%arg6 : memref<40x128xi32, #tpu.memory_space<vmem>>) target_semaphore(%run_scoped3A : memref<!tpu.dma_semaphore, #tpu.memory_space<semaphore_mem>>)
      %dma_wait3A_62 = arith.constant 0 : i32
      %dma_wait3A_63 = arith.constant 0 : i32
      %dma_wait3A_64 = tpu.memref_slice %arg3[%add3A, %dma_wait3A_62, %dma_wait3A_63] : memref<32x80x128xi32, #tpu.memory_space<hbm>> -> memref<1x40x128xi32, #tpu.memory_space<hbm>>
      %dma_wait3A_65 = tpu.memref_squeeze %dma_wait3A_64 : memref<1x40x128xi32, #tpu.memory_space<hbm>> -> memref<40x128xi32, #tpu.memory_space<hbm>>
      %dma_wait3A_66 = arith.constant 0 : i32
      %dma_wait3A_67 = arith.constant 0 : i32
      %dma_wait3A_68 = tpu.memref_slice %arg3[%add3A, %dma_wait3A_66, %dma_wait3A_67] : memref<32x80x128xi32, #tpu.memory_space<hbm>> -> memref<1x40x128xi32, #tpu.memory_space<hbm>>
      %dma_wait3A_69 = tpu.memref_squeeze %dma_wait3A_68 : memref<1x40x128xi32, #tpu.memory_space<hbm>> -> memref<40x128xi32, #tpu.memory_space<hbm>>
      tpu.wait_dma2 semaphore(%run_scoped3A : memref<!tpu.dma_semaphore, #tpu.memory_space<semaphore_mem>>) src(%dma_wait3A_69 : memref<40x128xi32, #tpu.memory_space<hbm>>) dst(%arg6 : memref<40x128xi32, #tpu.memory_space<vmem>>)
      tpu.yield
    }) : () -> ()
    "tpu.region"() ({
      %run_scoped3A = tpu.sem_alloc : memref<!tpu.dma_semaphore, #tpu.memory_space<semaphore_mem>>
      %dma_start3A_54 = arith.constant 0 : i32
      %dma_start3A_55 = arith.constant 0 : i32
      %dma_start3A_56 = tpu.memref_slice %arg4[%add3A, %dma_start3A_54, %dma_start3A_55] : memref<32x80x128xi32, #tpu.memory_space<hbm>> -> memref<1x40x128xi32, #tpu.memory_space<hbm>>
      %dma_start3A_57 = tpu.memref_squeeze %dma_start3A_56 : memref<1x40x128xi32, #tpu.memory_space<hbm>> -> memref<40x128xi32, #tpu.memory_space<hbm>>
      %dma_start3A_58 = arith.constant 0 : i32
      %dma_start3A_59 = arith.constant 0 : i32
      %dma_start3A_60 = tpu.memref_slice %arg4[%add3A, %dma_start3A_58, %dma_start3A_59] : memref<32x80x128xi32, #tpu.memory_space<hbm>> -> memref<1x40x128xi32, #tpu.memory_space<hbm>>
      %dma_start3A_61 = tpu.memref_squeeze %dma_start3A_60 : memref<1x40x128xi32, #tpu.memory_space<hbm>> -> memref<40x128xi32, #tpu.memory_space<hbm>>
      tpu.enqueue_dma source(%dma_start3A_61 : memref<40x128xi32, #tpu.memory_space<hbm>>) target(%arg7 : memref<40x128xi32, #tpu.memory_space<vmem>>) target_semaphore(%run_scoped3A : memref<!tpu.dma_semaphore, #tpu.memory_space<semaphore_mem>>)
      %dma_wait3A_62 = arith.constant 0 : i32
      %dma_wait3A_63 = arith.constant 0 : i32
      %dma_wait3A_64 = tpu.memref_slice %arg4[%add3A, %dma_wait3A_62, %dma_wait3A_63] : memref<32x80x128xi32, #tpu.memory_space<hbm>> -> memref<1x40x128xi32, #tpu.memory_space<hbm>>
      %dma_wait3A_65 = tpu.memref_squeeze %dma_wait3A_64 : memref<1x40x128xi32, #tpu.memory_space<hbm>> -> memref<40x128xi32, #tpu.memory_space<hbm>>
      %dma_wait3A_66 = arith.constant 0 : i32
      %dma_wait3A_67 = arith.constant 0 : i32
      %dma_wait3A_68 = tpu.memref_slice %arg4[%add3A, %dma_wait3A_66, %dma_wait3A_67] : memref<32x80x128xi32, #tpu.memory_space<hbm>> -> memref<1x40x128xi32, #tpu.memory_space<hbm>>
      %dma_wait3A_69 = tpu.memref_squeeze %dma_wait3A_68 : memref<1x40x128xi32, #tpu.memory_space<hbm>> -> memref<40x128xi32, #tpu.memory_space<hbm>>
      tpu.wait_dma2 semaphore(%run_scoped3A : memref<!tpu.dma_semaphore, #tpu.memory_space<semaphore_mem>>) src(%dma_wait3A_69 : memref<40x128xi32, #tpu.memory_space<hbm>>) dst(%arg7 : memref<40x128xi32, #tpu.memory_space<vmem>>)
      tpu.yield
    }) : () -> ()
    %dma_start3A = arith.constant 0 : i32
    %dma_start3A_8 = arith.constant 0 : i32
    %dma_start3A_9 = tpu.memref_slice %arg6[%dma_start3A, %dma_start3A_8] : memref<40x128xi32, #tpu.memory_space<vmem>> -> memref<1x128xi32, #tpu.memory_space<vmem>>
    %dma_start3A_10 = tpu.memref_squeeze %dma_start3A_9 : memref<1x128xi32, #tpu.memory_space<vmem>> -> memref<128xi32, #tpu.memory_space<vmem>>
    %dma_start3A_11 = arith.constant 0 : i32
    %dma_start3A_12 = arith.constant 0 : i32
    %dma_start3A_13 = tpu.memref_slice %arg2[%dma_start3A_11, %dma_start3A_12] : memref<20000x128xf32, #tpu.memory_space<hbm>> -> memref<20000x128xf32, #tpu.memory_space<hbm>>
    tpu.enqueue_indirect_dma source(%dma_start3A_13 : memref<20000x128xf32, #tpu.memory_space<hbm>>) target(%arg8 : memref<128x128xf32, #tpu.memory_space<vmem>>) offsets(%dma_start3A_10 : memref<128xi32, #tpu.memory_space<vmem>>) semaphore(%arg11 : memref<!tpu.dma_semaphore, #tpu.memory_space<semaphore_mem>>)
    %scan3A = arith.constant 0 : i32
    %scan3A_14 = arith.constant 0 : i32
    %scan3A_15 = arith.constant 20 : i32
    %scan3A_16 = arith.addi %scan3A_14, %scan3A_15 : i32
    %scan3A_17 = arith.constant 1 : i32
    scf.for %scan3A_54 = %scan3A_14 to %scan3A_16 step %scan3A_17  : i32 {
      %mul3A_55 = arith.constant 2 : i32
      %mul3A_56 = arith.muli %scan3A_54, %mul3A_55 : i32
      %add3A_57 = arith.constant 0 : i32
      %add3A_58 = arith.addi %mul3A_56, %add3A_57 : i32
      %dma_wait3A_59 = arith.constant 0 : i32
      %dma_wait3A_60 = tpu.memref_slice %arg6[%add3A_58, %dma_wait3A_59] : memref<40x128xi32, #tpu.memory_space<vmem>> -> memref<1x128xi32, #tpu.memory_space<vmem>>
      %dma_wait3A_61 = tpu.memref_squeeze %dma_wait3A_60 : memref<1x128xi32, #tpu.memory_space<vmem>> -> memref<128xi32, #tpu.memory_space<vmem>>
      %dma_wait3A_62 = arith.constant 0 : i32
      %dma_wait3A_63 = arith.constant 0 : i32
      %dma_wait3A_64 = tpu.memref_slice %arg2[%dma_wait3A_62, %dma_wait3A_63] : memref<20000x128xf32, #tpu.memory_space<hbm>> -> memref<20000x128xf32, #tpu.memory_space<hbm>>
      tpu.wait_indirect_dma semaphore(%arg11 : memref<!tpu.dma_semaphore, #tpu.memory_space<semaphore_mem>>) src(%dma_wait3A_64 : memref<20000x128xf32, #tpu.memory_space<hbm>>) dst(%arg8 : memref<128x128xf32, #tpu.memory_space<vmem>>)
      %dma_start3A_65 = arith.constant 0 : i32
      %dma_start3A_66 = tpu.memref_slice %arg7[%add3A_58, %dma_start3A_65] : memref<40x128xi32, #tpu.memory_space<vmem>> -> memref<1x128xi32, #tpu.memory_space<vmem>>
      %dma_start3A_67 = tpu.memref_squeeze %dma_start3A_66 : memref<1x128xi32, #tpu.memory_space<vmem>> -> memref<128xi32, #tpu.memory_space<vmem>>
      %dma_start3A_68 = arith.constant 0 : i32
      %dma_start3A_69 = arith.constant 0 : i32
      %dma_start3A_70 = tpu.memref_slice %arg10[%dma_start3A_68, %dma_start3A_69] : memref<10512x128xf32, #tpu.memory_space<vmem_shared>> -> memref<10512x128xf32, #tpu.memory_space<vmem_shared>>
      tpu.enqueue_indirect_dma source(%arg8 : memref<128x128xf32, #tpu.memory_space<vmem>>) target(%dma_start3A_70 : memref<10512x128xf32, #tpu.memory_space<vmem_shared>>) offsets(%dma_start3A_67 : memref<128xi32, #tpu.memory_space<vmem>>) semaphore(%arg13 : memref<!tpu.dma_semaphore, #tpu.memory_space<semaphore_mem>>) {add = true}
      %ge3A = arith.constant 1 : i32
      %ge3A_71 = arith.cmpi sge, %add3A_58, %ge3A : i32
      %convert_element_type3A_72 = arith.extui %ge3A_71 : i1 to i32
      %cond3A_73 = arith.constant 0 : i32
      %cond3A_74 = arith.cmpi ne, %convert_element_type3A_72, %cond3A_73 : i32
      scf.if %cond3A_74 {
        %sub3A = arith.constant 1 : i32
        %sub3A_109 = arith.subi %add3A_58, %sub3A : i32
        %dma_wait3A_110 = arith.constant 0 : i32
        %dma_wait3A_111 = tpu.memref_slice %arg7[%sub3A_109, %dma_wait3A_110] : memref<40x128xi32, #tpu.memory_space<vmem>> -> memref<1x128xi32, #tpu.memory_space<vmem>>
        %dma_wait3A_112 = tpu.memref_squeeze %dma_wait3A_111 : memref<1x128xi32, #tpu.memory_space<vmem>> -> memref<128xi32, #tpu.memory_space<vmem>>
        %dma_wait3A_113 = arith.constant 0 : i32
        %dma_wait3A_114 = arith.constant 0 : i32
        %dma_wait3A_115 = tpu.memref_slice %arg10[%dma_wait3A_113, %dma_wait3A_114] : memref<10512x128xf32, #tpu.memory_space<vmem_shared>> -> memref<10512x128xf32, #tpu.memory_space<vmem_shared>>
        tpu.wait_indirect_dma semaphore(%arg14 : memref<!tpu.dma_semaphore, #tpu.memory_space<semaphore_mem>>) src(%arg9 : memref<128x128xf32, #tpu.memory_space<vmem>>) dst(%dma_wait3A_115 : memref<10512x128xf32, #tpu.memory_space<vmem_shared>>)
      } else {
      }
      %add3A_75 = arith.constant 1 : i32
      %add3A_76 = arith.addi %add3A_58, %add3A_75 : i32
      %lt3A = arith.constant 40 : i32
      %lt3A_77 = arith.cmpi slt, %add3A_76, %lt3A : i32
      %convert_element_type3A_78 = arith.extui %lt3A_77 : i1 to i32
      %cond3A_79 = arith.constant 0 : i32
      %cond3A_80 = arith.cmpi ne, %convert_element_type3A_78, %cond3A_79 : i32
      scf.if %cond3A_80 {
        %add3A_109 = arith.constant 1 : i32
        %add3A_110 = arith.addi %add3A_58, %add3A_109 : i32
        %dma_start3A_111 = arith.constant 0 : i32
        %dma_start3A_112 = tpu.memref_slice %arg6[%add3A_110, %dma_start3A_111] : memref<40x128xi32, #tpu.memory_space<vmem>> -> memref<1x128xi32, #tpu.memory_space<vmem>>
        %dma_start3A_113 = tpu.memref_squeeze %dma_start3A_112 : memref<1x128xi32, #tpu.memory_space<vmem>> -> memref<128xi32, #tpu.memory_space<vmem>>
        %dma_start3A_114 = arith.constant 0 : i32
        %dma_start3A_115 = arith.constant 0 : i32
        %dma_start3A_116 = tpu.memref_slice %arg2[%dma_start3A_114, %dma_start3A_115] : memref<20000x128xf32, #tpu.memory_space<hbm>> -> memref<20000x128xf32, #tpu.memory_space<hbm>>
        tpu.enqueue_indirect_dma source(%dma_start3A_116 : memref<20000x128xf32, #tpu.memory_space<hbm>>) target(%arg9 : memref<128x128xf32, #tpu.memory_space<vmem>>) offsets(%dma_start3A_113 : memref<128xi32, #tpu.memory_space<vmem>>) semaphore(%arg12 : memref<!tpu.dma_semaphore, #tpu.memory_space<semaphore_mem>>)
      } else {
      }
      %mul3A_81 = arith.constant 2 : i32
      %mul3A_82 = arith.muli %scan3A_54, %mul3A_81 : i32
      %add3A_83 = arith.constant 1 : i32
      %add3A_84 = arith.addi %mul3A_82, %add3A_83 : i32
      %dma_wait3A_85 = arith.constant 0 : i32
      %dma_wait3A_86 = tpu.memref_slice %arg6[%add3A_84, %dma_wait3A_85] : memref<40x128xi32, #tpu.memory_space<vmem>> -> memref<1x128xi32, #tpu.memory_space<vmem>>
      %dma_wait3A_87 = tpu.memref_squeeze %dma_wait3A_86 : memref<1x128xi32, #tpu.memory_space<vmem>> -> memref<128xi32, #tpu.memory_space<vmem>>
      %dma_wait3A_88 = arith.constant 0 : i32
      %dma_wait3A_89 = arith.constant 0 : i32
      %dma_wait3A_90 = tpu.memref_slice %arg2[%dma_wait3A_88, %dma_wait3A_89] : memref<20000x128xf32, #tpu.memory_space<hbm>> -> memref<20000x128xf32, #tpu.memory_space<hbm>>
      tpu.wait_indirect_dma semaphore(%arg12 : memref<!tpu.dma_semaphore, #tpu.memory_space<semaphore_mem>>) src(%dma_wait3A_90 : memref<20000x128xf32, #tpu.memory_space<hbm>>) dst(%arg9 : memref<128x128xf32, #tpu.memory_space<vmem>>)
      %dma_start3A_91 = arith.constant 0 : i32
      %dma_start3A_92 = tpu.memref_slice %arg7[%add3A_84, %dma_start3A_91] : memref<40x128xi32, #tpu.memory_space<vmem>> -> memref<1x128xi32, #tpu.memory_space<vmem>>
      %dma_start3A_93 = tpu.memref_squeeze %dma_start3A_92 : memref<1x128xi32, #tpu.memory_space<vmem>> -> memref<128xi32, #tpu.memory_space<vmem>>
      %dma_start3A_94 = arith.constant 0 : i32
      %dma_start3A_95 = arith.constant 0 : i32
      %dma_start3A_96 = tpu.memref_slice %arg10[%dma_start3A_94, %dma_start3A_95] : memref<10512x128xf32, #tpu.memory_space<vmem_shared>> -> memref<10512x128xf32, #tpu.memory_space<vmem_shared>>
      tpu.enqueue_indirect_dma source(%arg9 : memref<128x128xf32, #tpu.memory_space<vmem>>) target(%dma_start3A_96 : memref<10512x128xf32, #tpu.memory_space<vmem_shared>>) offsets(%dma_start3A_93 : memref<128xi32, #tpu.memory_space<vmem>>) semaphore(%arg14 : memref<!tpu.dma_semaphore, #tpu.memory_space<semaphore_mem>>) {add = true}
      %ge3A_97 = arith.constant 1 : i32
      %ge3A_98 = arith.cmpi sge, %add3A_84, %ge3A_97 : i32
      %convert_element_type3A_99 = arith.extui %ge3A_98 : i1 to i32
      %cond3A_100 = arith.constant 0 : i32
      %cond3A_101 = arith.cmpi ne, %convert_element_type3A_99, %cond3A_100 : i32
      scf.if %cond3A_101 {
        %sub3A = arith.constant 1 : i32
        %sub3A_109 = arith.subi %add3A_84, %sub3A : i32
        %dma_wait3A_110 = arith.constant 0 : i32
        %dma_wait3A_111 = tpu.memref_slice %arg7[%sub3A_109, %dma_wait3A_110] : memref<40x128xi32, #tpu.memory_space<vmem>> -> memref<1x128xi32, #tpu.memory_space<vmem>>
        %dma_wait3A_112 = tpu.memref_squeeze %dma_wait3A_111 : memref<1x128xi32, #tpu.memory_space<vmem>> -> memref<128xi32, #tpu.memory_space<vmem>>
        %dma_wait3A_113 = arith.constant 0 : i32
        %dma_wait3A_114 = arith.constant 0 : i32
        %dma_wait3A_115 = tpu.memref_slice %arg10[%dma_wait3A_113, %dma_wait3A_114] : memref<10512x128xf32, #tpu.memory_space<vmem_shared>> -> memref<10512x128xf32, #tpu.memory_space<vmem_shared>>
        tpu.wait_indirect_dma semaphore(%arg13 : memref<!tpu.dma_semaphore, #tpu.memory_space<semaphore_mem>>) src(%arg8 : memref<128x128xf32, #tpu.memory_space<vmem>>) dst(%dma_wait3A_115 : memref<10512x128xf32, #tpu.memory_space<vmem_shared>>)
      } else {
      }
      %add3A_102 = arith.constant 1 : i32
      %add3A_103 = arith.addi %add3A_84, %add3A_102 : i32
      %lt3A_104 = arith.constant 40 : i32
      %lt3A_105 = arith.cmpi slt, %add3A_103, %lt3A_104 : i32
      %convert_element_type3A_106 = arith.extui %lt3A_105 : i1 to i32
      %cond3A_107 = arith.constant 0 : i32
      %cond3A_108 = arith.cmpi ne, %convert_element_type3A_106, %cond3A_107 : i32
      scf.if %cond3A_108 {
        %add3A_109 = arith.constant 1 : i32
        %add3A_110 = arith.addi %add3A_84, %add3A_109 : i32
        %dma_start3A_111 = arith.constant 0 : i32
        %dma_start3A_112 = tpu.memref_slice %arg6[%add3A_110, %dma_start3A_111] : memref<40x128xi32, #tpu.memory_space<vmem>> -> memref<1x128xi32, #tpu.memory_space<vmem>>
        %dma_start3A_113 = tpu.memref_squeeze %dma_start3A_112 : memref<1x128xi32, #tpu.memory_space<vmem>> -> memref<128xi32, #tpu.memory_space<vmem>>
        %dma_start3A_114 = arith.constant 0 : i32
        %dma_start3A_115 = arith.constant 0 : i32
        %dma_start3A_116 = tpu.memref_slice %arg2[%dma_start3A_114, %dma_start3A_115] : memref<20000x128xf32, #tpu.memory_space<hbm>> -> memref<20000x128xf32, #tpu.memory_space<hbm>>
        tpu.enqueue_indirect_dma source(%dma_start3A_116 : memref<20000x128xf32, #tpu.memory_space<hbm>>) target(%arg8 : memref<128x128xf32, #tpu.memory_space<vmem>>) offsets(%dma_start3A_113 : memref<128xi32, #tpu.memory_space<vmem>>) semaphore(%arg11 : memref<!tpu.dma_semaphore, #tpu.memory_space<semaphore_mem>>)
      } else {
      }
    }
    %scan3A_18 = arith.constant 20 : i32
    %dma_wait3A = arith.constant 39 : i32
    %dma_wait3A_19 = arith.constant 0 : i32
    %dma_wait3A_20 = tpu.memref_slice %arg7[%dma_wait3A, %dma_wait3A_19] : memref<40x128xi32, #tpu.memory_space<vmem>> -> memref<1x128xi32, #tpu.memory_space<vmem>>
    %dma_wait3A_21 = tpu.memref_squeeze %dma_wait3A_20 : memref<1x128xi32, #tpu.memory_space<vmem>> -> memref<128xi32, #tpu.memory_space<vmem>>
    %dma_wait3A_22 = arith.constant 0 : i32
    %dma_wait3A_23 = arith.constant 0 : i32
    %dma_wait3A_24 = tpu.memref_slice %arg10[%dma_wait3A_22, %dma_wait3A_23] : memref<10512x128xf32, #tpu.memory_space<vmem_shared>> -> memref<10512x128xf32, #tpu.memory_space<vmem_shared>>
    tpu.wait_indirect_dma semaphore(%arg14 : memref<!tpu.dma_semaphore, #tpu.memory_space<semaphore_mem>>) src(%arg9 : memref<128x128xf32, #tpu.memory_space<vmem>>) dst(%dma_wait3A_24 : memref<10512x128xf32, #tpu.memory_space<vmem_shared>>)
    "tpu.region"() ({
      %run_scoped3A = tpu.sem_alloc : memref<!tpu.dma_semaphore, #tpu.memory_space<semaphore_mem>>
      %dma_start3A_54 = arith.constant 40 : i32
      %dma_start3A_55 = arith.constant 0 : i32
      %dma_start3A_56 = tpu.memref_slice %arg3[%add3A, %dma_start3A_54, %dma_start3A_55] : memref<32x80x128xi32, #tpu.memory_space<hbm>> -> memref<1x40x128xi32, #tpu.memory_space<hbm>>
      %dma_start3A_57 = tpu.memref_squeeze %dma_start3A_56 : memref<1x40x128xi32, #tpu.memory_space<hbm>> -> memref<40x128xi32, #tpu.memory_space<hbm>>
      %dma_start3A_58 = arith.constant 40 : i32
      %dma_start3A_59 = arith.constant 0 : i32
      %dma_start3A_60 = tpu.memref_slice %arg3[%add3A, %dma_start3A_58, %dma_start3A_59] : memref<32x80x128xi32, #tpu.memory_space<hbm>> -> memref<1x40x128xi32, #tpu.memory_space<hbm>>
      %dma_start3A_61 = tpu.memref_squeeze %dma_start3A_60 : memref<1x40x128xi32, #tpu.memory_space<hbm>> -> memref<40x128xi32, #tpu.memory_space<hbm>>
      tpu.enqueue_dma source(%dma_start3A_61 : memref<40x128xi32, #tpu.memory_space<hbm>>) target(%arg6 : memref<40x128xi32, #tpu.memory_space<vmem>>) target_semaphore(%run_scoped3A : memref<!tpu.dma_semaphore, #tpu.memory_space<semaphore_mem>>)
      %dma_wait3A_62 = arith.constant 40 : i32
      %dma_wait3A_63 = arith.constant 0 : i32
      %dma_wait3A_64 = tpu.memref_slice %arg3[%add3A, %dma_wait3A_62, %dma_wait3A_63] : memref<32x80x128xi32, #tpu.memory_space<hbm>> -> memref<1x40x128xi32, #tpu.memory_space<hbm>>
      %dma_wait3A_65 = tpu.memref_squeeze %dma_wait3A_64 : memref<1x40x128xi32, #tpu.memory_space<hbm>> -> memref<40x128xi32, #tpu.memory_space<hbm>>
      %dma_wait3A_66 = arith.constant 40 : i32
      %dma_wait3A_67 = arith.constant 0 : i32
      %dma_wait3A_68 = tpu.memref_slice %arg3[%add3A, %dma_wait3A_66, %dma_wait3A_67] : memref<32x80x128xi32, #tpu.memory_space<hbm>> -> memref<1x40x128xi32, #tpu.memory_space<hbm>>
      %dma_wait3A_69 = tpu.memref_squeeze %dma_wait3A_68 : memref<1x40x128xi32, #tpu.memory_space<hbm>> -> memref<40x128xi32, #tpu.memory_space<hbm>>
      tpu.wait_dma2 semaphore(%run_scoped3A : memref<!tpu.dma_semaphore, #tpu.memory_space<semaphore_mem>>) src(%dma_wait3A_69 : memref<40x128xi32, #tpu.memory_space<hbm>>) dst(%arg6 : memref<40x128xi32, #tpu.memory_space<vmem>>)
      tpu.yield
    }) : () -> ()
    "tpu.region"() ({
      %run_scoped3A = tpu.sem_alloc : memref<!tpu.dma_semaphore, #tpu.memory_space<semaphore_mem>>
      %dma_start3A_54 = arith.constant 40 : i32
      %dma_start3A_55 = arith.constant 0 : i32
      %dma_start3A_56 = tpu.memref_slice %arg4[%add3A, %dma_start3A_54, %dma_start3A_55] : memref<32x80x128xi32, #tpu.memory_space<hbm>> -> memref<1x40x128xi32, #tpu.memory_space<hbm>>
      %dma_start3A_57 = tpu.memref_squeeze %dma_start3A_56 : memref<1x40x128xi32, #tpu.memory_space<hbm>> -> memref<40x128xi32, #tpu.memory_space<hbm>>
      %dma_start3A_58 = arith.constant 40 : i32
      %dma_start3A_59 = arith.constant 0 : i32
      %dma_start3A_60 = tpu.memref_slice %arg4[%add3A, %dma_start3A_58, %dma_start3A_59] : memref<32x80x128xi32, #tpu.memory_space<hbm>> -> memref<1x40x128xi32, #tpu.memory_space<hbm>>
      %dma_start3A_61 = tpu.memref_squeeze %dma_start3A_60 : memref<1x40x128xi32, #tpu.memory_space<hbm>> -> memref<40x128xi32, #tpu.memory_space<hbm>>
      tpu.enqueue_dma source(%dma_start3A_61 : memref<40x128xi32, #tpu.memory_space<hbm>>) target(%arg7 : memref<40x128xi32, #tpu.memory_space<vmem>>) target_semaphore(%run_scoped3A : memref<!tpu.dma_semaphore, #tpu.memory_space<semaphore_mem>>)
      %dma_wait3A_62 = arith.constant 40 : i32
      %dma_wait3A_63 = arith.constant 0 : i32
      %dma_wait3A_64 = tpu.memref_slice %arg4[%add3A, %dma_wait3A_62, %dma_wait3A_63] : memref<32x80x128xi32, #tpu.memory_space<hbm>> -> memref<1x40x128xi32, #tpu.memory_space<hbm>>
      %dma_wait3A_65 = tpu.memref_squeeze %dma_wait3A_64 : memref<1x40x128xi32, #tpu.memory_space<hbm>> -> memref<40x128xi32, #tpu.memory_space<hbm>>
      %dma_wait3A_66 = arith.constant 40 : i32
      %dma_wait3A_67 = arith.constant 0 : i32
      %dma_wait3A_68 = tpu.memref_slice %arg4[%add3A, %dma_wait3A_66, %dma_wait3A_67] : memref<32x80x128xi32, #tpu.memory_space<hbm>> -> memref<1x40x128xi32, #tpu.memory_space<hbm>>
      %dma_wait3A_69 = tpu.memref_squeeze %dma_wait3A_68 : memref<1x40x128xi32, #tpu.memory_space<hbm>> -> memref<40x128xi32, #tpu.memory_space<hbm>>
      tpu.wait_dma2 semaphore(%run_scoped3A : memref<!tpu.dma_semaphore, #tpu.memory_space<semaphore_mem>>) src(%dma_wait3A_69 : memref<40x128xi32, #tpu.memory_space<hbm>>) dst(%arg7 : memref<40x128xi32, #tpu.memory_space<vmem>>)
      tpu.yield
    }) : () -> ()
    %dma_start3A_25 = arith.constant 0 : i32
    %dma_start3A_26 = arith.constant 0 : i32
    %dma_start3A_27 = tpu.memref_slice %arg6[%dma_start3A_25, %dma_start3A_26] : memref<40x128xi32, #tpu.memory_space<vmem>> -> memref<1x128xi32, #tpu.memory_space<vmem>>
    %dma_start3A_28 = tpu.memref_squeeze %dma_start3A_27 : memref<1x128xi32, #tpu.memory_space<vmem>> -> memref<128xi32, #tpu.memory_space<vmem>>
    %dma_start3A_29 = arith.constant 0 : i32
    %dma_start3A_30 = arith.constant 0 : i32
    %dma_start3A_31 = tpu.memref_slice %arg2[%dma_start3A_29, %dma_start3A_30] : memref<20000x128xf32, #tpu.memory_space<hbm>> -> memref<20000x128xf32, #tpu.memory_space<hbm>>
    tpu.enqueue_indirect_dma source(%dma_start3A_31 : memref<20000x128xf32, #tpu.memory_space<hbm>>) target(%arg8 : memref<128x128xf32, #tpu.memory_space<vmem>>) offsets(%dma_start3A_28 : memref<128xi32, #tpu.memory_space<vmem>>) semaphore(%arg11 : memref<!tpu.dma_semaphore, #tpu.memory_space<semaphore_mem>>)
    %scan3A_32 = arith.constant 0 : i32
    %scan3A_33 = arith.constant 0 : i32
    %scan3A_34 = arith.constant 20 : i32
    %scan3A_35 = arith.addi %scan3A_33, %scan3A_34 : i32
    %scan3A_36 = arith.constant 1 : i32
    scf.for %scan3A_54 = %scan3A_33 to %scan3A_35 step %scan3A_36  : i32 {
      %mul3A_55 = arith.constant 2 : i32
      %mul3A_56 = arith.muli %scan3A_54, %mul3A_55 : i32
      %add3A_57 = arith.constant 0 : i32
      %add3A_58 = arith.addi %mul3A_56, %add3A_57 : i32
      %dma_wait3A_59 = arith.constant 0 : i32
      %dma_wait3A_60 = tpu.memref_slice %arg6[%add3A_58, %dma_wait3A_59] : memref<40x128xi32, #tpu.memory_space<vmem>> -> memref<1x128xi32, #tpu.memory_space<vmem>>
      %dma_wait3A_61 = tpu.memref_squeeze %dma_wait3A_60 : memref<1x128xi32, #tpu.memory_space<vmem>> -> memref<128xi32, #tpu.memory_space<vmem>>
      %dma_wait3A_62 = arith.constant 0 : i32
      %dma_wait3A_63 = arith.constant 0 : i32
      %dma_wait3A_64 = tpu.memref_slice %arg2[%dma_wait3A_62, %dma_wait3A_63] : memref<20000x128xf32, #tpu.memory_space<hbm>> -> memref<20000x128xf32, #tpu.memory_space<hbm>>
      tpu.wait_indirect_dma semaphore(%arg11 : memref<!tpu.dma_semaphore, #tpu.memory_space<semaphore_mem>>) src(%dma_wait3A_64 : memref<20000x128xf32, #tpu.memory_space<hbm>>) dst(%arg8 : memref<128x128xf32, #tpu.memory_space<vmem>>)
      %dma_start3A_65 = arith.constant 0 : i32
      %dma_start3A_66 = tpu.memref_slice %arg7[%add3A_58, %dma_start3A_65] : memref<40x128xi32, #tpu.memory_space<vmem>> -> memref<1x128xi32, #tpu.memory_space<vmem>>
      %dma_start3A_67 = tpu.memref_squeeze %dma_start3A_66 : memref<1x128xi32, #tpu.memory_space<vmem>> -> memref<128xi32, #tpu.memory_space<vmem>>
      %dma_start3A_68 = arith.constant 0 : i32
      %dma_start3A_69 = arith.constant 0 : i32
      %dma_start3A_70 = tpu.memref_slice %arg10[%dma_start3A_68, %dma_start3A_69] : memref<10512x128xf32, #tpu.memory_space<vmem_shared>> -> memref<10512x128xf32, #tpu.memory_space<vmem_shared>>
      tpu.enqueue_indirect_dma source(%arg8 : memref<128x128xf32, #tpu.memory_space<vmem>>) target(%dma_start3A_70 : memref<10512x128xf32, #tpu.memory_space<vmem_shared>>) offsets(%dma_start3A_67 : memref<128xi32, #tpu.memory_space<vmem>>) semaphore(%arg13 : memref<!tpu.dma_semaphore, #tpu.memory_space<semaphore_mem>>) {add = true}
      %ge3A = arith.constant 1 : i32
      %ge3A_71 = arith.cmpi sge, %add3A_58, %ge3A : i32
      %convert_element_type3A_72 = arith.extui %ge3A_71 : i1 to i32
      %cond3A_73 = arith.constant 0 : i32
      %cond3A_74 = arith.cmpi ne, %convert_element_type3A_72, %cond3A_73 : i32
      scf.if %cond3A_74 {
        %sub3A = arith.constant 1 : i32
        %sub3A_109 = arith.subi %add3A_58, %sub3A : i32
        %dma_wait3A_110 = arith.constant 0 : i32
        %dma_wait3A_111 = tpu.memref_slice %arg7[%sub3A_109, %dma_wait3A_110] : memref<40x128xi32, #tpu.memory_space<vmem>> -> memref<1x128xi32, #tpu.memory_space<vmem>>
        %dma_wait3A_112 = tpu.memref_squeeze %dma_wait3A_111 : memref<1x128xi32, #tpu.memory_space<vmem>> -> memref<128xi32, #tpu.memory_space<vmem>>
        %dma_wait3A_113 = arith.constant 0 : i32
        %dma_wait3A_114 = arith.constant 0 : i32
        %dma_wait3A_115 = tpu.memref_slice %arg10[%dma_wait3A_113, %dma_wait3A_114] : memref<10512x128xf32, #tpu.memory_space<vmem_shared>> -> memref<10512x128xf32, #tpu.memory_space<vmem_shared>>
        tpu.wait_indirect_dma semaphore(%arg14 : memref<!tpu.dma_semaphore, #tpu.memory_space<semaphore_mem>>) src(%arg9 : memref<128x128xf32, #tpu.memory_space<vmem>>) dst(%dma_wait3A_115 : memref<10512x128xf32, #tpu.memory_space<vmem_shared>>)
      } else {
      }
      %add3A_75 = arith.constant 1 : i32
      %add3A_76 = arith.addi %add3A_58, %add3A_75 : i32
      %lt3A = arith.constant 40 : i32
      %lt3A_77 = arith.cmpi slt, %add3A_76, %lt3A : i32
      %convert_element_type3A_78 = arith.extui %lt3A_77 : i1 to i32
      %cond3A_79 = arith.constant 0 : i32
      %cond3A_80 = arith.cmpi ne, %convert_element_type3A_78, %cond3A_79 : i32
      scf.if %cond3A_80 {
        %add3A_109 = arith.constant 1 : i32
        %add3A_110 = arith.addi %add3A_58, %add3A_109 : i32
        %dma_start3A_111 = arith.constant 0 : i32
        %dma_start3A_112 = tpu.memref_slice %arg6[%add3A_110, %dma_start3A_111] : memref<40x128xi32, #tpu.memory_space<vmem>> -> memref<1x128xi32, #tpu.memory_space<vmem>>
        %dma_start3A_113 = tpu.memref_squeeze %dma_start3A_112 : memref<1x128xi32, #tpu.memory_space<vmem>> -> memref<128xi32, #tpu.memory_space<vmem>>
        %dma_start3A_114 = arith.constant 0 : i32
        %dma_start3A_115 = arith.constant 0 : i32
        %dma_start3A_116 = tpu.memref_slice %arg2[%dma_start3A_114, %dma_start3A_115] : memref<20000x128xf32, #tpu.memory_space<hbm>> -> memref<20000x128xf32, #tpu.memory_space<hbm>>
        tpu.enqueue_indirect_dma source(%dma_start3A_116 : memref<20000x128xf32, #tpu.memory_space<hbm>>) target(%arg9 : memref<128x128xf32, #tpu.memory_space<vmem>>) offsets(%dma_start3A_113 : memref<128xi32, #tpu.memory_space<vmem>>) semaphore(%arg12 : memref<!tpu.dma_semaphore, #tpu.memory_space<semaphore_mem>>)
      } else {
      }
      %mul3A_81 = arith.constant 2 : i32
      %mul3A_82 = arith.muli %scan3A_54, %mul3A_81 : i32
      %add3A_83 = arith.constant 1 : i32
      %add3A_84 = arith.addi %mul3A_82, %add3A_83 : i32
      %dma_wait3A_85 = arith.constant 0 : i32
      %dma_wait3A_86 = tpu.memref_slice %arg6[%add3A_84, %dma_wait3A_85] : memref<40x128xi32, #tpu.memory_space<vmem>> -> memref<1x128xi32, #tpu.memory_space<vmem>>
      %dma_wait3A_87 = tpu.memref_squeeze %dma_wait3A_86 : memref<1x128xi32, #tpu.memory_space<vmem>> -> memref<128xi32, #tpu.memory_space<vmem>>
      %dma_wait3A_88 = arith.constant 0 : i32
      %dma_wait3A_89 = arith.constant 0 : i32
      %dma_wait3A_90 = tpu.memref_slice %arg2[%dma_wait3A_88, %dma_wait3A_89] : memref<20000x128xf32, #tpu.memory_space<hbm>> -> memref<20000x128xf32, #tpu.memory_space<hbm>>
      tpu.wait_indirect_dma semaphore(%arg12 : memref<!tpu.dma_semaphore, #tpu.memory_space<semaphore_mem>>) src(%dma_wait3A_90 : memref<20000x128xf32, #tpu.memory_space<hbm>>) dst(%arg9 : memref<128x128xf32, #tpu.memory_space<vmem>>)
      %dma_start3A_91 = arith.constant 0 : i32
      %dma_start3A_92 = tpu.memref_slice %arg7[%add3A_84, %dma_start3A_91] : memref<40x128xi32, #tpu.memory_space<vmem>> -> memref<1x128xi32, #tpu.memory_space<vmem>>
      %dma_start3A_93 = tpu.memref_squeeze %dma_start3A_92 : memref<1x128xi32, #tpu.memory_space<vmem>> -> memref<128xi32, #tpu.memory_space<vmem>>
      %dma_start3A_94 = arith.constant 0 : i32
      %dma_start3A_95 = arith.constant 0 : i32
      %dma_start3A_96 = tpu.memref_slice %arg10[%dma_start3A_94, %dma_start3A_95] : memref<10512x128xf32, #tpu.memory_space<vmem_shared>> -> memref<10512x128xf32, #tpu.memory_space<vmem_shared>>
      tpu.enqueue_indirect_dma source(%arg9 : memref<128x128xf32, #tpu.memory_space<vmem>>) target(%dma_start3A_96 : memref<10512x128xf32, #tpu.memory_space<vmem_shared>>) offsets(%dma_start3A_93 : memref<128xi32, #tpu.memory_space<vmem>>) semaphore(%arg14 : memref<!tpu.dma_semaphore, #tpu.memory_space<semaphore_mem>>) {add = true}
      %ge3A_97 = arith.constant 1 : i32
      %ge3A_98 = arith.cmpi sge, %add3A_84, %ge3A_97 : i32
      %convert_element_type3A_99 = arith.extui %ge3A_98 : i1 to i32
      %cond3A_100 = arith.constant 0 : i32
      %cond3A_101 = arith.cmpi ne, %convert_element_type3A_99, %cond3A_100 : i32
      scf.if %cond3A_101 {
        %sub3A = arith.constant 1 : i32
        %sub3A_109 = arith.subi %add3A_84, %sub3A : i32
        %dma_wait3A_110 = arith.constant 0 : i32
        %dma_wait3A_111 = tpu.memref_slice %arg7[%sub3A_109, %dma_wait3A_110] : memref<40x128xi32, #tpu.memory_space<vmem>> -> memref<1x128xi32, #tpu.memory_space<vmem>>
        %dma_wait3A_112 = tpu.memref_squeeze %dma_wait3A_111 : memref<1x128xi32, #tpu.memory_space<vmem>> -> memref<128xi32, #tpu.memory_space<vmem>>
        %dma_wait3A_113 = arith.constant 0 : i32
        %dma_wait3A_114 = arith.constant 0 : i32
        %dma_wait3A_115 = tpu.memref_slice %arg10[%dma_wait3A_113, %dma_wait3A_114] : memref<10512x128xf32, #tpu.memory_space<vmem_shared>> -> memref<10512x128xf32, #tpu.memory_space<vmem_shared>>
        tpu.wait_indirect_dma semaphore(%arg13 : memref<!tpu.dma_semaphore, #tpu.memory_space<semaphore_mem>>) src(%arg8 : memref<128x128xf32, #tpu.memory_space<vmem>>) dst(%dma_wait3A_115 : memref<10512x128xf32, #tpu.memory_space<vmem_shared>>)
      } else {
      }
      %add3A_102 = arith.constant 1 : i32
      %add3A_103 = arith.addi %add3A_84, %add3A_102 : i32
      %lt3A_104 = arith.constant 40 : i32
      %lt3A_105 = arith.cmpi slt, %add3A_103, %lt3A_104 : i32
      %convert_element_type3A_106 = arith.extui %lt3A_105 : i1 to i32
      %cond3A_107 = arith.constant 0 : i32
      %cond3A_108 = arith.cmpi ne, %convert_element_type3A_106, %cond3A_107 : i32
      scf.if %cond3A_108 {
        %add3A_109 = arith.constant 1 : i32
        %add3A_110 = arith.addi %add3A_84, %add3A_109 : i32
        %dma_start3A_111 = arith.constant 0 : i32
        %dma_start3A_112 = tpu.memref_slice %arg6[%add3A_110, %dma_start3A_111] : memref<40x128xi32, #tpu.memory_space<vmem>> -> memref<1x128xi32, #tpu.memory_space<vmem>>
        %dma_start3A_113 = tpu.memref_squeeze %dma_start3A_112 : memref<1x128xi32, #tpu.memory_space<vmem>> -> memref<128xi32, #tpu.memory_space<vmem>>
        %dma_start3A_114 = arith.constant 0 : i32
        %dma_start3A_115 = arith.constant 0 : i32
        %dma_start3A_116 = tpu.memref_slice %arg2[%dma_start3A_114, %dma_start3A_115] : memref<20000x128xf32, #tpu.memory_space<hbm>> -> memref<20000x128xf32, #tpu.memory_space<hbm>>
        tpu.enqueue_indirect_dma source(%dma_start3A_116 : memref<20000x128xf32, #tpu.memory_space<hbm>>) target(%arg8 : memref<128x128xf32, #tpu.memory_space<vmem>>) offsets(%dma_start3A_113 : memref<128xi32, #tpu.memory_space<vmem>>) semaphore(%arg11 : memref<!tpu.dma_semaphore, #tpu.memory_space<semaphore_mem>>)
      } else {
      }
    }
    %scan3A_37 = arith.constant 20 : i32
    %dma_wait3A_38 = arith.constant 39 : i32
    %dma_wait3A_39 = arith.constant 0 : i32
    %dma_wait3A_40 = tpu.memref_slice %arg7[%dma_wait3A_38, %dma_wait3A_39] : memref<40x128xi32, #tpu.memory_space<vmem>> -> memref<1x128xi32, #tpu.memory_space<vmem>>
    %dma_wait3A_41 = tpu.memref_squeeze %dma_wait3A_40 : memref<1x128xi32, #tpu.memory_space<vmem>> -> memref<128xi32, #tpu.memory_space<vmem>>
    %dma_wait3A_42 = arith.constant 0 : i32
    %dma_wait3A_43 = arith.constant 0 : i32
    %dma_wait3A_44 = tpu.memref_slice %arg10[%dma_wait3A_42, %dma_wait3A_43] : memref<10512x128xf32, #tpu.memory_space<vmem_shared>> -> memref<10512x128xf32, #tpu.memory_space<vmem_shared>>
    tpu.wait_indirect_dma semaphore(%arg14 : memref<!tpu.dma_semaphore, #tpu.memory_space<semaphore_mem>>) src(%arg9 : memref<128x128xf32, #tpu.memory_space<vmem>>) dst(%dma_wait3A_44 : memref<10512x128xf32, #tpu.memory_space<vmem_shared>>)
    %barrier3A_45 = arith.constant 0 : index
    tpu.barrier barrier_id(%barrier3A_45)
    %mul3A_46 = arith.constant 10000 : i32
    %mul3A_47 = arith.muli %arg0, %mul3A_46 : i32
    %add3A_48 = arith.addi %mul3A_47, %mul3A_2 : i32
    "tpu.region"() ({
      %run_scoped3A = tpu.sem_alloc : memref<!tpu.dma_semaphore, #tpu.memory_space<semaphore_mem>>
      %dma_start3A_54 = arith.constant 0 : i32
      %dma_start3A_55 = tpu.memref_slice %arg5[%add3A_48, %dma_start3A_54] : memref<20000x128xf32, #tpu.memory_space<hbm>> -> memref<624x128xf32, #tpu.memory_space<hbm>>
      %dma_start3A_56 = arith.constant 0 : i32
      %dma_start3A_57 = tpu.memref_slice %arg10[%mul3A_2, %dma_start3A_56] : memref<10512x128xf32, #tpu.memory_space<vmem_shared>> -> memref<624x128xf32, #tpu.memory_space<vmem_shared>>
      tpu.enqueue_dma source(%dma_start3A_57 : memref<624x128xf32, #tpu.memory_space<vmem_shared>>) target(%dma_start3A_55 : memref<624x128xf32, #tpu.memory_space<hbm>>) target_semaphore(%run_scoped3A : memref<!tpu.dma_semaphore, #tpu.memory_space<semaphore_mem>>)
      %dma_wait3A_58 = arith.constant 0 : i32
      %dma_wait3A_59 = tpu.memref_slice %arg5[%add3A_48, %dma_wait3A_58] : memref<20000x128xf32, #tpu.memory_space<hbm>> -> memref<624x128xf32, #tpu.memory_space<hbm>>
      %dma_wait3A_60 = arith.constant 0 : i32
      %dma_wait3A_61 = tpu.memref_slice %arg10[%mul3A_2, %dma_wait3A_60] : memref<10512x128xf32, #tpu.memory_space<vmem_shared>> -> memref<624x128xf32, #tpu.memory_space<vmem_shared>>
      tpu.wait_dma2 semaphore(%run_scoped3A : memref<!tpu.dma_semaphore, #tpu.memory_space<semaphore_mem>>) src(%dma_wait3A_61 : memref<624x128xf32, #tpu.memory_space<vmem_shared>>) dst(%dma_wait3A_59 : memref<624x128xf32, #tpu.memory_space<hbm>>)
      tpu.yield
    }) : () -> ()
    %eq3A_49 = arith.constant 0 : i32
    %eq3A_50 = arith.cmpi eq, %arg1, %eq3A_49 : i32
    %convert_element_type3A_51 = arith.extui %eq3A_50 : i1 to i32
    %cond3A_52 = arith.constant 0 : i32
    %cond3A_53 = arith.cmpi ne, %convert_element_type3A_51, %cond3A_52 : i32
    scf.if %cond3A_53 {
      %mul3A_54 = arith.constant 10000 : i32
      %mul3A_55 = arith.muli %arg0, %mul3A_54 : i32
      %add3A_56 = arith.constant 9984 : i32
      %add3A_57 = arith.addi %mul3A_55, %add3A_56 : i32
      "tpu.region"() ({
        %run_scoped3A = tpu.sem_alloc : memref<!tpu.dma_semaphore, #tpu.memory_space<semaphore_mem>>
        %dma_start3A_58 = arith.constant 0 : i32
        %dma_start3A_59 = tpu.memref_slice %arg5[%add3A_57, %dma_start3A_58] : memref<20000x128xf32, #tpu.memory_space<hbm>> -> memref<16x128xf32, #tpu.memory_space<hbm>>
        %dma_start3A_60 = arith.constant 9984 : i32
        %dma_start3A_61 = arith.constant 0 : i32
        %dma_start3A_62 = tpu.memref_slice %arg10[%dma_start3A_60, %dma_start3A_61] : memref<10512x128xf32, #tpu.memory_space<vmem_shared>> -> memref<16x128xf32, #tpu.memory_space<vmem_shared>>
        tpu.enqueue_dma source(%dma_start3A_62 : memref<16x128xf32, #tpu.memory_space<vmem_shared>>) target(%dma_start3A_59 : memref<16x128xf32, #tpu.memory_space<hbm>>) target_semaphore(%run_scoped3A : memref<!tpu.dma_semaphore, #tpu.memory_space<semaphore_mem>>)
        %dma_wait3A_63 = arith.constant 0 : i32
        %dma_wait3A_64 = tpu.memref_slice %arg5[%add3A_57, %dma_wait3A_63] : memref<20000x128xf32, #tpu.memory_space<hbm>> -> memref<16x128xf32, #tpu.memory_space<hbm>>
        %dma_wait3A_65 = arith.constant 9984 : i32
        %dma_wait3A_66 = arith.constant 0 : i32
        %dma_wait3A_67 = tpu.memref_slice %arg10[%dma_wait3A_65, %dma_wait3A_66] : memref<10512x128xf32, #tpu.memory_space<vmem_shared>> -> memref<16x128xf32, #tpu.memory_space<vmem_shared>>
        tpu.wait_dma2 semaphore(%run_scoped3A : memref<!tpu.dma_semaphore, #tpu.memory_space<semaphore_mem>>) src(%dma_wait3A_67 : memref<16x128xf32, #tpu.memory_space<vmem_shared>>) dst(%dma_wait3A_64 : memref<16x128xf32, #tpu.memory_space<hbm>>)
        tpu.yield
      }) : () -> ()
    } else {
    }
    return
  }
}

#map = affine_map<(d0, d1) -> (0, 0)>
#map1 = affine_map<(d0, d1) -> (0, 0, 0)>
module attributes {stable_mosaic.version = 14 : i64} {
  func.func @_sc_agg_body(%arg0: i32, %arg1: i32, %arg2: memref<20000x128xf32, #tpu.memory_space<hbm>>, %arg3: memref<32x80x128xi32, #tpu.memory_space<hbm>>, %arg4: memref<32x80x128xi32, #tpu.memory_space<hbm>>, %arg5: memref<20000x128xf32, #tpu.memory_space<hbm>>, %arg6: memref<40x128xi32, #tpu.memory_space<vmem>>, %arg7: memref<40x128xi32, #tpu.memory_space<vmem>>, %arg8: memref<128x128xf32, #tpu.memory_space<vmem>>, %arg9: memref<128x128xf32, #tpu.memory_space<vmem>>, %arg10: memref<10512x128xf32, #tpu.memory_space<vmem_shared>>, %arg11: memref<!tpu.dma_semaphore, #tpu.memory_space<semaphore_mem>>, %arg12: memref<!tpu.dma_semaphore, #tpu.memory_space<semaphore_mem>>, %arg13: memref<!tpu.dma_semaphore, #tpu.memory_space<semaphore_mem>>, %arg14: memref<!tpu.dma_semaphore, #tpu.memory_space<semaphore_mem>>) attributes {dimension_semantics = [#tpu.dimension_semantics<core_parallel>, #tpu.dimension_semantics<subcore_parallel>], iteration_bounds = array<i64: 2, 16>, scalar_prefetch = 0 : i64, scratch_operands = 9 : i64, tpu.core_type = #tpu.core_type<sc_vector_subcore>, window_params = [{transform_indices = #map}, {transform_indices = #map1}, {transform_indices = #map1}, {transform_indices = #map}]} {
    %mul3A = arith.constant 16 : i32
    %mul3A_0 = arith.muli %arg0, %mul3A : i32
    %add3A = arith.addi %mul3A_0, %arg1 : i32
    %mul3A_1 = arith.constant 624 : i32
    %mul3A_2 = arith.muli %arg1, %mul3A_1 : i32
    %mul3A_3 = arith.constant 10000 : i32
    %mul3A_4 = arith.muli %arg0, %mul3A_3 : i32
    %add3A_5 = arith.addi %mul3A_4, %mul3A_2 : i32
    "tpu.region"() ({
      %run_scoped3A = tpu.sem_alloc : memref<!tpu.dma_semaphore, #tpu.memory_space<semaphore_mem>>
      %dma_start3A_54 = arith.constant 0 : i32
      %dma_start3A_55 = tpu.memref_slice %arg10[%mul3A_2, %dma_start3A_54] : memref<10512x128xf32, #tpu.memory_space<vmem_shared>> -> memref<624x128xf32, #tpu.memory_space<vmem_shared>>
      %dma_start3A_56 = arith.constant 0 : i32
      %dma_start3A_57 = tpu.memref_slice %arg2[%add3A_5, %dma_start3A_56] : memref<20000x128xf32, #tpu.memory_space<hbm>> -> memref<624x128xf32, #tpu.memory_space<hbm>>
      tpu.enqueue_dma source(%dma_start3A_57 : memref<624x128xf32, #tpu.memory_space<hbm>>) target(%dma_start3A_55 : memref<624x128xf32, #tpu.memory_space<vmem_shared>>) target_semaphore(%run_scoped3A : memref<!tpu.dma_semaphore, #tpu.memory_space<semaphore_mem>>)
      %dma_wait3A_58 = arith.constant 0 : i32
      %dma_wait3A_59 = tpu.memref_slice %arg10[%mul3A_2, %dma_wait3A_58] : memref<10512x128xf32, #tpu.memory_space<vmem_shared>> -> memref<624x128xf32, #tpu.memory_space<vmem_shared>>
      %dma_wait3A_60 = arith.constant 0 : i32
      %dma_wait3A_61 = tpu.memref_slice %arg2[%add3A_5, %dma_wait3A_60] : memref<20000x128xf32, #tpu.memory_space<hbm>> -> memref<624x128xf32, #tpu.memory_space<hbm>>
      tpu.wait_dma2 semaphore(%run_scoped3A : memref<!tpu.dma_semaphore, #tpu.memory_space<semaphore_mem>>) src(%dma_wait3A_61 : memref<624x128xf32, #tpu.memory_space<hbm>>) dst(%dma_wait3A_59 : memref<624x128xf32, #tpu.memory_space<vmem_shared>>)
      tpu.yield
    }) : () -> ()
    %eq3A = arith.constant 0 : i32
    %eq3A_6 = arith.cmpi eq, %arg1, %eq3A : i32
    %convert_element_type3A = arith.extui %eq3A_6 : i1 to i32
    %cond3A = arith.constant 0 : i32
    %cond3A_7 = arith.cmpi ne, %convert_element_type3A, %cond3A : i32
    scf.if %cond3A_7 {
      %mul3A_54 = arith.constant 10000 : i32
      %mul3A_55 = arith.muli %arg0, %mul3A_54 : i32
      %add3A_56 = arith.constant 9984 : i32
      %add3A_57 = arith.addi %mul3A_55, %add3A_56 : i32
      "tpu.region"() ({
        %run_scoped3A = tpu.sem_alloc : memref<!tpu.dma_semaphore, #tpu.memory_space<semaphore_mem>>
        %dma_start3A_58 = arith.constant 9984 : i32
        %dma_start3A_59 = arith.constant 0 : i32
        %dma_start3A_60 = tpu.memref_slice %arg10[%dma_start3A_58, %dma_start3A_59] : memref<10512x128xf32, #tpu.memory_space<vmem_shared>> -> memref<16x128xf32, #tpu.memory_space<vmem_shared>>
        %dma_start3A_61 = arith.constant 0 : i32
        %dma_start3A_62 = tpu.memref_slice %arg2[%add3A_57, %dma_start3A_61] : memref<20000x128xf32, #tpu.memory_space<hbm>> -> memref<16x128xf32, #tpu.memory_space<hbm>>
        tpu.enqueue_dma source(%dma_start3A_62 : memref<16x128xf32, #tpu.memory_space<hbm>>) target(%dma_start3A_60 : memref<16x128xf32, #tpu.memory_space<vmem_shared>>) target_semaphore(%run_scoped3A : memref<!tpu.dma_semaphore, #tpu.memory_space<semaphore_mem>>)
        %dma_wait3A_63 = arith.constant 9984 : i32
        %dma_wait3A_64 = arith.constant 0 : i32
        %dma_wait3A_65 = tpu.memref_slice %arg10[%dma_wait3A_63, %dma_wait3A_64] : memref<10512x128xf32, #tpu.memory_space<vmem_shared>> -> memref<16x128xf32, #tpu.memory_space<vmem_shared>>
        %dma_wait3A_66 = arith.constant 0 : i32
        %dma_wait3A_67 = tpu.memref_slice %arg2[%add3A_57, %dma_wait3A_66] : memref<20000x128xf32, #tpu.memory_space<hbm>> -> memref<16x128xf32, #tpu.memory_space<hbm>>
        tpu.wait_dma2 semaphore(%run_scoped3A : memref<!tpu.dma_semaphore, #tpu.memory_space<semaphore_mem>>) src(%dma_wait3A_67 : memref<16x128xf32, #tpu.memory_space<hbm>>) dst(%dma_wait3A_65 : memref<16x128xf32, #tpu.memory_space<vmem_shared>>)
        tpu.yield
      }) : () -> ()
    } else {
    }
    %barrier3A = arith.constant 0 : index
    tpu.barrier barrier_id(%barrier3A)
    "tpu.region"() ({
      %run_scoped3A = tpu.sem_alloc : memref<!tpu.dma_semaphore, #tpu.memory_space<semaphore_mem>>
      %dma_start3A_54 = arith.constant 0 : i32
      %dma_start3A_55 = arith.constant 0 : i32
      %dma_start3A_56 = tpu.memref_slice %arg3[%add3A, %dma_start3A_54, %dma_start3A_55] : memref<32x80x128xi32, #tpu.memory_space<hbm>> -> memref<1x40x128xi32, #tpu.memory_space<hbm>>
      %dma_start3A_57 = tpu.memref_squeeze %dma_start3A_56 : memref<1x40x128xi32, #tpu.memory_space<hbm>> -> memref<40x128xi32, #tpu.memory_space<hbm>>
      %dma_start3A_58 = arith.constant 0 : i32
      %dma_start3A_59 = arith.constant 0 : i32
      %dma_start3A_60 = tpu.memref_slice %arg3[%add3A, %dma_start3A_58, %dma_start3A_59] : memref<32x80x128xi32, #tpu.memory_space<hbm>> -> memref<1x40x128xi32, #tpu.memory_space<hbm>>
      %dma_start3A_61 = tpu.memref_squeeze %dma_start3A_60 : memref<1x40x128xi32, #tpu.memory_space<hbm>> -> memref<40x128xi32, #tpu.memory_space<hbm>>
      tpu.enqueue_dma source(%dma_start3A_61 : memref<40x128xi32, #tpu.memory_space<hbm>>) target(%arg6 : memref<40x128xi32, #tpu.memory_space<vmem>>) target_semaphore(%run_scoped3A : memref<!tpu.dma_semaphore, #tpu.memory_space<semaphore_mem>>)
      %dma_wait3A_62 = arith.constant 0 : i32
      %dma_wait3A_63 = arith.constant 0 : i32
      %dma_wait3A_64 = tpu.memref_slice %arg3[%add3A, %dma_wait3A_62, %dma_wait3A_63] : memref<32x80x128xi32, #tpu.memory_space<hbm>> -> memref<1x40x128xi32, #tpu.memory_space<hbm>>
      %dma_wait3A_65 = tpu.memref_squeeze %dma_wait3A_64 : memref<1x40x128xi32, #tpu.memory_space<hbm>> -> memref<40x128xi32, #tpu.memory_space<hbm>>
      %dma_wait3A_66 = arith.constant 0 : i32
      %dma_wait3A_67 = arith.constant 0 : i32
      %dma_wait3A_68 = tpu.memref_slice %arg3[%add3A, %dma_wait3A_66, %dma_wait3A_67] : memref<32x80x128xi32, #tpu.memory_space<hbm>> -> memref<1x40x128xi32, #tpu.memory_space<hbm>>
      %dma_wait3A_69 = tpu.memref_squeeze %dma_wait3A_68 : memref<1x40x128xi32, #tpu.memory_space<hbm>> -> memref<40x128xi32, #tpu.memory_space<hbm>>
      tpu.wait_dma2 semaphore(%run_scoped3A : memref<!tpu.dma_semaphore, #tpu.memory_space<semaphore_mem>>) src(%dma_wait3A_69 : memref<40x128xi32, #tpu.memory_space<hbm>>) dst(%arg6 : memref<40x128xi32, #tpu.memory_space<vmem>>)
      tpu.yield
    }) : () -> ()
    "tpu.region"() ({
      %run_scoped3A = tpu.sem_alloc : memref<!tpu.dma_semaphore, #tpu.memory_space<semaphore_mem>>
      %dma_start3A_54 = arith.constant 0 : i32
      %dma_start3A_55 = arith.constant 0 : i32
      %dma_start3A_56 = tpu.memref_slice %arg4[%add3A, %dma_start3A_54, %dma_start3A_55] : memref<32x80x128xi32, #tpu.memory_space<hbm>> -> memref<1x40x128xi32, #tpu.memory_space<hbm>>
      %dma_start3A_57 = tpu.memref_squeeze %dma_start3A_56 : memref<1x40x128xi32, #tpu.memory_space<hbm>> -> memref<40x128xi32, #tpu.memory_space<hbm>>
      %dma_start3A_58 = arith.constant 0 : i32
      %dma_start3A_59 = arith.constant 0 : i32
      %dma_start3A_60 = tpu.memref_slice %arg4[%add3A, %dma_start3A_58, %dma_start3A_59] : memref<32x80x128xi32, #tpu.memory_space<hbm>> -> memref<1x40x128xi32, #tpu.memory_space<hbm>>
      %dma_start3A_61 = tpu.memref_squeeze %dma_start3A_60 : memref<1x40x128xi32, #tpu.memory_space<hbm>> -> memref<40x128xi32, #tpu.memory_space<hbm>>
      tpu.enqueue_dma source(%dma_start3A_61 : memref<40x128xi32, #tpu.memory_space<hbm>>) target(%arg7 : memref<40x128xi32, #tpu.memory_space<vmem>>) target_semaphore(%run_scoped3A : memref<!tpu.dma_semaphore, #tpu.memory_space<semaphore_mem>>)
      %dma_wait3A_62 = arith.constant 0 : i32
      %dma_wait3A_63 = arith.constant 0 : i32
      %dma_wait3A_64 = tpu.memref_slice %arg4[%add3A, %dma_wait3A_62, %dma_wait3A_63] : memref<32x80x128xi32, #tpu.memory_space<hbm>> -> memref<1x40x128xi32, #tpu.memory_space<hbm>>
      %dma_wait3A_65 = tpu.memref_squeeze %dma_wait3A_64 : memref<1x40x128xi32, #tpu.memory_space<hbm>> -> memref<40x128xi32, #tpu.memory_space<hbm>>
      %dma_wait3A_66 = arith.constant 0 : i32
      %dma_wait3A_67 = arith.constant 0 : i32
      %dma_wait3A_68 = tpu.memref_slice %arg4[%add3A, %dma_wait3A_66, %dma_wait3A_67] : memref<32x80x128xi32, #tpu.memory_space<hbm>> -> memref<1x40x128xi32, #tpu.memory_space<hbm>>
      %dma_wait3A_69 = tpu.memref_squeeze %dma_wait3A_68 : memref<1x40x128xi32, #tpu.memory_space<hbm>> -> memref<40x128xi32, #tpu.memory_space<hbm>>
      tpu.wait_dma2 semaphore(%run_scoped3A : memref<!tpu.dma_semaphore, #tpu.memory_space<semaphore_mem>>) src(%dma_wait3A_69 : memref<40x128xi32, #tpu.memory_space<hbm>>) dst(%arg7 : memref<40x128xi32, #tpu.memory_space<vmem>>)
      tpu.yield
    }) : () -> ()
    %dma_start3A = arith.constant 0 : i32
    %dma_start3A_8 = arith.constant 0 : i32
    %dma_start3A_9 = tpu.memref_slice %arg6[%dma_start3A, %dma_start3A_8] : memref<40x128xi32, #tpu.memory_space<vmem>> -> memref<1x128xi32, #tpu.memory_space<vmem>>
    %dma_start3A_10 = tpu.memref_squeeze %dma_start3A_9 : memref<1x128xi32, #tpu.memory_space<vmem>> -> memref<128xi32, #tpu.memory_space<vmem>>
    %dma_start3A_11 = arith.constant 0 : i32
    %dma_start3A_12 = arith.constant 0 : i32
    %dma_start3A_13 = tpu.memref_slice %arg2[%dma_start3A_11, %dma_start3A_12] : memref<20000x128xf32, #tpu.memory_space<hbm>> -> memref<20000x128xf32, #tpu.memory_space<hbm>>
    tpu.enqueue_indirect_dma source(%dma_start3A_13 : memref<20000x128xf32, #tpu.memory_space<hbm>>) target(%arg8 : memref<128x128xf32, #tpu.memory_space<vmem>>) offsets(%dma_start3A_10 : memref<128xi32, #tpu.memory_space<vmem>>) semaphore(%arg11 : memref<!tpu.dma_semaphore, #tpu.memory_space<semaphore_mem>>)
    %scan3A = arith.constant 0 : i32
    %scan3A_14 = arith.constant 0 : i32
    %scan3A_15 = arith.constant 20 : i32
    %scan3A_16 = arith.addi %scan3A_14, %scan3A_15 : i32
    %scan3A_17 = arith.constant 1 : i32
    scf.for %scan3A_54 = %scan3A_14 to %scan3A_16 step %scan3A_17  : i32 {
      %mul3A_55 = arith.constant 2 : i32
      %mul3A_56 = arith.muli %scan3A_54, %mul3A_55 : i32
      %add3A_57 = arith.constant 0 : i32
      %add3A_58 = arith.addi %mul3A_56, %add3A_57 : i32
      %dma_wait3A_59 = arith.constant 0 : i32
      %dma_wait3A_60 = tpu.memref_slice %arg6[%add3A_58, %dma_wait3A_59] : memref<40x128xi32, #tpu.memory_space<vmem>> -> memref<1x128xi32, #tpu.memory_space<vmem>>
      %dma_wait3A_61 = tpu.memref_squeeze %dma_wait3A_60 : memref<1x128xi32, #tpu.memory_space<vmem>> -> memref<128xi32, #tpu.memory_space<vmem>>
      %dma_wait3A_62 = arith.constant 0 : i32
      %dma_wait3A_63 = arith.constant 0 : i32
      %dma_wait3A_64 = tpu.memref_slice %arg2[%dma_wait3A_62, %dma_wait3A_63] : memref<20000x128xf32, #tpu.memory_space<hbm>> -> memref<20000x128xf32, #tpu.memory_space<hbm>>
      tpu.wait_indirect_dma semaphore(%arg11 : memref<!tpu.dma_semaphore, #tpu.memory_space<semaphore_mem>>) src(%dma_wait3A_64 : memref<20000x128xf32, #tpu.memory_space<hbm>>) dst(%arg8 : memref<128x128xf32, #tpu.memory_space<vmem>>)
      %dma_start3A_65 = arith.constant 0 : i32
      %dma_start3A_66 = tpu.memref_slice %arg7[%add3A_58, %dma_start3A_65] : memref<40x128xi32, #tpu.memory_space<vmem>> -> memref<1x128xi32, #tpu.memory_space<vmem>>
      %dma_start3A_67 = tpu.memref_squeeze %dma_start3A_66 : memref<1x128xi32, #tpu.memory_space<vmem>> -> memref<128xi32, #tpu.memory_space<vmem>>
      %dma_start3A_68 = arith.constant 0 : i32
      %dma_start3A_69 = arith.constant 0 : i32
      %dma_start3A_70 = tpu.memref_slice %arg10[%dma_start3A_68, %dma_start3A_69] : memref<10512x128xf32, #tpu.memory_space<vmem_shared>> -> memref<10512x128xf32, #tpu.memory_space<vmem_shared>>
      tpu.enqueue_indirect_dma source(%arg8 : memref<128x128xf32, #tpu.memory_space<vmem>>) target(%dma_start3A_70 : memref<10512x128xf32, #tpu.memory_space<vmem_shared>>) offsets(%dma_start3A_67 : memref<128xi32, #tpu.memory_space<vmem>>) semaphore(%arg13 : memref<!tpu.dma_semaphore, #tpu.memory_space<semaphore_mem>>) {add = true}
      %ge3A = arith.constant 1 : i32
      %ge3A_71 = arith.cmpi sge, %add3A_58, %ge3A : i32
      %convert_element_type3A_72 = arith.extui %ge3A_71 : i1 to i32
      %cond3A_73 = arith.constant 0 : i32
      %cond3A_74 = arith.cmpi ne, %convert_element_type3A_72, %cond3A_73 : i32
      scf.if %cond3A_74 {
        %sub3A = arith.constant 1 : i32
        %sub3A_109 = arith.subi %add3A_58, %sub3A : i32
        %dma_wait3A_110 = arith.constant 0 : i32
        %dma_wait3A_111 = tpu.memref_slice %arg7[%sub3A_109, %dma_wait3A_110] : memref<40x128xi32, #tpu.memory_space<vmem>> -> memref<1x128xi32, #tpu.memory_space<vmem>>
        %dma_wait3A_112 = tpu.memref_squeeze %dma_wait3A_111 : memref<1x128xi32, #tpu.memory_space<vmem>> -> memref<128xi32, #tpu.memory_space<vmem>>
        %dma_wait3A_113 = arith.constant 0 : i32
        %dma_wait3A_114 = arith.constant 0 : i32
        %dma_wait3A_115 = tpu.memref_slice %arg10[%dma_wait3A_113, %dma_wait3A_114] : memref<10512x128xf32, #tpu.memory_space<vmem_shared>> -> memref<10512x128xf32, #tpu.memory_space<vmem_shared>>
        tpu.wait_indirect_dma semaphore(%arg14 : memref<!tpu.dma_semaphore, #tpu.memory_space<semaphore_mem>>) src(%arg9 : memref<128x128xf32, #tpu.memory_space<vmem>>) dst(%dma_wait3A_115 : memref<10512x128xf32, #tpu.memory_space<vmem_shared>>)
      } else {
      }
      %add3A_75 = arith.constant 1 : i32
      %add3A_76 = arith.addi %add3A_58, %add3A_75 : i32
      %lt3A = arith.constant 40 : i32
      %lt3A_77 = arith.cmpi slt, %add3A_76, %lt3A : i32
      %convert_element_type3A_78 = arith.extui %lt3A_77 : i1 to i32
      %cond3A_79 = arith.constant 0 : i32
      %cond3A_80 = arith.cmpi ne, %convert_element_type3A_78, %cond3A_79 : i32
      scf.if %cond3A_80 {
        %add3A_109 = arith.constant 1 : i32
        %add3A_110 = arith.addi %add3A_58, %add3A_109 : i32
        %dma_start3A_111 = arith.constant 0 : i32
        %dma_start3A_112 = tpu.memref_slice %arg6[%add3A_110, %dma_start3A_111] : memref<40x128xi32, #tpu.memory_space<vmem>> -> memref<1x128xi32, #tpu.memory_space<vmem>>
        %dma_start3A_113 = tpu.memref_squeeze %dma_start3A_112 : memref<1x128xi32, #tpu.memory_space<vmem>> -> memref<128xi32, #tpu.memory_space<vmem>>
        %dma_start3A_114 = arith.constant 0 : i32
        %dma_start3A_115 = arith.constant 0 : i32
        %dma_start3A_116 = tpu.memref_slice %arg2[%dma_start3A_114, %dma_start3A_115] : memref<20000x128xf32, #tpu.memory_space<hbm>> -> memref<20000x128xf32, #tpu.memory_space<hbm>>
        tpu.enqueue_indirect_dma source(%dma_start3A_116 : memref<20000x128xf32, #tpu.memory_space<hbm>>) target(%arg9 : memref<128x128xf32, #tpu.memory_space<vmem>>) offsets(%dma_start3A_113 : memref<128xi32, #tpu.memory_space<vmem>>) semaphore(%arg12 : memref<!tpu.dma_semaphore, #tpu.memory_space<semaphore_mem>>)
      } else {
      }
      %mul3A_81 = arith.constant 2 : i32
      %mul3A_82 = arith.muli %scan3A_54, %mul3A_81 : i32
      %add3A_83 = arith.constant 1 : i32
      %add3A_84 = arith.addi %mul3A_82, %add3A_83 : i32
      %dma_wait3A_85 = arith.constant 0 : i32
      %dma_wait3A_86 = tpu.memref_slice %arg6[%add3A_84, %dma_wait3A_85] : memref<40x128xi32, #tpu.memory_space<vmem>> -> memref<1x128xi32, #tpu.memory_space<vmem>>
      %dma_wait3A_87 = tpu.memref_squeeze %dma_wait3A_86 : memref<1x128xi32, #tpu.memory_space<vmem>> -> memref<128xi32, #tpu.memory_space<vmem>>
      %dma_wait3A_88 = arith.constant 0 : i32
      %dma_wait3A_89 = arith.constant 0 : i32
      %dma_wait3A_90 = tpu.memref_slice %arg2[%dma_wait3A_88, %dma_wait3A_89] : memref<20000x128xf32, #tpu.memory_space<hbm>> -> memref<20000x128xf32, #tpu.memory_space<hbm>>
      tpu.wait_indirect_dma semaphore(%arg12 : memref<!tpu.dma_semaphore, #tpu.memory_space<semaphore_mem>>) src(%dma_wait3A_90 : memref<20000x128xf32, #tpu.memory_space<hbm>>) dst(%arg9 : memref<128x128xf32, #tpu.memory_space<vmem>>)
      %dma_start3A_91 = arith.constant 0 : i32
      %dma_start3A_92 = tpu.memref_slice %arg7[%add3A_84, %dma_start3A_91] : memref<40x128xi32, #tpu.memory_space<vmem>> -> memref<1x128xi32, #tpu.memory_space<vmem>>
      %dma_start3A_93 = tpu.memref_squeeze %dma_start3A_92 : memref<1x128xi32, #tpu.memory_space<vmem>> -> memref<128xi32, #tpu.memory_space<vmem>>
      %dma_start3A_94 = arith.constant 0 : i32
      %dma_start3A_95 = arith.constant 0 : i32
      %dma_start3A_96 = tpu.memref_slice %arg10[%dma_start3A_94, %dma_start3A_95] : memref<10512x128xf32, #tpu.memory_space<vmem_shared>> -> memref<10512x128xf32, #tpu.memory_space<vmem_shared>>
      tpu.enqueue_indirect_dma source(%arg9 : memref<128x128xf32, #tpu.memory_space<vmem>>) target(%dma_start3A_96 : memref<10512x128xf32, #tpu.memory_space<vmem_shared>>) offsets(%dma_start3A_93 : memref<128xi32, #tpu.memory_space<vmem>>) semaphore(%arg14 : memref<!tpu.dma_semaphore, #tpu.memory_space<semaphore_mem>>) {add = true}
      %ge3A_97 = arith.constant 1 : i32
      %ge3A_98 = arith.cmpi sge, %add3A_84, %ge3A_97 : i32
      %convert_element_type3A_99 = arith.extui %ge3A_98 : i1 to i32
      %cond3A_100 = arith.constant 0 : i32
      %cond3A_101 = arith.cmpi ne, %convert_element_type3A_99, %cond3A_100 : i32
      scf.if %cond3A_101 {
        %sub3A = arith.constant 1 : i32
        %sub3A_109 = arith.subi %add3A_84, %sub3A : i32
        %dma_wait3A_110 = arith.constant 0 : i32
        %dma_wait3A_111 = tpu.memref_slice %arg7[%sub3A_109, %dma_wait3A_110] : memref<40x128xi32, #tpu.memory_space<vmem>> -> memref<1x128xi32, #tpu.memory_space<vmem>>
        %dma_wait3A_112 = tpu.memref_squeeze %dma_wait3A_111 : memref<1x128xi32, #tpu.memory_space<vmem>> -> memref<128xi32, #tpu.memory_space<vmem>>
        %dma_wait3A_113 = arith.constant 0 : i32
        %dma_wait3A_114 = arith.constant 0 : i32
        %dma_wait3A_115 = tpu.memref_slice %arg10[%dma_wait3A_113, %dma_wait3A_114] : memref<10512x128xf32, #tpu.memory_space<vmem_shared>> -> memref<10512x128xf32, #tpu.memory_space<vmem_shared>>
        tpu.wait_indirect_dma semaphore(%arg13 : memref<!tpu.dma_semaphore, #tpu.memory_space<semaphore_mem>>) src(%arg8 : memref<128x128xf32, #tpu.memory_space<vmem>>) dst(%dma_wait3A_115 : memref<10512x128xf32, #tpu.memory_space<vmem_shared>>)
      } else {
      }
      %add3A_102 = arith.constant 1 : i32
      %add3A_103 = arith.addi %add3A_84, %add3A_102 : i32
      %lt3A_104 = arith.constant 40 : i32
      %lt3A_105 = arith.cmpi slt, %add3A_103, %lt3A_104 : i32
      %convert_element_type3A_106 = arith.extui %lt3A_105 : i1 to i32
      %cond3A_107 = arith.constant 0 : i32
      %cond3A_108 = arith.cmpi ne, %convert_element_type3A_106, %cond3A_107 : i32
      scf.if %cond3A_108 {
        %add3A_109 = arith.constant 1 : i32
        %add3A_110 = arith.addi %add3A_84, %add3A_109 : i32
        %dma_start3A_111 = arith.constant 0 : i32
        %dma_start3A_112 = tpu.memref_slice %arg6[%add3A_110, %dma_start3A_111] : memref<40x128xi32, #tpu.memory_space<vmem>> -> memref<1x128xi32, #tpu.memory_space<vmem>>
        %dma_start3A_113 = tpu.memref_squeeze %dma_start3A_112 : memref<1x128xi32, #tpu.memory_space<vmem>> -> memref<128xi32, #tpu.memory_space<vmem>>
        %dma_start3A_114 = arith.constant 0 : i32
        %dma_start3A_115 = arith.constant 0 : i32
        %dma_start3A_116 = tpu.memref_slice %arg2[%dma_start3A_114, %dma_start3A_115] : memref<20000x128xf32, #tpu.memory_space<hbm>> -> memref<20000x128xf32, #tpu.memory_space<hbm>>
        tpu.enqueue_indirect_dma source(%dma_start3A_116 : memref<20000x128xf32, #tpu.memory_space<hbm>>) target(%arg8 : memref<128x128xf32, #tpu.memory_space<vmem>>) offsets(%dma_start3A_113 : memref<128xi32, #tpu.memory_space<vmem>>) semaphore(%arg11 : memref<!tpu.dma_semaphore, #tpu.memory_space<semaphore_mem>>)
      } else {
      }
    }
    %scan3A_18 = arith.constant 20 : i32
    %dma_wait3A = arith.constant 39 : i32
    %dma_wait3A_19 = arith.constant 0 : i32
    %dma_wait3A_20 = tpu.memref_slice %arg7[%dma_wait3A, %dma_wait3A_19] : memref<40x128xi32, #tpu.memory_space<vmem>> -> memref<1x128xi32, #tpu.memory_space<vmem>>
    %dma_wait3A_21 = tpu.memref_squeeze %dma_wait3A_20 : memref<1x128xi32, #tpu.memory_space<vmem>> -> memref<128xi32, #tpu.memory_space<vmem>>
    %dma_wait3A_22 = arith.constant 0 : i32
    %dma_wait3A_23 = arith.constant 0 : i32
    %dma_wait3A_24 = tpu.memref_slice %arg10[%dma_wait3A_22, %dma_wait3A_23] : memref<10512x128xf32, #tpu.memory_space<vmem_shared>> -> memref<10512x128xf32, #tpu.memory_space<vmem_shared>>
    tpu.wait_indirect_dma semaphore(%arg14 : memref<!tpu.dma_semaphore, #tpu.memory_space<semaphore_mem>>) src(%arg9 : memref<128x128xf32, #tpu.memory_space<vmem>>) dst(%dma_wait3A_24 : memref<10512x128xf32, #tpu.memory_space<vmem_shared>>)
    "tpu.region"() ({
      %run_scoped3A = tpu.sem_alloc : memref<!tpu.dma_semaphore, #tpu.memory_space<semaphore_mem>>
      %dma_start3A_54 = arith.constant 40 : i32
      %dma_start3A_55 = arith.constant 0 : i32
      %dma_start3A_56 = tpu.memref_slice %arg3[%add3A, %dma_start3A_54, %dma_start3A_55] : memref<32x80x128xi32, #tpu.memory_space<hbm>> -> memref<1x40x128xi32, #tpu.memory_space<hbm>>
      %dma_start3A_57 = tpu.memref_squeeze %dma_start3A_56 : memref<1x40x128xi32, #tpu.memory_space<hbm>> -> memref<40x128xi32, #tpu.memory_space<hbm>>
      %dma_start3A_58 = arith.constant 40 : i32
      %dma_start3A_59 = arith.constant 0 : i32
      %dma_start3A_60 = tpu.memref_slice %arg3[%add3A, %dma_start3A_58, %dma_start3A_59] : memref<32x80x128xi32, #tpu.memory_space<hbm>> -> memref<1x40x128xi32, #tpu.memory_space<hbm>>
      %dma_start3A_61 = tpu.memref_squeeze %dma_start3A_60 : memref<1x40x128xi32, #tpu.memory_space<hbm>> -> memref<40x128xi32, #tpu.memory_space<hbm>>
      tpu.enqueue_dma source(%dma_start3A_61 : memref<40x128xi32, #tpu.memory_space<hbm>>) target(%arg6 : memref<40x128xi32, #tpu.memory_space<vmem>>) target_semaphore(%run_scoped3A : memref<!tpu.dma_semaphore, #tpu.memory_space<semaphore_mem>>)
      %dma_wait3A_62 = arith.constant 40 : i32
      %dma_wait3A_63 = arith.constant 0 : i32
      %dma_wait3A_64 = tpu.memref_slice %arg3[%add3A, %dma_wait3A_62, %dma_wait3A_63] : memref<32x80x128xi32, #tpu.memory_space<hbm>> -> memref<1x40x128xi32, #tpu.memory_space<hbm>>
      %dma_wait3A_65 = tpu.memref_squeeze %dma_wait3A_64 : memref<1x40x128xi32, #tpu.memory_space<hbm>> -> memref<40x128xi32, #tpu.memory_space<hbm>>
      %dma_wait3A_66 = arith.constant 40 : i32
      %dma_wait3A_67 = arith.constant 0 : i32
      %dma_wait3A_68 = tpu.memref_slice %arg3[%add3A, %dma_wait3A_66, %dma_wait3A_67] : memref<32x80x128xi32, #tpu.memory_space<hbm>> -> memref<1x40x128xi32, #tpu.memory_space<hbm>>
      %dma_wait3A_69 = tpu.memref_squeeze %dma_wait3A_68 : memref<1x40x128xi32, #tpu.memory_space<hbm>> -> memref<40x128xi32, #tpu.memory_space<hbm>>
      tpu.wait_dma2 semaphore(%run_scoped3A : memref<!tpu.dma_semaphore, #tpu.memory_space<semaphore_mem>>) src(%dma_wait3A_69 : memref<40x128xi32, #tpu.memory_space<hbm>>) dst(%arg6 : memref<40x128xi32, #tpu.memory_space<vmem>>)
      tpu.yield
    }) : () -> ()
    "tpu.region"() ({
      %run_scoped3A = tpu.sem_alloc : memref<!tpu.dma_semaphore, #tpu.memory_space<semaphore_mem>>
      %dma_start3A_54 = arith.constant 40 : i32
      %dma_start3A_55 = arith.constant 0 : i32
      %dma_start3A_56 = tpu.memref_slice %arg4[%add3A, %dma_start3A_54, %dma_start3A_55] : memref<32x80x128xi32, #tpu.memory_space<hbm>> -> memref<1x40x128xi32, #tpu.memory_space<hbm>>
      %dma_start3A_57 = tpu.memref_squeeze %dma_start3A_56 : memref<1x40x128xi32, #tpu.memory_space<hbm>> -> memref<40x128xi32, #tpu.memory_space<hbm>>
      %dma_start3A_58 = arith.constant 40 : i32
      %dma_start3A_59 = arith.constant 0 : i32
      %dma_start3A_60 = tpu.memref_slice %arg4[%add3A, %dma_start3A_58, %dma_start3A_59] : memref<32x80x128xi32, #tpu.memory_space<hbm>> -> memref<1x40x128xi32, #tpu.memory_space<hbm>>
      %dma_start3A_61 = tpu.memref_squeeze %dma_start3A_60 : memref<1x40x128xi32, #tpu.memory_space<hbm>> -> memref<40x128xi32, #tpu.memory_space<hbm>>
      tpu.enqueue_dma source(%dma_start3A_61 : memref<40x128xi32, #tpu.memory_space<hbm>>) target(%arg7 : memref<40x128xi32, #tpu.memory_space<vmem>>) target_semaphore(%run_scoped3A : memref<!tpu.dma_semaphore, #tpu.memory_space<semaphore_mem>>)
      %dma_wait3A_62 = arith.constant 40 : i32
      %dma_wait3A_63 = arith.constant 0 : i32
      %dma_wait3A_64 = tpu.memref_slice %arg4[%add3A, %dma_wait3A_62, %dma_wait3A_63] : memref<32x80x128xi32, #tpu.memory_space<hbm>> -> memref<1x40x128xi32, #tpu.memory_space<hbm>>
      %dma_wait3A_65 = tpu.memref_squeeze %dma_wait3A_64 : memref<1x40x128xi32, #tpu.memory_space<hbm>> -> memref<40x128xi32, #tpu.memory_space<hbm>>
      %dma_wait3A_66 = arith.constant 40 : i32
      %dma_wait3A_67 = arith.constant 0 : i32
      %dma_wait3A_68 = tpu.memref_slice %arg4[%add3A, %dma_wait3A_66, %dma_wait3A_67] : memref<32x80x128xi32, #tpu.memory_space<hbm>> -> memref<1x40x128xi32, #tpu.memory_space<hbm>>
      %dma_wait3A_69 = tpu.memref_squeeze %dma_wait3A_68 : memref<1x40x128xi32, #tpu.memory_space<hbm>> -> memref<40x128xi32, #tpu.memory_space<hbm>>
      tpu.wait_dma2 semaphore(%run_scoped3A : memref<!tpu.dma_semaphore, #tpu.memory_space<semaphore_mem>>) src(%dma_wait3A_69 : memref<40x128xi32, #tpu.memory_space<hbm>>) dst(%arg7 : memref<40x128xi32, #tpu.memory_space<vmem>>)
      tpu.yield
    }) : () -> ()
    %dma_start3A_25 = arith.constant 0 : i32
    %dma_start3A_26 = arith.constant 0 : i32
    %dma_start3A_27 = tpu.memref_slice %arg6[%dma_start3A_25, %dma_start3A_26] : memref<40x128xi32, #tpu.memory_space<vmem>> -> memref<1x128xi32, #tpu.memory_space<vmem>>
    %dma_start3A_28 = tpu.memref_squeeze %dma_start3A_27 : memref<1x128xi32, #tpu.memory_space<vmem>> -> memref<128xi32, #tpu.memory_space<vmem>>
    %dma_start3A_29 = arith.constant 0 : i32
    %dma_start3A_30 = arith.constant 0 : i32
    %dma_start3A_31 = tpu.memref_slice %arg2[%dma_start3A_29, %dma_start3A_30] : memref<20000x128xf32, #tpu.memory_space<hbm>> -> memref<20000x128xf32, #tpu.memory_space<hbm>>
    tpu.enqueue_indirect_dma source(%dma_start3A_31 : memref<20000x128xf32, #tpu.memory_space<hbm>>) target(%arg8 : memref<128x128xf32, #tpu.memory_space<vmem>>) offsets(%dma_start3A_28 : memref<128xi32, #tpu.memory_space<vmem>>) semaphore(%arg11 : memref<!tpu.dma_semaphore, #tpu.memory_space<semaphore_mem>>)
    %scan3A_32 = arith.constant 0 : i32
    %scan3A_33 = arith.constant 0 : i32
    %scan3A_34 = arith.constant 20 : i32
    %scan3A_35 = arith.addi %scan3A_33, %scan3A_34 : i32
    %scan3A_36 = arith.constant 1 : i32
    scf.for %scan3A_54 = %scan3A_33 to %scan3A_35 step %scan3A_36  : i32 {
      %mul3A_55 = arith.constant 2 : i32
      %mul3A_56 = arith.muli %scan3A_54, %mul3A_55 : i32
      %add3A_57 = arith.constant 0 : i32
      %add3A_58 = arith.addi %mul3A_56, %add3A_57 : i32
      %dma_wait3A_59 = arith.constant 0 : i32
      %dma_wait3A_60 = tpu.memref_slice %arg6[%add3A_58, %dma_wait3A_59] : memref<40x128xi32, #tpu.memory_space<vmem>> -> memref<1x128xi32, #tpu.memory_space<vmem>>
      %dma_wait3A_61 = tpu.memref_squeeze %dma_wait3A_60 : memref<1x128xi32, #tpu.memory_space<vmem>> -> memref<128xi32, #tpu.memory_space<vmem>>
      %dma_wait3A_62 = arith.constant 0 : i32
      %dma_wait3A_63 = arith.constant 0 : i32
      %dma_wait3A_64 = tpu.memref_slice %arg2[%dma_wait3A_62, %dma_wait3A_63] : memref<20000x128xf32, #tpu.memory_space<hbm>> -> memref<20000x128xf32, #tpu.memory_space<hbm>>
      tpu.wait_indirect_dma semaphore(%arg11 : memref<!tpu.dma_semaphore, #tpu.memory_space<semaphore_mem>>) src(%dma_wait3A_64 : memref<20000x128xf32, #tpu.memory_space<hbm>>) dst(%arg8 : memref<128x128xf32, #tpu.memory_space<vmem>>)
      %dma_start3A_65 = arith.constant 0 : i32
      %dma_start3A_66 = tpu.memref_slice %arg7[%add3A_58, %dma_start3A_65] : memref<40x128xi32, #tpu.memory_space<vmem>> -> memref<1x128xi32, #tpu.memory_space<vmem>>
      %dma_start3A_67 = tpu.memref_squeeze %dma_start3A_66 : memref<1x128xi32, #tpu.memory_space<vmem>> -> memref<128xi32, #tpu.memory_space<vmem>>
      %dma_start3A_68 = arith.constant 0 : i32
      %dma_start3A_69 = arith.constant 0 : i32
      %dma_start3A_70 = tpu.memref_slice %arg10[%dma_start3A_68, %dma_start3A_69] : memref<10512x128xf32, #tpu.memory_space<vmem_shared>> -> memref<10512x128xf32, #tpu.memory_space<vmem_shared>>
      tpu.enqueue_indirect_dma source(%arg8 : memref<128x128xf32, #tpu.memory_space<vmem>>) target(%dma_start3A_70 : memref<10512x128xf32, #tpu.memory_space<vmem_shared>>) offsets(%dma_start3A_67 : memref<128xi32, #tpu.memory_space<vmem>>) semaphore(%arg13 : memref<!tpu.dma_semaphore, #tpu.memory_space<semaphore_mem>>) {add = true}
      %ge3A = arith.constant 1 : i32
      %ge3A_71 = arith.cmpi sge, %add3A_58, %ge3A : i32
      %convert_element_type3A_72 = arith.extui %ge3A_71 : i1 to i32
      %cond3A_73 = arith.constant 0 : i32
      %cond3A_74 = arith.cmpi ne, %convert_element_type3A_72, %cond3A_73 : i32
      scf.if %cond3A_74 {
        %sub3A = arith.constant 1 : i32
        %sub3A_109 = arith.subi %add3A_58, %sub3A : i32
        %dma_wait3A_110 = arith.constant 0 : i32
        %dma_wait3A_111 = tpu.memref_slice %arg7[%sub3A_109, %dma_wait3A_110] : memref<40x128xi32, #tpu.memory_space<vmem>> -> memref<1x128xi32, #tpu.memory_space<vmem>>
        %dma_wait3A_112 = tpu.memref_squeeze %dma_wait3A_111 : memref<1x128xi32, #tpu.memory_space<vmem>> -> memref<128xi32, #tpu.memory_space<vmem>>
        %dma_wait3A_113 = arith.constant 0 : i32
        %dma_wait3A_114 = arith.constant 0 : i32
        %dma_wait3A_115 = tpu.memref_slice %arg10[%dma_wait3A_113, %dma_wait3A_114] : memref<10512x128xf32, #tpu.memory_space<vmem_shared>> -> memref<10512x128xf32, #tpu.memory_space<vmem_shared>>
        tpu.wait_indirect_dma semaphore(%arg14 : memref<!tpu.dma_semaphore, #tpu.memory_space<semaphore_mem>>) src(%arg9 : memref<128x128xf32, #tpu.memory_space<vmem>>) dst(%dma_wait3A_115 : memref<10512x128xf32, #tpu.memory_space<vmem_shared>>)
      } else {
      }
      %add3A_75 = arith.constant 1 : i32
      %add3A_76 = arith.addi %add3A_58, %add3A_75 : i32
      %lt3A = arith.constant 40 : i32
      %lt3A_77 = arith.cmpi slt, %add3A_76, %lt3A : i32
      %convert_element_type3A_78 = arith.extui %lt3A_77 : i1 to i32
      %cond3A_79 = arith.constant 0 : i32
      %cond3A_80 = arith.cmpi ne, %convert_element_type3A_78, %cond3A_79 : i32
      scf.if %cond3A_80 {
        %add3A_109 = arith.constant 1 : i32
        %add3A_110 = arith.addi %add3A_58, %add3A_109 : i32
        %dma_start3A_111 = arith.constant 0 : i32
        %dma_start3A_112 = tpu.memref_slice %arg6[%add3A_110, %dma_start3A_111] : memref<40x128xi32, #tpu.memory_space<vmem>> -> memref<1x128xi32, #tpu.memory_space<vmem>>
        %dma_start3A_113 = tpu.memref_squeeze %dma_start3A_112 : memref<1x128xi32, #tpu.memory_space<vmem>> -> memref<128xi32, #tpu.memory_space<vmem>>
        %dma_start3A_114 = arith.constant 0 : i32
        %dma_start3A_115 = arith.constant 0 : i32
        %dma_start3A_116 = tpu.memref_slice %arg2[%dma_start3A_114, %dma_start3A_115] : memref<20000x128xf32, #tpu.memory_space<hbm>> -> memref<20000x128xf32, #tpu.memory_space<hbm>>
        tpu.enqueue_indirect_dma source(%dma_start3A_116 : memref<20000x128xf32, #tpu.memory_space<hbm>>) target(%arg9 : memref<128x128xf32, #tpu.memory_space<vmem>>) offsets(%dma_start3A_113 : memref<128xi32, #tpu.memory_space<vmem>>) semaphore(%arg12 : memref<!tpu.dma_semaphore, #tpu.memory_space<semaphore_mem>>)
      } else {
      }
      %mul3A_81 = arith.constant 2 : i32
      %mul3A_82 = arith.muli %scan3A_54, %mul3A_81 : i32
      %add3A_83 = arith.constant 1 : i32
      %add3A_84 = arith.addi %mul3A_82, %add3A_83 : i32
      %dma_wait3A_85 = arith.constant 0 : i32
      %dma_wait3A_86 = tpu.memref_slice %arg6[%add3A_84, %dma_wait3A_85] : memref<40x128xi32, #tpu.memory_space<vmem>> -> memref<1x128xi32, #tpu.memory_space<vmem>>
      %dma_wait3A_87 = tpu.memref_squeeze %dma_wait3A_86 : memref<1x128xi32, #tpu.memory_space<vmem>> -> memref<128xi32, #tpu.memory_space<vmem>>
      %dma_wait3A_88 = arith.constant 0 : i32
      %dma_wait3A_89 = arith.constant 0 : i32
      %dma_wait3A_90 = tpu.memref_slice %arg2[%dma_wait3A_88, %dma_wait3A_89] : memref<20000x128xf32, #tpu.memory_space<hbm>> -> memref<20000x128xf32, #tpu.memory_space<hbm>>
      tpu.wait_indirect_dma semaphore(%arg12 : memref<!tpu.dma_semaphore, #tpu.memory_space<semaphore_mem>>) src(%dma_wait3A_90 : memref<20000x128xf32, #tpu.memory_space<hbm>>) dst(%arg9 : memref<128x128xf32, #tpu.memory_space<vmem>>)
      %dma_start3A_91 = arith.constant 0 : i32
      %dma_start3A_92 = tpu.memref_slice %arg7[%add3A_84, %dma_start3A_91] : memref<40x128xi32, #tpu.memory_space<vmem>> -> memref<1x128xi32, #tpu.memory_space<vmem>>
      %dma_start3A_93 = tpu.memref_squeeze %dma_start3A_92 : memref<1x128xi32, #tpu.memory_space<vmem>> -> memref<128xi32, #tpu.memory_space<vmem>>
      %dma_start3A_94 = arith.constant 0 : i32
      %dma_start3A_95 = arith.constant 0 : i32
      %dma_start3A_96 = tpu.memref_slice %arg10[%dma_start3A_94, %dma_start3A_95] : memref<10512x128xf32, #tpu.memory_space<vmem_shared>> -> memref<10512x128xf32, #tpu.memory_space<vmem_shared>>
      tpu.enqueue_indirect_dma source(%arg9 : memref<128x128xf32, #tpu.memory_space<vmem>>) target(%dma_start3A_96 : memref<10512x128xf32, #tpu.memory_space<vmem_shared>>) offsets(%dma_start3A_93 : memref<128xi32, #tpu.memory_space<vmem>>) semaphore(%arg14 : memref<!tpu.dma_semaphore, #tpu.memory_space<semaphore_mem>>) {add = true}
      %ge3A_97 = arith.constant 1 : i32
      %ge3A_98 = arith.cmpi sge, %add3A_84, %ge3A_97 : i32
      %convert_element_type3A_99 = arith.extui %ge3A_98 : i1 to i32
      %cond3A_100 = arith.constant 0 : i32
      %cond3A_101 = arith.cmpi ne, %convert_element_type3A_99, %cond3A_100 : i32
      scf.if %cond3A_101 {
        %sub3A = arith.constant 1 : i32
        %sub3A_109 = arith.subi %add3A_84, %sub3A : i32
        %dma_wait3A_110 = arith.constant 0 : i32
        %dma_wait3A_111 = tpu.memref_slice %arg7[%sub3A_109, %dma_wait3A_110] : memref<40x128xi32, #tpu.memory_space<vmem>> -> memref<1x128xi32, #tpu.memory_space<vmem>>
        %dma_wait3A_112 = tpu.memref_squeeze %dma_wait3A_111 : memref<1x128xi32, #tpu.memory_space<vmem>> -> memref<128xi32, #tpu.memory_space<vmem>>
        %dma_wait3A_113 = arith.constant 0 : i32
        %dma_wait3A_114 = arith.constant 0 : i32
        %dma_wait3A_115 = tpu.memref_slice %arg10[%dma_wait3A_113, %dma_wait3A_114] : memref<10512x128xf32, #tpu.memory_space<vmem_shared>> -> memref<10512x128xf32, #tpu.memory_space<vmem_shared>>
        tpu.wait_indirect_dma semaphore(%arg13 : memref<!tpu.dma_semaphore, #tpu.memory_space<semaphore_mem>>) src(%arg8 : memref<128x128xf32, #tpu.memory_space<vmem>>) dst(%dma_wait3A_115 : memref<10512x128xf32, #tpu.memory_space<vmem_shared>>)
      } else {
      }
      %add3A_102 = arith.constant 1 : i32
      %add3A_103 = arith.addi %add3A_84, %add3A_102 : i32
      %lt3A_104 = arith.constant 40 : i32
      %lt3A_105 = arith.cmpi slt, %add3A_103, %lt3A_104 : i32
      %convert_element_type3A_106 = arith.extui %lt3A_105 : i1 to i32
      %cond3A_107 = arith.constant 0 : i32
      %cond3A_108 = arith.cmpi ne, %convert_element_type3A_106, %cond3A_107 : i32
      scf.if %cond3A_108 {
        %add3A_109 = arith.constant 1 : i32
        %add3A_110 = arith.addi %add3A_84, %add3A_109 : i32
        %dma_start3A_111 = arith.constant 0 : i32
        %dma_start3A_112 = tpu.memref_slice %arg6[%add3A_110, %dma_start3A_111] : memref<40x128xi32, #tpu.memory_space<vmem>> -> memref<1x128xi32, #tpu.memory_space<vmem>>
        %dma_start3A_113 = tpu.memref_squeeze %dma_start3A_112 : memref<1x128xi32, #tpu.memory_space<vmem>> -> memref<128xi32, #tpu.memory_space<vmem>>
        %dma_start3A_114 = arith.constant 0 : i32
        %dma_start3A_115 = arith.constant 0 : i32
        %dma_start3A_116 = tpu.memref_slice %arg2[%dma_start3A_114, %dma_start3A_115] : memref<20000x128xf32, #tpu.memory_space<hbm>> -> memref<20000x128xf32, #tpu.memory_space<hbm>>
        tpu.enqueue_indirect_dma source(%dma_start3A_116 : memref<20000x128xf32, #tpu.memory_space<hbm>>) target(%arg8 : memref<128x128xf32, #tpu.memory_space<vmem>>) offsets(%dma_start3A_113 : memref<128xi32, #tpu.memory_space<vmem>>) semaphore(%arg11 : memref<!tpu.dma_semaphore, #tpu.memory_space<semaphore_mem>>)
      } else {
      }
    }
    %scan3A_37 = arith.constant 20 : i32
    %dma_wait3A_38 = arith.constant 39 : i32
    %dma_wait3A_39 = arith.constant 0 : i32
    %dma_wait3A_40 = tpu.memref_slice %arg7[%dma_wait3A_38, %dma_wait3A_39] : memref<40x128xi32, #tpu.memory_space<vmem>> -> memref<1x128xi32, #tpu.memory_space<vmem>>
    %dma_wait3A_41 = tpu.memref_squeeze %dma_wait3A_40 : memref<1x128xi32, #tpu.memory_space<vmem>> -> memref<128xi32, #tpu.memory_space<vmem>>
    %dma_wait3A_42 = arith.constant 0 : i32
    %dma_wait3A_43 = arith.constant 0 : i32
    %dma_wait3A_44 = tpu.memref_slice %arg10[%dma_wait3A_42, %dma_wait3A_43] : memref<10512x128xf32, #tpu.memory_space<vmem_shared>> -> memref<10512x128xf32, #tpu.memory_space<vmem_shared>>
    tpu.wait_indirect_dma semaphore(%arg14 : memref<!tpu.dma_semaphore, #tpu.memory_space<semaphore_mem>>) src(%arg9 : memref<128x128xf32, #tpu.memory_space<vmem>>) dst(%dma_wait3A_44 : memref<10512x128xf32, #tpu.memory_space<vmem_shared>>)
    %barrier3A_45 = arith.constant 0 : index
    tpu.barrier barrier_id(%barrier3A_45)
    %mul3A_46 = arith.constant 10000 : i32
    %mul3A_47 = arith.muli %arg0, %mul3A_46 : i32
    %add3A_48 = arith.addi %mul3A_47, %mul3A_2 : i32
    "tpu.region"() ({
      %run_scoped3A = tpu.sem_alloc : memref<!tpu.dma_semaphore, #tpu.memory_space<semaphore_mem>>
      %dma_start3A_54 = arith.constant 0 : i32
      %dma_start3A_55 = tpu.memref_slice %arg5[%add3A_48, %dma_start3A_54] : memref<20000x128xf32, #tpu.memory_space<hbm>> -> memref<624x128xf32, #tpu.memory_space<hbm>>
      %dma_start3A_56 = arith.constant 0 : i32
      %dma_start3A_57 = tpu.memref_slice %arg10[%mul3A_2, %dma_start3A_56] : memref<10512x128xf32, #tpu.memory_space<vmem_shared>> -> memref<624x128xf32, #tpu.memory_space<vmem_shared>>
      tpu.enqueue_dma source(%dma_start3A_57 : memref<624x128xf32, #tpu.memory_space<vmem_shared>>) target(%dma_start3A_55 : memref<624x128xf32, #tpu.memory_space<hbm>>) target_semaphore(%run_scoped3A : memref<!tpu.dma_semaphore, #tpu.memory_space<semaphore_mem>>)
      %dma_wait3A_58 = arith.constant 0 : i32
      %dma_wait3A_59 = tpu.memref_slice %arg5[%add3A_48, %dma_wait3A_58] : memref<20000x128xf32, #tpu.memory_space<hbm>> -> memref<624x128xf32, #tpu.memory_space<hbm>>
      %dma_wait3A_60 = arith.constant 0 : i32
      %dma_wait3A_61 = tpu.memref_slice %arg10[%mul3A_2, %dma_wait3A_60] : memref<10512x128xf32, #tpu.memory_space<vmem_shared>> -> memref<624x128xf32, #tpu.memory_space<vmem_shared>>
      tpu.wait_dma2 semaphore(%run_scoped3A : memref<!tpu.dma_semaphore, #tpu.memory_space<semaphore_mem>>) src(%dma_wait3A_61 : memref<624x128xf32, #tpu.memory_space<vmem_shared>>) dst(%dma_wait3A_59 : memref<624x128xf32, #tpu.memory_space<hbm>>)
      tpu.yield
    }) : () -> ()
    %eq3A_49 = arith.constant 0 : i32
    %eq3A_50 = arith.cmpi eq, %arg1, %eq3A_49 : i32
    %convert_element_type3A_51 = arith.extui %eq3A_50 : i1 to i32
    %cond3A_52 = arith.constant 0 : i32
    %cond3A_53 = arith.cmpi ne, %convert_element_type3A_51, %cond3A_52 : i32
    scf.if %cond3A_53 {
      %mul3A_54 = arith.constant 10000 : i32
      %mul3A_55 = arith.muli %arg0, %mul3A_54 : i32
      %add3A_56 = arith.constant 9984 : i32
      %add3A_57 = arith.addi %mul3A_55, %add3A_56 : i32
      "tpu.region"() ({
        %run_scoped3A = tpu.sem_alloc : memref<!tpu.dma_semaphore, #tpu.memory_space<semaphore_mem>>
        %dma_start3A_58 = arith.constant 0 : i32
        %dma_start3A_59 = tpu.memref_slice %arg5[%add3A_57, %dma_start3A_58] : memref<20000x128xf32, #tpu.memory_space<hbm>> -> memref<16x128xf32, #tpu.memory_space<hbm>>
        %dma_start3A_60 = arith.constant 9984 : i32
        %dma_start3A_61 = arith.constant 0 : i32
        %dma_start3A_62 = tpu.memref_slice %arg10[%dma_start3A_60, %dma_start3A_61] : memref<10512x128xf32, #tpu.memory_space<vmem_shared>> -> memref<16x128xf32, #tpu.memory_space<vmem_shared>>
        tpu.enqueue_dma source(%dma_start3A_62 : memref<16x128xf32, #tpu.memory_space<vmem_shared>>) target(%dma_start3A_59 : memref<16x128xf32, #tpu.memory_space<hbm>>) target_semaphore(%run_scoped3A : memref<!tpu.dma_semaphore, #tpu.memory_space<semaphore_mem>>)
        %dma_wait3A_63 = arith.constant 0 : i32
        %dma_wait3A_64 = tpu.memref_slice %arg5[%add3A_57, %dma_wait3A_63] : memref<20000x128xf32, #tpu.memory_space<hbm>> -> memref<16x128xf32, #tpu.memory_space<hbm>>
        %dma_wait3A_65 = arith.constant 9984 : i32
        %dma_wait3A_66 = arith.constant 0 : i32
        %dma_wait3A_67 = tpu.memref_slice %arg10[%dma_wait3A_65, %dma_wait3A_66] : memref<10512x128xf32, #tpu.memory_space<vmem_shared>> -> memref<16x128xf32, #tpu.memory_space<vmem_shared>>
        tpu.wait_dma2 semaphore(%run_scoped3A : memref<!tpu.dma_semaphore, #tpu.memory_space<semaphore_mem>>) src(%dma_wait3A_67 : memref<16x128xf32, #tpu.memory_space<vmem_shared>>) dst(%dma_wait3A_64 : memref<16x128xf32, #tpu.memory_space<hbm>>)
        tpu.yield
      }) : () -> ()
    } else {
    }
    return
  }
}

#map = affine_map<(d0, d1) -> (0, 0)>
#map1 = affine_map<(d0, d1) -> (0, 0, 0)>
module attributes {stable_mosaic.version = 14 : i64} {
  func.func @_sc_agg_body(%arg0: i32, %arg1: i32, %arg2: memref<20000x128xf32, #tpu.memory_space<hbm>>, %arg3: memref<32x80x128xi32, #tpu.memory_space<hbm>>, %arg4: memref<32x80x128xi32, #tpu.memory_space<hbm>>, %arg5: memref<20000x128xf32, #tpu.memory_space<hbm>>, %arg6: memref<40x128xi32, #tpu.memory_space<vmem>>, %arg7: memref<40x128xi32, #tpu.memory_space<vmem>>, %arg8: memref<128x128xf32, #tpu.memory_space<vmem>>, %arg9: memref<128x128xf32, #tpu.memory_space<vmem>>, %arg10: memref<10512x128xf32, #tpu.memory_space<vmem_shared>>, %arg11: memref<!tpu.dma_semaphore, #tpu.memory_space<semaphore_mem>>, %arg12: memref<!tpu.dma_semaphore, #tpu.memory_space<semaphore_mem>>, %arg13: memref<!tpu.dma_semaphore, #tpu.memory_space<semaphore_mem>>, %arg14: memref<!tpu.dma_semaphore, #tpu.memory_space<semaphore_mem>>) attributes {dimension_semantics = [#tpu.dimension_semantics<core_parallel>, #tpu.dimension_semantics<subcore_parallel>], iteration_bounds = array<i64: 2, 16>, scalar_prefetch = 0 : i64, scratch_operands = 9 : i64, tpu.core_type = #tpu.core_type<sc_vector_subcore>, window_params = [{transform_indices = #map}, {transform_indices = #map1}, {transform_indices = #map1}, {transform_indices = #map}]} {
    %mul3A = arith.constant 16 : i32
    %mul3A_0 = arith.muli %arg0, %mul3A : i32
    %add3A = arith.addi %mul3A_0, %arg1 : i32
    %mul3A_1 = arith.constant 624 : i32
    %mul3A_2 = arith.muli %arg1, %mul3A_1 : i32
    %mul3A_3 = arith.constant 10000 : i32
    %mul3A_4 = arith.muli %arg0, %mul3A_3 : i32
    %add3A_5 = arith.addi %mul3A_4, %mul3A_2 : i32
    "tpu.region"() ({
      %run_scoped3A = tpu.sem_alloc : memref<!tpu.dma_semaphore, #tpu.memory_space<semaphore_mem>>
      %dma_start3A_54 = arith.constant 0 : i32
      %dma_start3A_55 = tpu.memref_slice %arg10[%mul3A_2, %dma_start3A_54] : memref<10512x128xf32, #tpu.memory_space<vmem_shared>> -> memref<624x128xf32, #tpu.memory_space<vmem_shared>>
      %dma_start3A_56 = arith.constant 0 : i32
      %dma_start3A_57 = tpu.memref_slice %arg2[%add3A_5, %dma_start3A_56] : memref<20000x128xf32, #tpu.memory_space<hbm>> -> memref<624x128xf32, #tpu.memory_space<hbm>>
      tpu.enqueue_dma source(%dma_start3A_57 : memref<624x128xf32, #tpu.memory_space<hbm>>) target(%dma_start3A_55 : memref<624x128xf32, #tpu.memory_space<vmem_shared>>) target_semaphore(%run_scoped3A : memref<!tpu.dma_semaphore, #tpu.memory_space<semaphore_mem>>)
      %dma_wait3A_58 = arith.constant 0 : i32
      %dma_wait3A_59 = tpu.memref_slice %arg10[%mul3A_2, %dma_wait3A_58] : memref<10512x128xf32, #tpu.memory_space<vmem_shared>> -> memref<624x128xf32, #tpu.memory_space<vmem_shared>>
      %dma_wait3A_60 = arith.constant 0 : i32
      %dma_wait3A_61 = tpu.memref_slice %arg2[%add3A_5, %dma_wait3A_60] : memref<20000x128xf32, #tpu.memory_space<hbm>> -> memref<624x128xf32, #tpu.memory_space<hbm>>
      tpu.wait_dma2 semaphore(%run_scoped3A : memref<!tpu.dma_semaphore, #tpu.memory_space<semaphore_mem>>) src(%dma_wait3A_61 : memref<624x128xf32, #tpu.memory_space<hbm>>) dst(%dma_wait3A_59 : memref<624x128xf32, #tpu.memory_space<vmem_shared>>)
      tpu.yield
    }) : () -> ()
    %eq3A = arith.constant 0 : i32
    %eq3A_6 = arith.cmpi eq, %arg1, %eq3A : i32
    %convert_element_type3A = arith.extui %eq3A_6 : i1 to i32
    %cond3A = arith.constant 0 : i32
    %cond3A_7 = arith.cmpi ne, %convert_element_type3A, %cond3A : i32
    scf.if %cond3A_7 {
      %mul3A_54 = arith.constant 10000 : i32
      %mul3A_55 = arith.muli %arg0, %mul3A_54 : i32
      %add3A_56 = arith.constant 9984 : i32
      %add3A_57 = arith.addi %mul3A_55, %add3A_56 : i32
      "tpu.region"() ({
        %run_scoped3A = tpu.sem_alloc : memref<!tpu.dma_semaphore, #tpu.memory_space<semaphore_mem>>
        %dma_start3A_58 = arith.constant 9984 : i32
        %dma_start3A_59 = arith.constant 0 : i32
        %dma_start3A_60 = tpu.memref_slice %arg10[%dma_start3A_58, %dma_start3A_59] : memref<10512x128xf32, #tpu.memory_space<vmem_shared>> -> memref<16x128xf32, #tpu.memory_space<vmem_shared>>
        %dma_start3A_61 = arith.constant 0 : i32
        %dma_start3A_62 = tpu.memref_slice %arg2[%add3A_57, %dma_start3A_61] : memref<20000x128xf32, #tpu.memory_space<hbm>> -> memref<16x128xf32, #tpu.memory_space<hbm>>
        tpu.enqueue_dma source(%dma_start3A_62 : memref<16x128xf32, #tpu.memory_space<hbm>>) target(%dma_start3A_60 : memref<16x128xf32, #tpu.memory_space<vmem_shared>>) target_semaphore(%run_scoped3A : memref<!tpu.dma_semaphore, #tpu.memory_space<semaphore_mem>>)
        %dma_wait3A_63 = arith.constant 9984 : i32
        %dma_wait3A_64 = arith.constant 0 : i32
        %dma_wait3A_65 = tpu.memref_slice %arg10[%dma_wait3A_63, %dma_wait3A_64] : memref<10512x128xf32, #tpu.memory_space<vmem_shared>> -> memref<16x128xf32, #tpu.memory_space<vmem_shared>>
        %dma_wait3A_66 = arith.constant 0 : i32
        %dma_wait3A_67 = tpu.memref_slice %arg2[%add3A_57, %dma_wait3A_66] : memref<20000x128xf32, #tpu.memory_space<hbm>> -> memref<16x128xf32, #tpu.memory_space<hbm>>
        tpu.wait_dma2 semaphore(%run_scoped3A : memref<!tpu.dma_semaphore, #tpu.memory_space<semaphore_mem>>) src(%dma_wait3A_67 : memref<16x128xf32, #tpu.memory_space<hbm>>) dst(%dma_wait3A_65 : memref<16x128xf32, #tpu.memory_space<vmem_shared>>)
        tpu.yield
      }) : () -> ()
    } else {
    }
    %barrier3A = arith.constant 0 : index
    tpu.barrier barrier_id(%barrier3A)
    "tpu.region"() ({
      %run_scoped3A = tpu.sem_alloc : memref<!tpu.dma_semaphore, #tpu.memory_space<semaphore_mem>>
      %dma_start3A_54 = arith.constant 0 : i32
      %dma_start3A_55 = arith.constant 0 : i32
      %dma_start3A_56 = tpu.memref_slice %arg3[%add3A, %dma_start3A_54, %dma_start3A_55] : memref<32x80x128xi32, #tpu.memory_space<hbm>> -> memref<1x40x128xi32, #tpu.memory_space<hbm>>
      %dma_start3A_57 = tpu.memref_squeeze %dma_start3A_56 : memref<1x40x128xi32, #tpu.memory_space<hbm>> -> memref<40x128xi32, #tpu.memory_space<hbm>>
      %dma_start3A_58 = arith.constant 0 : i32
      %dma_start3A_59 = arith.constant 0 : i32
      %dma_start3A_60 = tpu.memref_slice %arg3[%add3A, %dma_start3A_58, %dma_start3A_59] : memref<32x80x128xi32, #tpu.memory_space<hbm>> -> memref<1x40x128xi32, #tpu.memory_space<hbm>>
      %dma_start3A_61 = tpu.memref_squeeze %dma_start3A_60 : memref<1x40x128xi32, #tpu.memory_space<hbm>> -> memref<40x128xi32, #tpu.memory_space<hbm>>
      tpu.enqueue_dma source(%dma_start3A_61 : memref<40x128xi32, #tpu.memory_space<hbm>>) target(%arg6 : memref<40x128xi32, #tpu.memory_space<vmem>>) target_semaphore(%run_scoped3A : memref<!tpu.dma_semaphore, #tpu.memory_space<semaphore_mem>>)
      %dma_wait3A_62 = arith.constant 0 : i32
      %dma_wait3A_63 = arith.constant 0 : i32
      %dma_wait3A_64 = tpu.memref_slice %arg3[%add3A, %dma_wait3A_62, %dma_wait3A_63] : memref<32x80x128xi32, #tpu.memory_space<hbm>> -> memref<1x40x128xi32, #tpu.memory_space<hbm>>
      %dma_wait3A_65 = tpu.memref_squeeze %dma_wait3A_64 : memref<1x40x128xi32, #tpu.memory_space<hbm>> -> memref<40x128xi32, #tpu.memory_space<hbm>>
      %dma_wait3A_66 = arith.constant 0 : i32
      %dma_wait3A_67 = arith.constant 0 : i32
      %dma_wait3A_68 = tpu.memref_slice %arg3[%add3A, %dma_wait3A_66, %dma_wait3A_67] : memref<32x80x128xi32, #tpu.memory_space<hbm>> -> memref<1x40x128xi32, #tpu.memory_space<hbm>>
      %dma_wait3A_69 = tpu.memref_squeeze %dma_wait3A_68 : memref<1x40x128xi32, #tpu.memory_space<hbm>> -> memref<40x128xi32, #tpu.memory_space<hbm>>
      tpu.wait_dma2 semaphore(%run_scoped3A : memref<!tpu.dma_semaphore, #tpu.memory_space<semaphore_mem>>) src(%dma_wait3A_69 : memref<40x128xi32, #tpu.memory_space<hbm>>) dst(%arg6 : memref<40x128xi32, #tpu.memory_space<vmem>>)
      tpu.yield
    }) : () -> ()
    "tpu.region"() ({
      %run_scoped3A = tpu.sem_alloc : memref<!tpu.dma_semaphore, #tpu.memory_space<semaphore_mem>>
      %dma_start3A_54 = arith.constant 0 : i32
      %dma_start3A_55 = arith.constant 0 : i32
      %dma_start3A_56 = tpu.memref_slice %arg4[%add3A, %dma_start3A_54, %dma_start3A_55] : memref<32x80x128xi32, #tpu.memory_space<hbm>> -> memref<1x40x128xi32, #tpu.memory_space<hbm>>
      %dma_start3A_57 = tpu.memref_squeeze %dma_start3A_56 : memref<1x40x128xi32, #tpu.memory_space<hbm>> -> memref<40x128xi32, #tpu.memory_space<hbm>>
      %dma_start3A_58 = arith.constant 0 : i32
      %dma_start3A_59 = arith.constant 0 : i32
      %dma_start3A_60 = tpu.memref_slice %arg4[%add3A, %dma_start3A_58, %dma_start3A_59] : memref<32x80x128xi32, #tpu.memory_space<hbm>> -> memref<1x40x128xi32, #tpu.memory_space<hbm>>
      %dma_start3A_61 = tpu.memref_squeeze %dma_start3A_60 : memref<1x40x128xi32, #tpu.memory_space<hbm>> -> memref<40x128xi32, #tpu.memory_space<hbm>>
      tpu.enqueue_dma source(%dma_start3A_61 : memref<40x128xi32, #tpu.memory_space<hbm>>) target(%arg7 : memref<40x128xi32, #tpu.memory_space<vmem>>) target_semaphore(%run_scoped3A : memref<!tpu.dma_semaphore, #tpu.memory_space<semaphore_mem>>)
      %dma_wait3A_62 = arith.constant 0 : i32
      %dma_wait3A_63 = arith.constant 0 : i32
      %dma_wait3A_64 = tpu.memref_slice %arg4[%add3A, %dma_wait3A_62, %dma_wait3A_63] : memref<32x80x128xi32, #tpu.memory_space<hbm>> -> memref<1x40x128xi32, #tpu.memory_space<hbm>>
      %dma_wait3A_65 = tpu.memref_squeeze %dma_wait3A_64 : memref<1x40x128xi32, #tpu.memory_space<hbm>> -> memref<40x128xi32, #tpu.memory_space<hbm>>
      %dma_wait3A_66 = arith.constant 0 : i32
      %dma_wait3A_67 = arith.constant 0 : i32
      %dma_wait3A_68 = tpu.memref_slice %arg4[%add3A, %dma_wait3A_66, %dma_wait3A_67] : memref<32x80x128xi32, #tpu.memory_space<hbm>> -> memref<1x40x128xi32, #tpu.memory_space<hbm>>
      %dma_wait3A_69 = tpu.memref_squeeze %dma_wait3A_68 : memref<1x40x128xi32, #tpu.memory_space<hbm>> -> memref<40x128xi32, #tpu.memory_space<hbm>>
      tpu.wait_dma2 semaphore(%run_scoped3A : memref<!tpu.dma_semaphore, #tpu.memory_space<semaphore_mem>>) src(%dma_wait3A_69 : memref<40x128xi32, #tpu.memory_space<hbm>>) dst(%arg7 : memref<40x128xi32, #tpu.memory_space<vmem>>)
      tpu.yield
    }) : () -> ()
    %dma_start3A = arith.constant 0 : i32
    %dma_start3A_8 = arith.constant 0 : i32
    %dma_start3A_9 = tpu.memref_slice %arg6[%dma_start3A, %dma_start3A_8] : memref<40x128xi32, #tpu.memory_space<vmem>> -> memref<1x128xi32, #tpu.memory_space<vmem>>
    %dma_start3A_10 = tpu.memref_squeeze %dma_start3A_9 : memref<1x128xi32, #tpu.memory_space<vmem>> -> memref<128xi32, #tpu.memory_space<vmem>>
    %dma_start3A_11 = arith.constant 0 : i32
    %dma_start3A_12 = arith.constant 0 : i32
    %dma_start3A_13 = tpu.memref_slice %arg2[%dma_start3A_11, %dma_start3A_12] : memref<20000x128xf32, #tpu.memory_space<hbm>> -> memref<20000x128xf32, #tpu.memory_space<hbm>>
    tpu.enqueue_indirect_dma source(%dma_start3A_13 : memref<20000x128xf32, #tpu.memory_space<hbm>>) target(%arg8 : memref<128x128xf32, #tpu.memory_space<vmem>>) offsets(%dma_start3A_10 : memref<128xi32, #tpu.memory_space<vmem>>) semaphore(%arg11 : memref<!tpu.dma_semaphore, #tpu.memory_space<semaphore_mem>>)
    %scan3A = arith.constant 0 : i32
    %scan3A_14 = arith.constant 0 : i32
    %scan3A_15 = arith.constant 20 : i32
    %scan3A_16 = arith.addi %scan3A_14, %scan3A_15 : i32
    %scan3A_17 = arith.constant 1 : i32
    scf.for %scan3A_54 = %scan3A_14 to %scan3A_16 step %scan3A_17  : i32 {
      %mul3A_55 = arith.constant 2 : i32
      %mul3A_56 = arith.muli %scan3A_54, %mul3A_55 : i32
      %add3A_57 = arith.constant 0 : i32
      %add3A_58 = arith.addi %mul3A_56, %add3A_57 : i32
      %dma_wait3A_59 = arith.constant 0 : i32
      %dma_wait3A_60 = tpu.memref_slice %arg6[%add3A_58, %dma_wait3A_59] : memref<40x128xi32, #tpu.memory_space<vmem>> -> memref<1x128xi32, #tpu.memory_space<vmem>>
      %dma_wait3A_61 = tpu.memref_squeeze %dma_wait3A_60 : memref<1x128xi32, #tpu.memory_space<vmem>> -> memref<128xi32, #tpu.memory_space<vmem>>
      %dma_wait3A_62 = arith.constant 0 : i32
      %dma_wait3A_63 = arith.constant 0 : i32
      %dma_wait3A_64 = tpu.memref_slice %arg2[%dma_wait3A_62, %dma_wait3A_63] : memref<20000x128xf32, #tpu.memory_space<hbm>> -> memref<20000x128xf32, #tpu.memory_space<hbm>>
      tpu.wait_indirect_dma semaphore(%arg11 : memref<!tpu.dma_semaphore, #tpu.memory_space<semaphore_mem>>) src(%dma_wait3A_64 : memref<20000x128xf32, #tpu.memory_space<hbm>>) dst(%arg8 : memref<128x128xf32, #tpu.memory_space<vmem>>)
      %dma_start3A_65 = arith.constant 0 : i32
      %dma_start3A_66 = tpu.memref_slice %arg7[%add3A_58, %dma_start3A_65] : memref<40x128xi32, #tpu.memory_space<vmem>> -> memref<1x128xi32, #tpu.memory_space<vmem>>
      %dma_start3A_67 = tpu.memref_squeeze %dma_start3A_66 : memref<1x128xi32, #tpu.memory_space<vmem>> -> memref<128xi32, #tpu.memory_space<vmem>>
      %dma_start3A_68 = arith.constant 0 : i32
      %dma_start3A_69 = arith.constant 0 : i32
      %dma_start3A_70 = tpu.memref_slice %arg10[%dma_start3A_68, %dma_start3A_69] : memref<10512x128xf32, #tpu.memory_space<vmem_shared>> -> memref<10512x128xf32, #tpu.memory_space<vmem_shared>>
      tpu.enqueue_indirect_dma source(%arg8 : memref<128x128xf32, #tpu.memory_space<vmem>>) target(%dma_start3A_70 : memref<10512x128xf32, #tpu.memory_space<vmem_shared>>) offsets(%dma_start3A_67 : memref<128xi32, #tpu.memory_space<vmem>>) semaphore(%arg13 : memref<!tpu.dma_semaphore, #tpu.memory_space<semaphore_mem>>) {add = true}
      %ge3A = arith.constant 1 : i32
      %ge3A_71 = arith.cmpi sge, %add3A_58, %ge3A : i32
      %convert_element_type3A_72 = arith.extui %ge3A_71 : i1 to i32
      %cond3A_73 = arith.constant 0 : i32
      %cond3A_74 = arith.cmpi ne, %convert_element_type3A_72, %cond3A_73 : i32
      scf.if %cond3A_74 {
        %sub3A = arith.constant 1 : i32
        %sub3A_109 = arith.subi %add3A_58, %sub3A : i32
        %dma_wait3A_110 = arith.constant 0 : i32
        %dma_wait3A_111 = tpu.memref_slice %arg7[%sub3A_109, %dma_wait3A_110] : memref<40x128xi32, #tpu.memory_space<vmem>> -> memref<1x128xi32, #tpu.memory_space<vmem>>
        %dma_wait3A_112 = tpu.memref_squeeze %dma_wait3A_111 : memref<1x128xi32, #tpu.memory_space<vmem>> -> memref<128xi32, #tpu.memory_space<vmem>>
        %dma_wait3A_113 = arith.constant 0 : i32
        %dma_wait3A_114 = arith.constant 0 : i32
        %dma_wait3A_115 = tpu.memref_slice %arg10[%dma_wait3A_113, %dma_wait3A_114] : memref<10512x128xf32, #tpu.memory_space<vmem_shared>> -> memref<10512x128xf32, #tpu.memory_space<vmem_shared>>
        tpu.wait_indirect_dma semaphore(%arg14 : memref<!tpu.dma_semaphore, #tpu.memory_space<semaphore_mem>>) src(%arg9 : memref<128x128xf32, #tpu.memory_space<vmem>>) dst(%dma_wait3A_115 : memref<10512x128xf32, #tpu.memory_space<vmem_shared>>)
      } else {
      }
      %add3A_75 = arith.constant 1 : i32
      %add3A_76 = arith.addi %add3A_58, %add3A_75 : i32
      %lt3A = arith.constant 40 : i32
      %lt3A_77 = arith.cmpi slt, %add3A_76, %lt3A : i32
      %convert_element_type3A_78 = arith.extui %lt3A_77 : i1 to i32
      %cond3A_79 = arith.constant 0 : i32
      %cond3A_80 = arith.cmpi ne, %convert_element_type3A_78, %cond3A_79 : i32
      scf.if %cond3A_80 {
        %add3A_109 = arith.constant 1 : i32
        %add3A_110 = arith.addi %add3A_58, %add3A_109 : i32
        %dma_start3A_111 = arith.constant 0 : i32
        %dma_start3A_112 = tpu.memref_slice %arg6[%add3A_110, %dma_start3A_111] : memref<40x128xi32, #tpu.memory_space<vmem>> -> memref<1x128xi32, #tpu.memory_space<vmem>>
        %dma_start3A_113 = tpu.memref_squeeze %dma_start3A_112 : memref<1x128xi32, #tpu.memory_space<vmem>> -> memref<128xi32, #tpu.memory_space<vmem>>
        %dma_start3A_114 = arith.constant 0 : i32
        %dma_start3A_115 = arith.constant 0 : i32
        %dma_start3A_116 = tpu.memref_slice %arg2[%dma_start3A_114, %dma_start3A_115] : memref<20000x128xf32, #tpu.memory_space<hbm>> -> memref<20000x128xf32, #tpu.memory_space<hbm>>
        tpu.enqueue_indirect_dma source(%dma_start3A_116 : memref<20000x128xf32, #tpu.memory_space<hbm>>) target(%arg9 : memref<128x128xf32, #tpu.memory_space<vmem>>) offsets(%dma_start3A_113 : memref<128xi32, #tpu.memory_space<vmem>>) semaphore(%arg12 : memref<!tpu.dma_semaphore, #tpu.memory_space<semaphore_mem>>)
      } else {
      }
      %mul3A_81 = arith.constant 2 : i32
      %mul3A_82 = arith.muli %scan3A_54, %mul3A_81 : i32
      %add3A_83 = arith.constant 1 : i32
      %add3A_84 = arith.addi %mul3A_82, %add3A_83 : i32
      %dma_wait3A_85 = arith.constant 0 : i32
      %dma_wait3A_86 = tpu.memref_slice %arg6[%add3A_84, %dma_wait3A_85] : memref<40x128xi32, #tpu.memory_space<vmem>> -> memref<1x128xi32, #tpu.memory_space<vmem>>
      %dma_wait3A_87 = tpu.memref_squeeze %dma_wait3A_86 : memref<1x128xi32, #tpu.memory_space<vmem>> -> memref<128xi32, #tpu.memory_space<vmem>>
      %dma_wait3A_88 = arith.constant 0 : i32
      %dma_wait3A_89 = arith.constant 0 : i32
      %dma_wait3A_90 = tpu.memref_slice %arg2[%dma_wait3A_88, %dma_wait3A_89] : memref<20000x128xf32, #tpu.memory_space<hbm>> -> memref<20000x128xf32, #tpu.memory_space<hbm>>
      tpu.wait_indirect_dma semaphore(%arg12 : memref<!tpu.dma_semaphore, #tpu.memory_space<semaphore_mem>>) src(%dma_wait3A_90 : memref<20000x128xf32, #tpu.memory_space<hbm>>) dst(%arg9 : memref<128x128xf32, #tpu.memory_space<vmem>>)
      %dma_start3A_91 = arith.constant 0 : i32
      %dma_start3A_92 = tpu.memref_slice %arg7[%add3A_84, %dma_start3A_91] : memref<40x128xi32, #tpu.memory_space<vmem>> -> memref<1x128xi32, #tpu.memory_space<vmem>>
      %dma_start3A_93 = tpu.memref_squeeze %dma_start3A_92 : memref<1x128xi32, #tpu.memory_space<vmem>> -> memref<128xi32, #tpu.memory_space<vmem>>
      %dma_start3A_94 = arith.constant 0 : i32
      %dma_start3A_95 = arith.constant 0 : i32
      %dma_start3A_96 = tpu.memref_slice %arg10[%dma_start3A_94, %dma_start3A_95] : memref<10512x128xf32, #tpu.memory_space<vmem_shared>> -> memref<10512x128xf32, #tpu.memory_space<vmem_shared>>
      tpu.enqueue_indirect_dma source(%arg9 : memref<128x128xf32, #tpu.memory_space<vmem>>) target(%dma_start3A_96 : memref<10512x128xf32, #tpu.memory_space<vmem_shared>>) offsets(%dma_start3A_93 : memref<128xi32, #tpu.memory_space<vmem>>) semaphore(%arg14 : memref<!tpu.dma_semaphore, #tpu.memory_space<semaphore_mem>>) {add = true}
      %ge3A_97 = arith.constant 1 : i32
      %ge3A_98 = arith.cmpi sge, %add3A_84, %ge3A_97 : i32
      %convert_element_type3A_99 = arith.extui %ge3A_98 : i1 to i32
      %cond3A_100 = arith.constant 0 : i32
      %cond3A_101 = arith.cmpi ne, %convert_element_type3A_99, %cond3A_100 : i32
      scf.if %cond3A_101 {
        %sub3A = arith.constant 1 : i32
        %sub3A_109 = arith.subi %add3A_84, %sub3A : i32
        %dma_wait3A_110 = arith.constant 0 : i32
        %dma_wait3A_111 = tpu.memref_slice %arg7[%sub3A_109, %dma_wait3A_110] : memref<40x128xi32, #tpu.memory_space<vmem>> -> memref<1x128xi32, #tpu.memory_space<vmem>>
        %dma_wait3A_112 = tpu.memref_squeeze %dma_wait3A_111 : memref<1x128xi32, #tpu.memory_space<vmem>> -> memref<128xi32, #tpu.memory_space<vmem>>
        %dma_wait3A_113 = arith.constant 0 : i32
        %dma_wait3A_114 = arith.constant 0 : i32
        %dma_wait3A_115 = tpu.memref_slice %arg10[%dma_wait3A_113, %dma_wait3A_114] : memref<10512x128xf32, #tpu.memory_space<vmem_shared>> -> memref<10512x128xf32, #tpu.memory_space<vmem_shared>>
        tpu.wait_indirect_dma semaphore(%arg13 : memref<!tpu.dma_semaphore, #tpu.memory_space<semaphore_mem>>) src(%arg8 : memref<128x128xf32, #tpu.memory_space<vmem>>) dst(%dma_wait3A_115 : memref<10512x128xf32, #tpu.memory_space<vmem_shared>>)
      } else {
      }
      %add3A_102 = arith.constant 1 : i32
      %add3A_103 = arith.addi %add3A_84, %add3A_102 : i32
      %lt3A_104 = arith.constant 40 : i32
      %lt3A_105 = arith.cmpi slt, %add3A_103, %lt3A_104 : i32
      %convert_element_type3A_106 = arith.extui %lt3A_105 : i1 to i32
      %cond3A_107 = arith.constant 0 : i32
      %cond3A_108 = arith.cmpi ne, %convert_element_type3A_106, %cond3A_107 : i32
      scf.if %cond3A_108 {
        %add3A_109 = arith.constant 1 : i32
        %add3A_110 = arith.addi %add3A_84, %add3A_109 : i32
        %dma_start3A_111 = arith.constant 0 : i32
        %dma_start3A_112 = tpu.memref_slice %arg6[%add3A_110, %dma_start3A_111] : memref<40x128xi32, #tpu.memory_space<vmem>> -> memref<1x128xi32, #tpu.memory_space<vmem>>
        %dma_start3A_113 = tpu.memref_squeeze %dma_start3A_112 : memref<1x128xi32, #tpu.memory_space<vmem>> -> memref<128xi32, #tpu.memory_space<vmem>>
        %dma_start3A_114 = arith.constant 0 : i32
        %dma_start3A_115 = arith.constant 0 : i32
        %dma_start3A_116 = tpu.memref_slice %arg2[%dma_start3A_114, %dma_start3A_115] : memref<20000x128xf32, #tpu.memory_space<hbm>> -> memref<20000x128xf32, #tpu.memory_space<hbm>>
        tpu.enqueue_indirect_dma source(%dma_start3A_116 : memref<20000x128xf32, #tpu.memory_space<hbm>>) target(%arg8 : memref<128x128xf32, #tpu.memory_space<vmem>>) offsets(%dma_start3A_113 : memref<128xi32, #tpu.memory_space<vmem>>) semaphore(%arg11 : memref<!tpu.dma_semaphore, #tpu.memory_space<semaphore_mem>>)
      } else {
      }
    }
    %scan3A_18 = arith.constant 20 : i32
    %dma_wait3A = arith.constant 39 : i32
    %dma_wait3A_19 = arith.constant 0 : i32
    %dma_wait3A_20 = tpu.memref_slice %arg7[%dma_wait3A, %dma_wait3A_19] : memref<40x128xi32, #tpu.memory_space<vmem>> -> memref<1x128xi32, #tpu.memory_space<vmem>>
    %dma_wait3A_21 = tpu.memref_squeeze %dma_wait3A_20 : memref<1x128xi32, #tpu.memory_space<vmem>> -> memref<128xi32, #tpu.memory_space<vmem>>
    %dma_wait3A_22 = arith.constant 0 : i32
    %dma_wait3A_23 = arith.constant 0 : i32
    %dma_wait3A_24 = tpu.memref_slice %arg10[%dma_wait3A_22, %dma_wait3A_23] : memref<10512x128xf32, #tpu.memory_space<vmem_shared>> -> memref<10512x128xf32, #tpu.memory_space<vmem_shared>>
    tpu.wait_indirect_dma semaphore(%arg14 : memref<!tpu.dma_semaphore, #tpu.memory_space<semaphore_mem>>) src(%arg9 : memref<128x128xf32, #tpu.memory_space<vmem>>) dst(%dma_wait3A_24 : memref<10512x128xf32, #tpu.memory_space<vmem_shared>>)
    "tpu.region"() ({
      %run_scoped3A = tpu.sem_alloc : memref<!tpu.dma_semaphore, #tpu.memory_space<semaphore_mem>>
      %dma_start3A_54 = arith.constant 40 : i32
      %dma_start3A_55 = arith.constant 0 : i32
      %dma_start3A_56 = tpu.memref_slice %arg3[%add3A, %dma_start3A_54, %dma_start3A_55] : memref<32x80x128xi32, #tpu.memory_space<hbm>> -> memref<1x40x128xi32, #tpu.memory_space<hbm>>
      %dma_start3A_57 = tpu.memref_squeeze %dma_start3A_56 : memref<1x40x128xi32, #tpu.memory_space<hbm>> -> memref<40x128xi32, #tpu.memory_space<hbm>>
      %dma_start3A_58 = arith.constant 40 : i32
      %dma_start3A_59 = arith.constant 0 : i32
      %dma_start3A_60 = tpu.memref_slice %arg3[%add3A, %dma_start3A_58, %dma_start3A_59] : memref<32x80x128xi32, #tpu.memory_space<hbm>> -> memref<1x40x128xi32, #tpu.memory_space<hbm>>
      %dma_start3A_61 = tpu.memref_squeeze %dma_start3A_60 : memref<1x40x128xi32, #tpu.memory_space<hbm>> -> memref<40x128xi32, #tpu.memory_space<hbm>>
      tpu.enqueue_dma source(%dma_start3A_61 : memref<40x128xi32, #tpu.memory_space<hbm>>) target(%arg6 : memref<40x128xi32, #tpu.memory_space<vmem>>) target_semaphore(%run_scoped3A : memref<!tpu.dma_semaphore, #tpu.memory_space<semaphore_mem>>)
      %dma_wait3A_62 = arith.constant 40 : i32
      %dma_wait3A_63 = arith.constant 0 : i32
      %dma_wait3A_64 = tpu.memref_slice %arg3[%add3A, %dma_wait3A_62, %dma_wait3A_63] : memref<32x80x128xi32, #tpu.memory_space<hbm>> -> memref<1x40x128xi32, #tpu.memory_space<hbm>>
      %dma_wait3A_65 = tpu.memref_squeeze %dma_wait3A_64 : memref<1x40x128xi32, #tpu.memory_space<hbm>> -> memref<40x128xi32, #tpu.memory_space<hbm>>
      %dma_wait3A_66 = arith.constant 40 : i32
      %dma_wait3A_67 = arith.constant 0 : i32
      %dma_wait3A_68 = tpu.memref_slice %arg3[%add3A, %dma_wait3A_66, %dma_wait3A_67] : memref<32x80x128xi32, #tpu.memory_space<hbm>> -> memref<1x40x128xi32, #tpu.memory_space<hbm>>
      %dma_wait3A_69 = tpu.memref_squeeze %dma_wait3A_68 : memref<1x40x128xi32, #tpu.memory_space<hbm>> -> memref<40x128xi32, #tpu.memory_space<hbm>>
      tpu.wait_dma2 semaphore(%run_scoped3A : memref<!tpu.dma_semaphore, #tpu.memory_space<semaphore_mem>>) src(%dma_wait3A_69 : memref<40x128xi32, #tpu.memory_space<hbm>>) dst(%arg6 : memref<40x128xi32, #tpu.memory_space<vmem>>)
      tpu.yield
    }) : () -> ()
    "tpu.region"() ({
      %run_scoped3A = tpu.sem_alloc : memref<!tpu.dma_semaphore, #tpu.memory_space<semaphore_mem>>
      %dma_start3A_54 = arith.constant 40 : i32
      %dma_start3A_55 = arith.constant 0 : i32
      %dma_start3A_56 = tpu.memref_slice %arg4[%add3A, %dma_start3A_54, %dma_start3A_55] : memref<32x80x128xi32, #tpu.memory_space<hbm>> -> memref<1x40x128xi32, #tpu.memory_space<hbm>>
      %dma_start3A_57 = tpu.memref_squeeze %dma_start3A_56 : memref<1x40x128xi32, #tpu.memory_space<hbm>> -> memref<40x128xi32, #tpu.memory_space<hbm>>
      %dma_start3A_58 = arith.constant 40 : i32
      %dma_start3A_59 = arith.constant 0 : i32
      %dma_start3A_60 = tpu.memref_slice %arg4[%add3A, %dma_start3A_58, %dma_start3A_59] : memref<32x80x128xi32, #tpu.memory_space<hbm>> -> memref<1x40x128xi32, #tpu.memory_space<hbm>>
      %dma_start3A_61 = tpu.memref_squeeze %dma_start3A_60 : memref<1x40x128xi32, #tpu.memory_space<hbm>> -> memref<40x128xi32, #tpu.memory_space<hbm>>
      tpu.enqueue_dma source(%dma_start3A_61 : memref<40x128xi32, #tpu.memory_space<hbm>>) target(%arg7 : memref<40x128xi32, #tpu.memory_space<vmem>>) target_semaphore(%run_scoped3A : memref<!tpu.dma_semaphore, #tpu.memory_space<semaphore_mem>>)
      %dma_wait3A_62 = arith.constant 40 : i32
      %dma_wait3A_63 = arith.constant 0 : i32
      %dma_wait3A_64 = tpu.memref_slice %arg4[%add3A, %dma_wait3A_62, %dma_wait3A_63] : memref<32x80x128xi32, #tpu.memory_space<hbm>> -> memref<1x40x128xi32, #tpu.memory_space<hbm>>
      %dma_wait3A_65 = tpu.memref_squeeze %dma_wait3A_64 : memref<1x40x128xi32, #tpu.memory_space<hbm>> -> memref<40x128xi32, #tpu.memory_space<hbm>>
      %dma_wait3A_66 = arith.constant 40 : i32
      %dma_wait3A_67 = arith.constant 0 : i32
      %dma_wait3A_68 = tpu.memref_slice %arg4[%add3A, %dma_wait3A_66, %dma_wait3A_67] : memref<32x80x128xi32, #tpu.memory_space<hbm>> -> memref<1x40x128xi32, #tpu.memory_space<hbm>>
      %dma_wait3A_69 = tpu.memref_squeeze %dma_wait3A_68 : memref<1x40x128xi32, #tpu.memory_space<hbm>> -> memref<40x128xi32, #tpu.memory_space<hbm>>
      tpu.wait_dma2 semaphore(%run_scoped3A : memref<!tpu.dma_semaphore, #tpu.memory_space<semaphore_mem>>) src(%dma_wait3A_69 : memref<40x128xi32, #tpu.memory_space<hbm>>) dst(%arg7 : memref<40x128xi32, #tpu.memory_space<vmem>>)
      tpu.yield
    }) : () -> ()
    %dma_start3A_25 = arith.constant 0 : i32
    %dma_start3A_26 = arith.constant 0 : i32
    %dma_start3A_27 = tpu.memref_slice %arg6[%dma_start3A_25, %dma_start3A_26] : memref<40x128xi32, #tpu.memory_space<vmem>> -> memref<1x128xi32, #tpu.memory_space<vmem>>
    %dma_start3A_28 = tpu.memref_squeeze %dma_start3A_27 : memref<1x128xi32, #tpu.memory_space<vmem>> -> memref<128xi32, #tpu.memory_space<vmem>>
    %dma_start3A_29 = arith.constant 0 : i32
    %dma_start3A_30 = arith.constant 0 : i32
    %dma_start3A_31 = tpu.memref_slice %arg2[%dma_start3A_29, %dma_start3A_30] : memref<20000x128xf32, #tpu.memory_space<hbm>> -> memref<20000x128xf32, #tpu.memory_space<hbm>>
    tpu.enqueue_indirect_dma source(%dma_start3A_31 : memref<20000x128xf32, #tpu.memory_space<hbm>>) target(%arg8 : memref<128x128xf32, #tpu.memory_space<vmem>>) offsets(%dma_start3A_28 : memref<128xi32, #tpu.memory_space<vmem>>) semaphore(%arg11 : memref<!tpu.dma_semaphore, #tpu.memory_space<semaphore_mem>>)
    %scan3A_32 = arith.constant 0 : i32
    %scan3A_33 = arith.constant 0 : i32
    %scan3A_34 = arith.constant 20 : i32
    %scan3A_35 = arith.addi %scan3A_33, %scan3A_34 : i32
    %scan3A_36 = arith.constant 1 : i32
    scf.for %scan3A_54 = %scan3A_33 to %scan3A_35 step %scan3A_36  : i32 {
      %mul3A_55 = arith.constant 2 : i32
      %mul3A_56 = arith.muli %scan3A_54, %mul3A_55 : i32
      %add3A_57 = arith.constant 0 : i32
      %add3A_58 = arith.addi %mul3A_56, %add3A_57 : i32
      %dma_wait3A_59 = arith.constant 0 : i32
      %dma_wait3A_60 = tpu.memref_slice %arg6[%add3A_58, %dma_wait3A_59] : memref<40x128xi32, #tpu.memory_space<vmem>> -> memref<1x128xi32, #tpu.memory_space<vmem>>
      %dma_wait3A_61 = tpu.memref_squeeze %dma_wait3A_60 : memref<1x128xi32, #tpu.memory_space<vmem>> -> memref<128xi32, #tpu.memory_space<vmem>>
      %dma_wait3A_62 = arith.constant 0 : i32
      %dma_wait3A_63 = arith.constant 0 : i32
      %dma_wait3A_64 = tpu.memref_slice %arg2[%dma_wait3A_62, %dma_wait3A_63] : memref<20000x128xf32, #tpu.memory_space<hbm>> -> memref<20000x128xf32, #tpu.memory_space<hbm>>
      tpu.wait_indirect_dma semaphore(%arg11 : memref<!tpu.dma_semaphore, #tpu.memory_space<semaphore_mem>>) src(%dma_wait3A_64 : memref<20000x128xf32, #tpu.memory_space<hbm>>) dst(%arg8 : memref<128x128xf32, #tpu.memory_space<vmem>>)
      %dma_start3A_65 = arith.constant 0 : i32
      %dma_start3A_66 = tpu.memref_slice %arg7[%add3A_58, %dma_start3A_65] : memref<40x128xi32, #tpu.memory_space<vmem>> -> memref<1x128xi32, #tpu.memory_space<vmem>>
      %dma_start3A_67 = tpu.memref_squeeze %dma_start3A_66 : memref<1x128xi32, #tpu.memory_space<vmem>> -> memref<128xi32, #tpu.memory_space<vmem>>
      %dma_start3A_68 = arith.constant 0 : i32
      %dma_start3A_69 = arith.constant 0 : i32
      %dma_start3A_70 = tpu.memref_slice %arg10[%dma_start3A_68, %dma_start3A_69] : memref<10512x128xf32, #tpu.memory_space<vmem_shared>> -> memref<10512x128xf32, #tpu.memory_space<vmem_shared>>
      tpu.enqueue_indirect_dma source(%arg8 : memref<128x128xf32, #tpu.memory_space<vmem>>) target(%dma_start3A_70 : memref<10512x128xf32, #tpu.memory_space<vmem_shared>>) offsets(%dma_start3A_67 : memref<128xi32, #tpu.memory_space<vmem>>) semaphore(%arg13 : memref<!tpu.dma_semaphore, #tpu.memory_space<semaphore_mem>>) {add = true}
      %ge3A = arith.constant 1 : i32
      %ge3A_71 = arith.cmpi sge, %add3A_58, %ge3A : i32
      %convert_element_type3A_72 = arith.extui %ge3A_71 : i1 to i32
      %cond3A_73 = arith.constant 0 : i32
      %cond3A_74 = arith.cmpi ne, %convert_element_type3A_72, %cond3A_73 : i32
      scf.if %cond3A_74 {
        %sub3A = arith.constant 1 : i32
        %sub3A_109 = arith.subi %add3A_58, %sub3A : i32
        %dma_wait3A_110 = arith.constant 0 : i32
        %dma_wait3A_111 = tpu.memref_slice %arg7[%sub3A_109, %dma_wait3A_110] : memref<40x128xi32, #tpu.memory_space<vmem>> -> memref<1x128xi32, #tpu.memory_space<vmem>>
        %dma_wait3A_112 = tpu.memref_squeeze %dma_wait3A_111 : memref<1x128xi32, #tpu.memory_space<vmem>> -> memref<128xi32, #tpu.memory_space<vmem>>
        %dma_wait3A_113 = arith.constant 0 : i32
        %dma_wait3A_114 = arith.constant 0 : i32
        %dma_wait3A_115 = tpu.memref_slice %arg10[%dma_wait3A_113, %dma_wait3A_114] : memref<10512x128xf32, #tpu.memory_space<vmem_shared>> -> memref<10512x128xf32, #tpu.memory_space<vmem_shared>>
        tpu.wait_indirect_dma semaphore(%arg14 : memref<!tpu.dma_semaphore, #tpu.memory_space<semaphore_mem>>) src(%arg9 : memref<128x128xf32, #tpu.memory_space<vmem>>) dst(%dma_wait3A_115 : memref<10512x128xf32, #tpu.memory_space<vmem_shared>>)
      } else {
      }
      %add3A_75 = arith.constant 1 : i32
      %add3A_76 = arith.addi %add3A_58, %add3A_75 : i32
      %lt3A = arith.constant 40 : i32
      %lt3A_77 = arith.cmpi slt, %add3A_76, %lt3A : i32
      %convert_element_type3A_78 = arith.extui %lt3A_77 : i1 to i32
      %cond3A_79 = arith.constant 0 : i32
      %cond3A_80 = arith.cmpi ne, %convert_element_type3A_78, %cond3A_79 : i32
      scf.if %cond3A_80 {
        %add3A_109 = arith.constant 1 : i32
        %add3A_110 = arith.addi %add3A_58, %add3A_109 : i32
        %dma_start3A_111 = arith.constant 0 : i32
        %dma_start3A_112 = tpu.memref_slice %arg6[%add3A_110, %dma_start3A_111] : memref<40x128xi32, #tpu.memory_space<vmem>> -> memref<1x128xi32, #tpu.memory_space<vmem>>
        %dma_start3A_113 = tpu.memref_squeeze %dma_start3A_112 : memref<1x128xi32, #tpu.memory_space<vmem>> -> memref<128xi32, #tpu.memory_space<vmem>>
        %dma_start3A_114 = arith.constant 0 : i32
        %dma_start3A_115 = arith.constant 0 : i32
        %dma_start3A_116 = tpu.memref_slice %arg2[%dma_start3A_114, %dma_start3A_115] : memref<20000x128xf32, #tpu.memory_space<hbm>> -> memref<20000x128xf32, #tpu.memory_space<hbm>>
        tpu.enqueue_indirect_dma source(%dma_start3A_116 : memref<20000x128xf32, #tpu.memory_space<hbm>>) target(%arg9 : memref<128x128xf32, #tpu.memory_space<vmem>>) offsets(%dma_start3A_113 : memref<128xi32, #tpu.memory_space<vmem>>) semaphore(%arg12 : memref<!tpu.dma_semaphore, #tpu.memory_space<semaphore_mem>>)
      } else {
      }
      %mul3A_81 = arith.constant 2 : i32
      %mul3A_82 = arith.muli %scan3A_54, %mul3A_81 : i32
      %add3A_83 = arith.constant 1 : i32
      %add3A_84 = arith.addi %mul3A_82, %add3A_83 : i32
      %dma_wait3A_85 = arith.constant 0 : i32
      %dma_wait3A_86 = tpu.memref_slice %arg6[%add3A_84, %dma_wait3A_85] : memref<40x128xi32, #tpu.memory_space<vmem>> -> memref<1x128xi32, #tpu.memory_space<vmem>>
      %dma_wait3A_87 = tpu.memref_squeeze %dma_wait3A_86 : memref<1x128xi32, #tpu.memory_space<vmem>> -> memref<128xi32, #tpu.memory_space<vmem>>
      %dma_wait3A_88 = arith.constant 0 : i32
      %dma_wait3A_89 = arith.constant 0 : i32
      %dma_wait3A_90 = tpu.memref_slice %arg2[%dma_wait3A_88, %dma_wait3A_89] : memref<20000x128xf32, #tpu.memory_space<hbm>> -> memref<20000x128xf32, #tpu.memory_space<hbm>>
      tpu.wait_indirect_dma semaphore(%arg12 : memref<!tpu.dma_semaphore, #tpu.memory_space<semaphore_mem>>) src(%dma_wait3A_90 : memref<20000x128xf32, #tpu.memory_space<hbm>>) dst(%arg9 : memref<128x128xf32, #tpu.memory_space<vmem>>)
      %dma_start3A_91 = arith.constant 0 : i32
      %dma_start3A_92 = tpu.memref_slice %arg7[%add3A_84, %dma_start3A_91] : memref<40x128xi32, #tpu.memory_space<vmem>> -> memref<1x128xi32, #tpu.memory_space<vmem>>
      %dma_start3A_93 = tpu.memref_squeeze %dma_start3A_92 : memref<1x128xi32, #tpu.memory_space<vmem>> -> memref<128xi32, #tpu.memory_space<vmem>>
      %dma_start3A_94 = arith.constant 0 : i32
      %dma_start3A_95 = arith.constant 0 : i32
      %dma_start3A_96 = tpu.memref_slice %arg10[%dma_start3A_94, %dma_start3A_95] : memref<10512x128xf32, #tpu.memory_space<vmem_shared>> -> memref<10512x128xf32, #tpu.memory_space<vmem_shared>>
      tpu.enqueue_indirect_dma source(%arg9 : memref<128x128xf32, #tpu.memory_space<vmem>>) target(%dma_start3A_96 : memref<10512x128xf32, #tpu.memory_space<vmem_shared>>) offsets(%dma_start3A_93 : memref<128xi32, #tpu.memory_space<vmem>>) semaphore(%arg14 : memref<!tpu.dma_semaphore, #tpu.memory_space<semaphore_mem>>) {add = true}
      %ge3A_97 = arith.constant 1 : i32
      %ge3A_98 = arith.cmpi sge, %add3A_84, %ge3A_97 : i32
      %convert_element_type3A_99 = arith.extui %ge3A_98 : i1 to i32
      %cond3A_100 = arith.constant 0 : i32
      %cond3A_101 = arith.cmpi ne, %convert_element_type3A_99, %cond3A_100 : i32
      scf.if %cond3A_101 {
        %sub3A = arith.constant 1 : i32
        %sub3A_109 = arith.subi %add3A_84, %sub3A : i32
        %dma_wait3A_110 = arith.constant 0 : i32
        %dma_wait3A_111 = tpu.memref_slice %arg7[%sub3A_109, %dma_wait3A_110] : memref<40x128xi32, #tpu.memory_space<vmem>> -> memref<1x128xi32, #tpu.memory_space<vmem>>
        %dma_wait3A_112 = tpu.memref_squeeze %dma_wait3A_111 : memref<1x128xi32, #tpu.memory_space<vmem>> -> memref<128xi32, #tpu.memory_space<vmem>>
        %dma_wait3A_113 = arith.constant 0 : i32
        %dma_wait3A_114 = arith.constant 0 : i32
        %dma_wait3A_115 = tpu.memref_slice %arg10[%dma_wait3A_113, %dma_wait3A_114] : memref<10512x128xf32, #tpu.memory_space<vmem_shared>> -> memref<10512x128xf32, #tpu.memory_space<vmem_shared>>
        tpu.wait_indirect_dma semaphore(%arg13 : memref<!tpu.dma_semaphore, #tpu.memory_space<semaphore_mem>>) src(%arg8 : memref<128x128xf32, #tpu.memory_space<vmem>>) dst(%dma_wait3A_115 : memref<10512x128xf32, #tpu.memory_space<vmem_shared>>)
      } else {
      }
      %add3A_102 = arith.constant 1 : i32
      %add3A_103 = arith.addi %add3A_84, %add3A_102 : i32
      %lt3A_104 = arith.constant 40 : i32
      %lt3A_105 = arith.cmpi slt, %add3A_103, %lt3A_104 : i32
      %convert_element_type3A_106 = arith.extui %lt3A_105 : i1 to i32
      %cond3A_107 = arith.constant 0 : i32
      %cond3A_108 = arith.cmpi ne, %convert_element_type3A_106, %cond3A_107 : i32
      scf.if %cond3A_108 {
        %add3A_109 = arith.constant 1 : i32
        %add3A_110 = arith.addi %add3A_84, %add3A_109 : i32
        %dma_start3A_111 = arith.constant 0 : i32
        %dma_start3A_112 = tpu.memref_slice %arg6[%add3A_110, %dma_start3A_111] : memref<40x128xi32, #tpu.memory_space<vmem>> -> memref<1x128xi32, #tpu.memory_space<vmem>>
        %dma_start3A_113 = tpu.memref_squeeze %dma_start3A_112 : memref<1x128xi32, #tpu.memory_space<vmem>> -> memref<128xi32, #tpu.memory_space<vmem>>
        %dma_start3A_114 = arith.constant 0 : i32
        %dma_start3A_115 = arith.constant 0 : i32
        %dma_start3A_116 = tpu.memref_slice %arg2[%dma_start3A_114, %dma_start3A_115] : memref<20000x128xf32, #tpu.memory_space<hbm>> -> memref<20000x128xf32, #tpu.memory_space<hbm>>
        tpu.enqueue_indirect_dma source(%dma_start3A_116 : memref<20000x128xf32, #tpu.memory_space<hbm>>) target(%arg8 : memref<128x128xf32, #tpu.memory_space<vmem>>) offsets(%dma_start3A_113 : memref<128xi32, #tpu.memory_space<vmem>>) semaphore(%arg11 : memref<!tpu.dma_semaphore, #tpu.memory_space<semaphore_mem>>)
      } else {
      }
    }
    %scan3A_37 = arith.constant 20 : i32
    %dma_wait3A_38 = arith.constant 39 : i32
    %dma_wait3A_39 = arith.constant 0 : i32
    %dma_wait3A_40 = tpu.memref_slice %arg7[%dma_wait3A_38, %dma_wait3A_39] : memref<40x128xi32, #tpu.memory_space<vmem>> -> memref<1x128xi32, #tpu.memory_space<vmem>>
    %dma_wait3A_41 = tpu.memref_squeeze %dma_wait3A_40 : memref<1x128xi32, #tpu.memory_space<vmem>> -> memref<128xi32, #tpu.memory_space<vmem>>
    %dma_wait3A_42 = arith.constant 0 : i32
    %dma_wait3A_43 = arith.constant 0 : i32
    %dma_wait3A_44 = tpu.memref_slice %arg10[%dma_wait3A_42, %dma_wait3A_43] : memref<10512x128xf32, #tpu.memory_space<vmem_shared>> -> memref<10512x128xf32, #tpu.memory_space<vmem_shared>>
    tpu.wait_indirect_dma semaphore(%arg14 : memref<!tpu.dma_semaphore, #tpu.memory_space<semaphore_mem>>) src(%arg9 : memref<128x128xf32, #tpu.memory_space<vmem>>) dst(%dma_wait3A_44 : memref<10512x128xf32, #tpu.memory_space<vmem_shared>>)
    %barrier3A_45 = arith.constant 0 : index
    tpu.barrier barrier_id(%barrier3A_45)
    %mul3A_46 = arith.constant 10000 : i32
    %mul3A_47 = arith.muli %arg0, %mul3A_46 : i32
    %add3A_48 = arith.addi %mul3A_47, %mul3A_2 : i32
    "tpu.region"() ({
      %run_scoped3A = tpu.sem_alloc : memref<!tpu.dma_semaphore, #tpu.memory_space<semaphore_mem>>
      %dma_start3A_54 = arith.constant 0 : i32
      %dma_start3A_55 = tpu.memref_slice %arg5[%add3A_48, %dma_start3A_54] : memref<20000x128xf32, #tpu.memory_space<hbm>> -> memref<624x128xf32, #tpu.memory_space<hbm>>
      %dma_start3A_56 = arith.constant 0 : i32
      %dma_start3A_57 = tpu.memref_slice %arg10[%mul3A_2, %dma_start3A_56] : memref<10512x128xf32, #tpu.memory_space<vmem_shared>> -> memref<624x128xf32, #tpu.memory_space<vmem_shared>>
      tpu.enqueue_dma source(%dma_start3A_57 : memref<624x128xf32, #tpu.memory_space<vmem_shared>>) target(%dma_start3A_55 : memref<624x128xf32, #tpu.memory_space<hbm>>) target_semaphore(%run_scoped3A : memref<!tpu.dma_semaphore, #tpu.memory_space<semaphore_mem>>)
      %dma_wait3A_58 = arith.constant 0 : i32
      %dma_wait3A_59 = tpu.memref_slice %arg5[%add3A_48, %dma_wait3A_58] : memref<20000x128xf32, #tpu.memory_space<hbm>> -> memref<624x128xf32, #tpu.memory_space<hbm>>
      %dma_wait3A_60 = arith.constant 0 : i32
      %dma_wait3A_61 = tpu.memref_slice %arg10[%mul3A_2, %dma_wait3A_60] : memref<10512x128xf32, #tpu.memory_space<vmem_shared>> -> memref<624x128xf32, #tpu.memory_space<vmem_shared>>
      tpu.wait_dma2 semaphore(%run_scoped3A : memref<!tpu.dma_semaphore, #tpu.memory_space<semaphore_mem>>) src(%dma_wait3A_61 : memref<624x128xf32, #tpu.memory_space<vmem_shared>>) dst(%dma_wait3A_59 : memref<624x128xf32, #tpu.memory_space<hbm>>)
      tpu.yield
    }) : () -> ()
    %eq3A_49 = arith.constant 0 : i32
    %eq3A_50 = arith.cmpi eq, %arg1, %eq3A_49 : i32
    %convert_element_type3A_51 = arith.extui %eq3A_50 : i1 to i32
    %cond3A_52 = arith.constant 0 : i32
    %cond3A_53 = arith.cmpi ne, %convert_element_type3A_51, %cond3A_52 : i32
    scf.if %cond3A_53 {
      %mul3A_54 = arith.constant 10000 : i32
      %mul3A_55 = arith.muli %arg0, %mul3A_54 : i32
      %add3A_56 = arith.constant 9984 : i32
      %add3A_57 = arith.addi %mul3A_55, %add3A_56 : i32
      "tpu.region"() ({
        %run_scoped3A = tpu.sem_alloc : memref<!tpu.dma_semaphore, #tpu.memory_space<semaphore_mem>>
        %dma_start3A_58 = arith.constant 0 : i32
        %dma_start3A_59 = tpu.memref_slice %arg5[%add3A_57, %dma_start3A_58] : memref<20000x128xf32, #tpu.memory_space<hbm>> -> memref<16x128xf32, #tpu.memory_space<hbm>>
        %dma_start3A_60 = arith.constant 9984 : i32
        %dma_start3A_61 = arith.constant 0 : i32
        %dma_start3A_62 = tpu.memref_slice %arg10[%dma_start3A_60, %dma_start3A_61] : memref<10512x128xf32, #tpu.memory_space<vmem_shared>> -> memref<16x128xf32, #tpu.memory_space<vmem_shared>>
        tpu.enqueue_dma source(%dma_start3A_62 : memref<16x128xf32, #tpu.memory_space<vmem_shared>>) target(%dma_start3A_59 : memref<16x128xf32, #tpu.memory_space<hbm>>) target_semaphore(%run_scoped3A : memref<!tpu.dma_semaphore, #tpu.memory_space<semaphore_mem>>)
        %dma_wait3A_63 = arith.constant 0 : i32
        %dma_wait3A_64 = tpu.memref_slice %arg5[%add3A_57, %dma_wait3A_63] : memref<20000x128xf32, #tpu.memory_space<hbm>> -> memref<16x128xf32, #tpu.memory_space<hbm>>
        %dma_wait3A_65 = arith.constant 9984 : i32
        %dma_wait3A_66 = arith.constant 0 : i32
        %dma_wait3A_67 = tpu.memref_slice %arg10[%dma_wait3A_65, %dma_wait3A_66] : memref<10512x128xf32, #tpu.memory_space<vmem_shared>> -> memref<16x128xf32, #tpu.memory_space<vmem_shared>>
        tpu.wait_dma2 semaphore(%run_scoped3A : memref<!tpu.dma_semaphore, #tpu.memory_space<semaphore_mem>>) src(%dma_wait3A_67 : memref<16x128xf32, #tpu.memory_space<vmem_shared>>) dst(%dma_wait3A_64 : memref<16x128xf32, #tpu.memory_space<hbm>>)
        tpu.yield
      }) : () -> ()
    } else {
    }
    return
  }
}

module attributes {stable_mosaic.version = 14 : i64} {
  func.func @_mlp_body_split(%arg0: i32, %arg1: memref<2x1000x128xf32, #tpu.memory_space<vmem>>, %arg2: memref<2x128x256xf32, #tpu.memory_space<vmem>>, %arg3: memref<1x256xf32, #tpu.memory_space<vmem>>, %arg4: memref<256x256xf32, #tpu.memory_space<vmem>>, %arg5: memref<1x256xf32, #tpu.memory_space<vmem>>, %arg6: memref<2x1000x128xf32, #tpu.memory_space<vmem>>) attributes {dimension_semantics = [#tpu.dimension_semantics<arbitrary>], iteration_bounds = array<i64: 10>, scalar_prefetch = 0 : i64, scratch_operands = 0 : i64, tpu.core_type = #tpu.core_type<tc>, window_params = [{transform_indices = @transform_0, window_bounds = array<i64: 2, 1000, 128>}, {pipeline_mode = #tpu.pipeline_mode<synchronous>, transform_indices = @transform_1, window_bounds = array<i64: 2, 128, 256>}, {pipeline_mode = #tpu.pipeline_mode<synchronous>, transform_indices = @transform_2, window_bounds = array<i64: 1, 256>}, {pipeline_mode = #tpu.pipeline_mode<synchronous>, transform_indices = @transform_3, window_bounds = array<i64: 256, 256>}, {pipeline_mode = #tpu.pipeline_mode<synchronous>, transform_indices = @transform_4, window_bounds = array<i64: 1, 256>}, {transform_indices = @transform_5, window_bounds = array<i64: 2, 1000, 128>}]} {
    %get3A = arith.constant 0 : index
    %get3A_0 = arith.constant 0 : index
    %get3A_1 = arith.constant 0 : index
    %get3A_2 = vector.load %arg1[%get3A, %get3A_0, %get3A_1] : memref<2x1000x128xf32, #tpu.memory_space<vmem>>, vector<1x1000x128xf32>
    %get3A_3 = vector.shape_cast %get3A_2 : vector<1x1000x128xf32> to vector<1000x128xf32>
    %get3A_4 = arith.constant 0 : index
    %get3A_5 = arith.constant 0 : index
    %get3A_6 = arith.constant 0 : index
    %get3A_7 = vector.load %arg2[%get3A_4, %get3A_5, %get3A_6] : memref<2x128x256xf32, #tpu.memory_space<vmem>>, vector<1x128x256xf32>
    %get3A_8 = vector.shape_cast %get3A_7 : vector<1x128x256xf32> to vector<128x256xf32>
    %dot_general3A = arith.constant dense<0.000000e+00> : vector<1000x256xf32>
    %dot_general3A_9 = tpu.matmul %get3A_3, %get3A_8, %dot_general3A {dimension_numbers = #tpu.dot_dimension_numbers<[1], [0], [0], [1], [0, 0, 1, 1], [], []>, transpose_lhs_hint = false} : vector<1000x128xf32>, vector<128x256xf32>, vector<1000x256xf32> -> vector<1000x256xf32>
    %get3A_10 = arith.constant 1 : index
    %get3A_11 = arith.constant 0 : index
    %get3A_12 = arith.constant 0 : index
    %get3A_13 = vector.load %arg1[%get3A_10, %get3A_11, %get3A_12] : memref<2x1000x128xf32, #tpu.memory_space<vmem>>, vector<1x1000x128xf32>
    %get3A_14 = vector.shape_cast %get3A_13 : vector<1x1000x128xf32> to vector<1000x128xf32>
    %get3A_15 = arith.constant 1 : index
    %get3A_16 = arith.constant 0 : index
    %get3A_17 = arith.constant 0 : index
    %get3A_18 = vector.load %arg2[%get3A_15, %get3A_16, %get3A_17] : memref<2x128x256xf32, #tpu.memory_space<vmem>>, vector<1x128x256xf32>
    %get3A_19 = vector.shape_cast %get3A_18 : vector<1x128x256xf32> to vector<128x256xf32>
    %dot_general3A_20 = arith.constant dense<0.000000e+00> : vector<1000x256xf32>
    %dot_general3A_21 = tpu.matmul %get3A_14, %get3A_19, %dot_general3A_20 {dimension_numbers = #tpu.dot_dimension_numbers<[1], [0], [0], [1], [0, 0, 1, 1], [], []>, transpose_lhs_hint = false} : vector<1000x128xf32>, vector<128x256xf32>, vector<1000x256xf32> -> vector<1000x256xf32>
    %add3A = arith.addf %dot_general3A_9, %dot_general3A_21 : vector<1000x256xf32>
    %get3A_22 = arith.constant 0 : index
    %get3A_23 = arith.constant 0 : index
    %get3A_24 = vector.load %arg3[%get3A_22, %get3A_23] : memref<1x256xf32, #tpu.memory_space<vmem>>, vector<1x256xf32>
    %add3A_25 = vector.broadcast %get3A_24 : vector<1x256xf32> to vector<1000x256xf32>
    %add3A_26 = arith.addf %add3A, %add3A_25 : vector<1000x256xf32>
    %max3A = arith.constant 0.000000e+00 : f32
    %max3A_27 = vector.broadcast %max3A : f32 to vector<1000x256xf32>
    %max3A_28 = arith.maximumf %add3A_26, %max3A_27 : vector<1000x256xf32>
    %get3A_29 = arith.constant 0 : index
    %get3A_30 = arith.constant 0 : index
    %get3A_31 = vector.load %arg4[%get3A_29, %get3A_30] : memref<256x256xf32, #tpu.memory_space<vmem>>, vector<256x128xf32>
    %dot_general3A_32 = arith.constant dense<0.000000e+00> : vector<1000x128xf32>
    %dot_general3A_33 = tpu.matmul %max3A_28, %get3A_31, %dot_general3A_32 {dimension_numbers = #tpu.dot_dimension_numbers<[1], [0], [0], [1], [0, 0, 1, 1], [], []>, transpose_lhs_hint = false} : vector<1000x256xf32>, vector<256x128xf32>, vector<1000x128xf32> -> vector<1000x128xf32>
    %get3A_34 = arith.constant 0 : index
    %get3A_35 = arith.constant 0 : index
    %get3A_36 = vector.load %arg5[%get3A_34, %get3A_35] : memref<1x256xf32, #tpu.memory_space<vmem>>, vector<1x128xf32>
    %add3A_37 = vector.broadcast %get3A_36 : vector<1x128xf32> to vector<1000x128xf32>
    %add3A_38 = arith.addf %dot_general3A_33, %add3A_37 : vector<1000x128xf32>
    %swap3A = arith.constant 0 : index
    %swap3A_39 = arith.constant 0 : index
    %swap3A_40 = arith.constant 0 : index
    %swap3A_41 = vector.load %arg6[%swap3A, %swap3A_39, %swap3A_40] : memref<2x1000x128xf32, #tpu.memory_space<vmem>>, vector<1x1000x128xf32>
    %swap3A_42 = vector.shape_cast %swap3A_41 : vector<1x1000x128xf32> to vector<1000x128xf32>
    %swap3A_43 = vector.shape_cast %add3A_38 : vector<1000x128xf32> to vector<1x1000x128xf32>
    tpu.vector_store %arg6[%swap3A, %swap3A_39, %swap3A_40], %swap3A_43 {strides = array<i32>} : memref<2x1000x128xf32, #tpu.memory_space<vmem>>, vector<1x1000x128xf32>,
    %get3A_44 = arith.constant 0 : index
    %get3A_45 = arith.constant 128 : index
    %get3A_46 = vector.load %arg4[%get3A_44, %get3A_45] : memref<256x256xf32, #tpu.memory_space<vmem>>, vector<256x128xf32>
    %dot_general3A_47 = arith.constant dense<0.000000e+00> : vector<1000x128xf32>
    %dot_general3A_48 = tpu.matmul %max3A_28, %get3A_46, %dot_general3A_47 {dimension_numbers = #tpu.dot_dimension_numbers<[1], [0], [0], [1], [0, 0, 1, 1], [], []>, transpose_lhs_hint = false} : vector<1000x256xf32>, vector<256x128xf32>, vector<1000x128xf32> -> vector<1000x128xf32>
    %get3A_49 = arith.constant 0 : index
    %get3A_50 = arith.constant 128 : index
    %get3A_51 = vector.load %arg5[%get3A_49, %get3A_50] : memref<1x256xf32, #tpu.memory_space<vmem>>, vector<1x128xf32>
    %add3A_52 = vector.broadcast %get3A_51 : vector<1x128xf32> to vector<1000x128xf32>
    %add3A_53 = arith.addf %dot_general3A_48, %add3A_52 : vector<1000x128xf32>
    %swap3A_54 = arith.constant 1 : index
    %swap3A_55 = arith.constant 0 : index
    %swap3A_56 = arith.constant 0 : index
    %swap3A_57 = vector.load %arg6[%swap3A_54, %swap3A_55, %swap3A_56] : memref<2x1000x128xf32, #tpu.memory_space<vmem>>, vector<1x1000x128xf32>
    %swap3A_58 = vector.shape_cast %swap3A_57 : vector<1x1000x128xf32> to vector<1000x128xf32>
    %swap3A_59 = vector.shape_cast %add3A_53 : vector<1000x128xf32> to vector<1x1000x128xf32>
    tpu.vector_store %arg6[%swap3A_54, %swap3A_55, %swap3A_56], %swap3A_59 {strides = array<i32>} : memref<2x1000x128xf32, #tpu.memory_space<vmem>>, vector<1x1000x128xf32>,
    return
  }
  func.func @transform_0(%arg0: i32) -> (i32, i32, i32) {
    %c0_i32 = arith.constant 0 : i32
    %c0_i32_0 = arith.constant 0 : i32
    %c0_i32_1 = arith.constant 0 : i32
    return %c0_i32, %arg0, %c0_i32_0 : i32, i32, i32
  }
  func.func @transform_1(%arg0: i32) -> (i32, i32, i32) {
    %c0_i32 = arith.constant 0 : i32
    %c0_i32_0 = arith.constant 0 : i32
    %c0_i32_1 = arith.constant 0 : i32
    %c0_i32_2 = arith.constant 0 : i32
    return %c0_i32, %c0_i32_0, %c0_i32_1 : i32, i32, i32
  }
  func.func @transform_2(%arg0: i32) -> (i32, i32) {
    %c0_i32 = arith.constant 0 : i32
    %c0_i32_0 = arith.constant 0 : i32
    %c0_i32_1 = arith.constant 0 : i32
    return %c0_i32, %c0_i32_0 : i32, i32
  }
  func.func @transform_3(%arg0: i32) -> (i32, i32) {
    %c0_i32 = arith.constant 0 : i32
    %c0_i32_0 = arith.constant 0 : i32
    %c0_i32_1 = arith.constant 0 : i32
    return %c0_i32, %c0_i32_0 : i32, i32
  }
  func.func @transform_4(%arg0: i32) -> (i32, i32) {
    %c0_i32 = arith.constant 0 : i32
    %c0_i32_0 = arith.constant 0 : i32
    %c0_i32_1 = arith.constant 0 : i32
    return %c0_i32, %c0_i32_0 : i32, i32
  }
  func.func @transform_5(%arg0: i32) -> (i32, i32, i32) {
    %c0_i32 = arith.constant 0 : i32
    %c0_i32_0 = arith.constant 0 : i32
    %c0_i32_1 = arith.constant 0 : i32
    return %c0_i32, %arg0, %c0_i32_0 : i32, i32, i32
  }
}

module attributes {stable_mosaic.version = 14 : i64} {
  func.func @_mlp_body_final(%arg0: i32, %arg1: memref<2x1000x128xf32, #tpu.memory_space<vmem>>, %arg2: memref<2x128x256xf32, #tpu.memory_space<vmem>>, %arg3: memref<1x256xf32, #tpu.memory_space<vmem>>, %arg4: memref<256x256xf32, #tpu.memory_space<vmem>>, %arg5: memref<1x256xf32, #tpu.memory_space<vmem>>, %arg6: memref<1000x256xf32, #tpu.memory_space<vmem>>) attributes {dimension_semantics = [#tpu.dimension_semantics<arbitrary>], iteration_bounds = array<i64: 10>, scalar_prefetch = 0 : i64, scratch_operands = 0 : i64, tpu.core_type = #tpu.core_type<tc>, window_params = [{transform_indices = @transform_0, window_bounds = array<i64: 2, 1000, 128>}, {pipeline_mode = #tpu.pipeline_mode<synchronous>, transform_indices = @transform_1, window_bounds = array<i64: 2, 128, 256>}, {pipeline_mode = #tpu.pipeline_mode<synchronous>, transform_indices = @transform_2, window_bounds = array<i64: 1, 256>}, {pipeline_mode = #tpu.pipeline_mode<synchronous>, transform_indices = @transform_3, window_bounds = array<i64: 256, 256>}, {pipeline_mode = #tpu.pipeline_mode<synchronous>, transform_indices = @transform_4, window_bounds = array<i64: 1, 256>}, {transform_indices = @transform_5, window_bounds = array<i64: 1000, 256>}]} {
    %get3A = arith.constant 0 : index
    %get3A_0 = arith.constant 0 : index
    %get3A_1 = arith.constant 0 : index
    %get3A_2 = vector.load %arg1[%get3A, %get3A_0, %get3A_1] : memref<2x1000x128xf32, #tpu.memory_space<vmem>>, vector<1x1000x128xf32>
    %get3A_3 = vector.shape_cast %get3A_2 : vector<1x1000x128xf32> to vector<1000x128xf32>
    %get3A_4 = arith.constant 0 : index
    %get3A_5 = arith.constant 0 : index
    %get3A_6 = arith.constant 0 : index
    %get3A_7 = vector.load %arg2[%get3A_4, %get3A_5, %get3A_6] : memref<2x128x256xf32, #tpu.memory_space<vmem>>, vector<1x128x256xf32>
    %get3A_8 = vector.shape_cast %get3A_7 : vector<1x128x256xf32> to vector<128x256xf32>
    %dot_general3A = arith.constant dense<0.000000e+00> : vector<1000x256xf32>
    %dot_general3A_9 = tpu.matmul %get3A_3, %get3A_8, %dot_general3A {dimension_numbers = #tpu.dot_dimension_numbers<[1], [0], [0], [1], [0, 0, 1, 1], [], []>, transpose_lhs_hint = false} : vector<1000x128xf32>, vector<128x256xf32>, vector<1000x256xf32> -> vector<1000x256xf32>
    %get3A_10 = arith.constant 1 : index
    %get3A_11 = arith.constant 0 : index
    %get3A_12 = arith.constant 0 : index
    %get3A_13 = vector.load %arg1[%get3A_10, %get3A_11, %get3A_12] : memref<2x1000x128xf32, #tpu.memory_space<vmem>>, vector<1x1000x128xf32>
    %get3A_14 = vector.shape_cast %get3A_13 : vector<1x1000x128xf32> to vector<1000x128xf32>
    %get3A_15 = arith.constant 1 : index
    %get3A_16 = arith.constant 0 : index
    %get3A_17 = arith.constant 0 : index
    %get3A_18 = vector.load %arg2[%get3A_15, %get3A_16, %get3A_17] : memref<2x128x256xf32, #tpu.memory_space<vmem>>, vector<1x128x256xf32>
    %get3A_19 = vector.shape_cast %get3A_18 : vector<1x128x256xf32> to vector<128x256xf32>
    %dot_general3A_20 = arith.constant dense<0.000000e+00> : vector<1000x256xf32>
    %dot_general3A_21 = tpu.matmul %get3A_14, %get3A_19, %dot_general3A_20 {dimension_numbers = #tpu.dot_dimension_numbers<[1], [0], [0], [1], [0, 0, 1, 1], [], []>, transpose_lhs_hint = false} : vector<1000x128xf32>, vector<128x256xf32>, vector<1000x256xf32> -> vector<1000x256xf32>
    %add3A = arith.addf %dot_general3A_9, %dot_general3A_21 : vector<1000x256xf32>
    %get3A_22 = arith.constant 0 : index
    %get3A_23 = arith.constant 0 : index
    %get3A_24 = vector.load %arg3[%get3A_22, %get3A_23] : memref<1x256xf32, #tpu.memory_space<vmem>>, vector<1x256xf32>
    %add3A_25 = vector.broadcast %get3A_24 : vector<1x256xf32> to vector<1000x256xf32>
    %add3A_26 = arith.addf %add3A, %add3A_25 : vector<1000x256xf32>
    %max3A = arith.constant 0.000000e+00 : f32
    %max3A_27 = vector.broadcast %max3A : f32 to vector<1000x256xf32>
    %max3A_28 = arith.maximumf %add3A_26, %max3A_27 : vector<1000x256xf32>
    %get3A_29 = arith.constant 0 : index
    %get3A_30 = arith.constant 0 : index
    %get3A_31 = vector.load %arg4[%get3A_29, %get3A_30] : memref<256x256xf32, #tpu.memory_space<vmem>>, vector<256x256xf32>
    %dot_general3A_32 = arith.constant dense<0.000000e+00> : vector<1000x256xf32>
    %dot_general3A_33 = tpu.matmul %max3A_28, %get3A_31, %dot_general3A_32 {dimension_numbers = #tpu.dot_dimension_numbers<[1], [0], [0], [1], [0, 0, 1, 1], [], []>, transpose_lhs_hint = false} : vector<1000x256xf32>, vector<256x256xf32>, vector<1000x256xf32> -> vector<1000x256xf32>
    %get3A_34 = arith.constant 0 : index
    %get3A_35 = arith.constant 0 : index
    %get3A_36 = vector.load %arg5[%get3A_34, %get3A_35] : memref<1x256xf32, #tpu.memory_space<vmem>>, vector<1x256xf32>
    %add3A_37 = vector.broadcast %get3A_36 : vector<1x256xf32> to vector<1000x256xf32>
    %add3A_38 = arith.addf %dot_general3A_33, %add3A_37 : vector<1000x256xf32>
    %swap3A = arith.constant 0 : index
    %swap3A_39 = arith.constant 0 : index
    %swap3A_40 = vector.load %arg6[%swap3A, %swap3A_39] : memref<1000x256xf32, #tpu.memory_space<vmem>>, vector<1000x256xf32>
    tpu.vector_store %arg6[%swap3A, %swap3A_39], %add3A_38 {strides = array<i32>} : memref<1000x256xf32, #tpu.memory_space<vmem>>, vector<1000x256xf32>,
    return
  }
  func.func @transform_0(%arg0: i32) -> (i32, i32, i32) {
    %c0_i32 = arith.constant 0 : i32
    %c0_i32_0 = arith.constant 0 : i32
    %c0_i32_1 = arith.constant 0 : i32
    return %c0_i32, %arg0, %c0_i32_0 : i32, i32, i32
  }
  func.func @transform_1(%arg0: i32) -> (i32, i32, i32) {
    %c0_i32 = arith.constant 0 : i32
    %c0_i32_0 = arith.constant 0 : i32
    %c0_i32_1 = arith.constant 0 : i32
    %c0_i32_2 = arith.constant 0 : i32
    return %c0_i32, %c0_i32_0, %c0_i32_1 : i32, i32, i32
  }
  func.func @transform_2(%arg0: i32) -> (i32, i32) {
    %c0_i32 = arith.constant 0 : i32
    %c0_i32_0 = arith.constant 0 : i32
    %c0_i32_1 = arith.constant 0 : i32
    return %c0_i32, %c0_i32_0 : i32, i32
  }
  func.func @transform_3(%arg0: i32) -> (i32, i32) {
    %c0_i32 = arith.constant 0 : i32
    %c0_i32_0 = arith.constant 0 : i32
    %c0_i32_1 = arith.constant 0 : i32
    return %c0_i32, %c0_i32_0 : i32, i32
  }
  func.func @transform_4(%arg0: i32) -> (i32, i32) {
    %c0_i32 = arith.constant 0 : i32
    %c0_i32_0 = arith.constant 0 : i32
    %c0_i32_1 = arith.constant 0 : i32
    return %c0_i32, %c0_i32_0 : i32, i32
  }
  func.func @transform_5(%arg0: i32) -> (i32, i32) {
    %c0_i32 = arith.constant 0 : i32
    %c0_i32_0 = arith.constant 0 : i32
    return %arg0, %c0_i32 : i32, i32
  }
}

</mosaic_0001>

<sc_bundles>
// kernel: kernel.11.cloned.1.call-start
scs
__scs_entry_jumppad:
0x0: {  	(pc) =	sbr.rel $0x88, $3  }
0x1: {  	(tag) =	ssettag $0x0;
	lr =	simm.s32 $0x1  }
0x2: {  	[smem:$0x3F93] =	sst lr;
	_ =	strace $0xD0000000  }
0x3: {  	_ = 	snop  }
0x4: {  	_ = 	snop  }
0x5: {  	_ = 	snop  }
0x6: {  	_ = 	snop  }
0x7: {  	_ = 	snop  }
__scs_overlays_trampoline_lowered:
0x8: {  	[smem:$0x3FA2] =	sst s0  }
0x9: {  	[smem:$0x3FA3] =	sst s1  }
0xa: {  	[smem:$0x3FA4] =	sst s2  }
0xb: {  	[smem:$0x3FA5] =	sst s3  }
0xc: {  	[smem:$0x3FA6] =	sst s4  }
0xd: {  	[smem:$0x3FA7] =	sst s5  }
0xe: {  	[smem:$0x3FA8] =	sst s6  }
0xf: {  	[smem:$0x3FA9] =	sst s7  }
0x10: {  	[smem:$0x3FAA] =	sst s8  }
0x11: {  	[smem:$0x3FAB] =	sst s9;
	s0 =	simm.s32 @!p0 $0x0  }
0x12: {  	s1 =	sld [smem:$0x3F91];
	s0 =	simm.s32 @p0 $0x1  }
0x13: {  	[smem:$0x3FAC] =	sst s0;
	s0 =	simm.s32 @!p1 $0x0  }
0x14: {  	s2 =	sld [smem:$0x3F90];
	s0 =	simm.s32 @p1 $0x1  }
0x15: {  	[smem:$0x3FAD] =	sst s0;
	s0 =	simm.s32 @!p2 $0x0  }
0x16: {  	s3 =	sld [smem:$0x3FDB];
	s0 =	simm.s32 @p2 $0x1  }
0x17: {  	s4 =	simm.s32 $0x1BF5;
	[smem:$0x3FAF] =	sst s0  }
0x18: {  	s0 =	sld [smem:$0x3F92];
	_ =	swait.ge [sflag:s4], $0x0  }
0x19: {  	s7 =	sld [smem:$0x3F93]  }
0x1a: {  	s8 =	sadd.s32 $0xFFFFE003, lr  }
0x1b: {  	s9 =	sadd.s32 $0xFFFFFEF7, lr;
	s5 =	simm.s32 $0xFFFFFFFF;
	p2 =	slt.u32 s8, $0xFFFFF086  }
0x1c: {  	p1 =	slt.u32 s9, $0xF7A;
	s5 =	simm.s32 @!p2 $0x0  }
0x1d: {  	s5 =	simm.s32 @p1 $0x1;
	p0 =	seq.s32 s7, s2  }
0x1e: {  	s7 =	smul.u32 @!p0 $0xF7A, s2;
	p2 =	seq.s32 @!p0 s5, $0x0  }
0x1f: {  	s9 =	smul.u32 $0xF7A, s1;
	s8 =	simm.s32 @!p0 $0x1BF5;
	p2 =	por !p2, p0  }
0x20: {  	[sflag:s8] =	ssyncset.s32 @!p0 $0xFFFFF086;
	s6 =	sadd.s32 @!p0 s3, s7;
	s7 =	simm.s32 @!p0 $0x108  }
0x21: {  	s3 =	sadd.s32 s3, s9;
	s6 =	sadd.s32 @!p0 $0x88, s6;
	s7 =	simm.s32 @p2 $0x1082  }
0x22: {  	[simem:s7], [sflag:s8] =	dma.local @!p0 [hbm:s6], $0xF7A  }
0x23: {  	s9 =	sor.u32 $0xD0000000, s2;
	s6 =	simm.s32 $0x108;
	_ =	swait.ge @!p0 [sflag:s8], $0x0  }
0x24: {  	s3 =	sadd.s32 $0x88, s3;
	s6 =	simm.s32 @!p1 $0x1082;
	[sflag:s4] =	ssyncset.s32 $0xFFFFF086  }
0x25: {  	[simem:s6], [sflag:s4] =	dma.local [hbm:s3], $0xF7A  }
0x26: {  	[smem:$0x3F93] =	sst s1;
	(tag) =	ssettag s2;
	_ =	strace s9  }
0x27: {  	s1 =	sld [smem:$0x3FA3]  }
0x28: {  	s2 =	sld [smem:$0x3FA4]  }
0x29: {  	s4 =	sld [smem:$0x3FA6]  }
0x2a: {  	p0 =	seq.s32 s5, $0x0;
	s5 =	sld [smem:$0x3FA7]  }
0x2b: {  	s6 =	sld [smem:$0x3FA8]  }
0x2c: {  	s7 =	sld [smem:$0x3FA9]  }
0x2d: {  	s3 =	simm.s32 $0x108;
	s8 =	sld [smem:$0x3FAA]  }
0x2e: {  	s3 =	simm.s32 @!p0 $0x1082;
	s9 =	sld [smem:$0x3FAB]  }
0x2f: {  	lr =	sadd.s32 s0, s3;
	s0 =	sld [smem:$0x3FA2]  }
0x30: {  	s3 =	sld [smem:$0x3FA5]  }
0x31: {  	[smem:$0x3FAE] =	sst s10  }
0x32: {  	s10 =	sld [smem:$0x3FAC];
	_ =	sdelay $0x3  }
0x33: {  	p0 =	seq.s32 s10, $0x1;
	s10 =	sld [smem:$0x3FAE];
	_ =	sdelay $0x3  }
0x34: {  	[smem:$0x3FAE] =	sst s10  }
0x35: {  	s10 =	sld [smem:$0x3FAD];
	_ =	sdelay $0x3  }
0x36: {  	p1 =	seq.s32 s10, $0x1;
	s10 =	sld [smem:$0x3FAE];
	_ =	sdelay $0x3  }
0x37: {  	[smem:$0x3FAE] =	sst s10  }
0x38: {  	s10 =	sld [smem:$0x3FAF]  }
0x39: {  	_ = 	snop;
	(pc) =	sbr.ind lr, $3  }
0x3a: {  	_ = 	snop  }
0x3b: {  	_ = 	snop  }
0x3c: {  	p2 =	seq.s32 s10, $0x1;
	s10 =	sld [smem:$0x3FAE]  }
0x3d: {  	_ =	shalt  }
0x3e: {  	_ =	shalt  }
0x3f: {  	_ =	shalt  }
0x40: {  	_ =	shalt  }
0x41: {  	_ =	shalt  }
0x42: {  	_ =	shalt  }
0x43: {  	_ =	shalt  }
0x44: {  	_ =	shalt  }
0x45: {  	_ =	shalt  }
0x46: {  	_ =	shalt  }
0x47: {  	_ =	shalt  }
0x48: {  	_ =	shalt  }
0x49: {  	_ =	shalt  }
0x4a: {  	_ =	shalt  }
0x4b: {  	_ =	shalt  }
0x4c: {  	_ =	shalt  }
0x4d: {  	_ =	shalt  }
0x4e: {  	_ =	shalt  }
0x4f: {  	_ =	shalt  }
0x50: {  	_ =	shalt  }
0x51: {  	_ =	shalt  }
0x52: {  	_ =	shalt  }
0x53: {  	_ =	shalt  }
0x54: {  	_ =	shalt  }
0x55: {  	_ =	shalt  }
0x56: {  	_ =	shalt  }
0x57: {  	_ =	shalt  }
0x58: {  	_ =	shalt  }
0x59: {  	_ =	shalt  }
0x5a: {  	_ =	shalt  }
0x5b: {  	_ =	shalt  }
0x5c: {  	_ =	shalt  }
0x5d: {  	_ =	shalt  }
0x5e: {  	_ =	shalt  }
0x5f: {  	_ =	shalt  }
0x60: {  	_ =	shalt  }
0x61: {  	_ =	shalt  }
0x62: {  	_ =	shalt  }
0x63: {  	_ =	shalt  }
0x64: {  	_ =	shalt  }
0x65: {  	_ =	shalt  }
0x66: {  	_ =	shalt  }
0x67: {  	_ =	shalt  }
0x68: {  	_ =	shalt  }
0x69: {  	_ =	shalt  }
0x6a: {  	_ =	shalt  }
0x6b: {  	_ =	shalt  }
0x6c: {  	_ =	shalt  }
0x6d: {  	_ =	shalt  }
0x6e: {  	_ =	shalt  }
0x6f: {  	_ =	shalt  }
0x70: {  	_ =	shalt  }
0x71: {  	_ =	shalt  }
0x72: {  	_ =	shalt  }
0x73: {  	_ =	shalt  }
0x74: {  	_ =	shalt  }
0x75: {  	_ =	shalt  }
0x76: {  	_ =	shalt  }
0x77: {  	_ =	shalt  }
0x78: {  	_ =	shalt  }
0x79: {  	_ =	shalt  }
0x7a: {  	_ =	shalt  }
0x7b: {  	_ =	shalt  }
0x7c: {  	_ =	shalt  }
0x7d: {  	_ =	shalt  }
0x7e: {  	_ =	shalt  }
0x7f: {  	_ =	shalt  }
0x80: {  	_ =	shalt  }
0x81: {  	_ =	shalt  }
0x82: {  	_ =	shalt  }
0x83: {  	_ =	shalt  }
0x84: {  	_ =	shalt  }
0x85: {  	_ =	shalt  }
0x86: {  	_ =	shalt  }
0x87: {  	_ =	shalt  }
.Lfunc_end0:
.L_simem_size_0:
called_computation.1_lowered:
.L_overlay_start_0:
0x88: {  	s2 =	sld [smem:$0x3FD9]  }
0x89: {  	s3 =	sld [smem:$0x3FFE];
	_ =	sdelay $0x1  }
0x8a: {  	s1 =	srdreg.scid  }
0x8b: {  	s0 =	sand.u32 $0x1, s1  }
0x8c: {  	s17 =	sshll.u32 s0, $0xA;
	s2 =	sadd.s32 s3, s2  }
0x8d: {  	s2 =	sadd.s32 s2, s17  }
0x8e: {  	[smem:$0x3FBA] =	sst s2  }
0x8f: {  	_ = 	snop  }
0x90: {  	s2 =	sld [smem:$0x3FD0];
	(tm) =	ssettm $0x1  }
0x91: {  	s18 =	sld [smem:$0x3FFB];
	_ =	sdelay $0x3  }
0x92: {  	_ =	strace s18  }
0x93: {  	s3 =	sld [smem:$0x3FFC];
	_ =	sdelay $0x3  }
0x94: {  	_ =	strace s3  }
0x95: {  	s3 =	sld [smem:$0x3FFD];
	_ =	sdelay $0x3  }
0x96: {  	_ =	strace s3  }
0x97: {  	_ =	strace $0x8FFFFFFF  }
0x98: {  	s19 =	sld [smem:$0x3FDB];
	_ =	sdelay $0x1  }
0x99: {  	s4 =	simm.s32 $_scs_section_size  }
0x9a: {  	s5 =	simm.s32 $_size__tile_overlayer_lowered;
	s6 =	simm.s32 $_tile_overlayer_lowered  }
0x9b: {  	s22 =	simm.s32 $0x1BFF;
	s21 =	sshll.u32 s6, $0x1;
	s3 =	sadd.s32 s4, s19  }
0x9c: {  	s7 =	simm.s32 $0x0;
	s20 =	sshll.u32 s5, $0x1;
	s5 =	sadd.s32 s21, s3  }
0x9d: {  	[timem:s7], [sflag:s22] =	dma.local [hbm:s5], s20  }
0x9e: {  	_ =	swait.ge [sflag:s22], s20  }
0x9f: {  	s4 =	ssub.s32 $0x0, s20;
	[sflag:s22] =	ssyncset.done $0x0  }
0xa0: {  	[sflag:s22] =	ssyncadd.s32 s4;
	_ =	sdelay $0x1  }
0xa1: {  	s23 =	simm.s32 $0x1B8B  }
0xa2: {  	_ =	swait.ge [sflag:s23], $0x1  }
0xa3: {  	[sflag:s23] =	ssyncset.done $0x0  }
0xa4: {  	s25 =	simm.s32 $0x1B8E;
	s24 =	sld [smem:$0x3FFE];
	[sflag:s23] =	ssyncadd.s32 $0xFFFFFFFF  }
0xa5: {  	s26 =	simm.s32 $execute0_lowered;
	[smem:$0x3FD2] =	sst s25  }
0xa6: {  	s5 =	sshll.u32 s26, $0x1;
	_ =	strace $0x80000049;
	[dreg:$0x1] =	wrdreg $0xFFFFFFFF  }
0xa7: {  	s28 =	simm.s32 $_size_execute0_lowered;
	s3 =	sadd.s32 s3, s5;
	[dreg:$0x0] =	wrdreg $0x0  }
0xa8: {  	s5 =	sshll.u32 s28, $0x1;
	[dreg:$0x2] =	wrdreg s3  }
0xa9: {  	[dreg:$0x3] =	wrdreg s5  }
0xaa: {  	[dreg:$0x4] =	wrdreg $0xC0  }
0xab: {  	_ =	task [dreg:s7], $0x5FFFF  }
0xac: {  	[dreg:$0x1] =	wrdreg $0xFFFFFFFF  }
0xad: {  	[dreg:$0x0] =	wrdreg $0x60  }
0xae: {  	[dreg:$0x2] =	wrdreg s2  }
0xaf: {  	[dreg:$0x3] =	wrdreg s24  }
0xb0: {  	[dreg:$0x4] =	wrdreg $0xA8000  }
0xb1: {  	[dreg:$0x5] =	wrdreg $0x9  }
0xb2: {  	_ =	task.clear_ibuf [dreg:s7], $0x6FFFF;
	_ =	strace $0x90000049  }
0xb3: {  	s29 =	simm.s32 $0x9;
	_ =	strace $0x8000004B  }
0xb4: {  	_ =	swait.ge [sflag:s29], $0x1  }
0xb5: {  	[sflag:s29] =	ssyncadd.s32 $0xFFFFFFFF  }
0xb6: {  	_ =	strace $0x9000004B  }
0xb7: {  	_ =	sfence  }
0xb8: {  	s30 =	sld [smem:$0x0];
	_ =	sdelay $0x2  }
0xb9: {  	s31 =	sshll.u32 s1, $0xD;
	s1 =	sshrl.u32 s1, $0x2  }
0xba: {  	s3 =	sand.u32 $0x4000, s31;
	s1 =	sadd.s32 s1, s30  }
0xbb: {  	s0 =	sor.u32 s3, s0;
	s1 =	sshll.u32 s1, $0x11  }
0xbc: {  	s0 =	sor.u32 s1, s0  }
0xbd: {  	s0 =	sadd.s32 $0x8F2B, s0  }
0xbe: {  	[sflag:s0] =	ssyncadd.remote.s32 $0x1  }
0xbf: {  	_ =	sfence.sel $0xFFFF  }
0xc0: {  	[dreg:$0x0] =	wrdreg $0xFFFFFFFF;
	(pc) =	sbr.abs _section_cstart, $3  }
0xc1: {  	[dreg:$0x1] =	wrdreg $0xFFFFFFFF  }
0xc2: {  	_ =	task.clear_ibuf [dreg:s7], $0x2FFFF;
	_ =	strace $0x9FFFFFFF  }
0xc3: {  	(tm) =	ssettm $0x7FFFFFFF  }
tec
execute0_lowered:
.L_overlay_start_1:
0x0: {  	(tag) =	ssettag $0x1  }
0x1: {  	s1 =	rddreg [dreg:$0x0]  }
0x2: {  	s4 =	rddreg [dreg:$0x1]  }
0x3: {  	s2 =	rddreg [dreg:$0x2]  }
0x4: {  	s0 =	rddreg [dreg:$0x3];
	s3 =	simm.s32 $0x0  }
0x5: {  	s5 =	srdreg.scid;
	s14 =	stileid.u32;
	s19 =	simm.s32 $0x2800  }
0x6: {  	s20 =	simm.s32 $0x1;
	s28 =	simm.s32 $0x0;
	[smem:$0x7FF] =	sst s3  }
0x7: {  	s9 =	sadd.s32 $0x2A00, s4;
	s10 =	sadd.s32 $0xCA00, s4;
	s6 =	smul.u32 $0x4E000, s14  }
0x8: {  	s5 =	sand.u32 $0x1, s5;
	s12 =	sadd.s32 $0x16A00, s4;
	s13 =	smul.u32 $0x270, s14  }
0x9: {  	s26 =	sshll.u32 s14, $0x6;
	s17 =	sadd.s32 $0x138000, s2;
	p0 =	sne.s32 s14, $0x0  }
0xa: {  	_ =	strace $0x8000004A;
	s21 =	ssub.s32 $0x2, s5;
	s7 =	smul.u32 $0x2710, s5  }
0xb: {  	s11 =	sshll.u32 s5, $0x4;
	s24 =	smul.u32 $0x138800, s5;
	s5 =	sor.u32 $0x1C05, s26  }
0xc: {  	s26 =	simm.s32 $0x4;
	s8 =	sshrl.u32 s21, $0x1;
	s6 =	sshrl.u32 s6, $0x2  }
0xd: {  	s22 =	sor.u32 s14, s11;
	s15 =	ssub.s32 s21, s8;
	s16 =	sadd.s32 s6, s2  }
0xe: {  	s23 =	sadd.s32 s13, s7;
	s29 =	smul.u32 $0x2800, s22;
	s7 =	sshrl.u32 s24, $0x3  }
0xf: {  	s21 =	simm.s32 $0x6800;
	s22 =	simm.s32 $0x2;
	s24 =	simm.s32 $0x3  }
0x10: {  	s25 =	sshll.u32 s23, $0x4;
	s30 =	sadd.s32 $0x27000, s7;
	s13 =	smax.u32 s15, $0x1  }
0x11: {  	s14 =	sshrl.u32 s16, $0x3;
	s15 =	simm.s32 $0x5;
	s16 =	sshrl.u32 @!p0 s17, $0x3  }
.Ltmp0:
0x12: {  	s17 =	simm.s32 $0x1400;
	s23 =	simm.s32 $0x1480;
	(pc) =	sbr.rel .LBB2_1-.Ltmp0, $4  }
0x13: {  	s4 =	sadd.s32 s1, s25;
	s31 =	sshrl.u32 s29, $0x3;
	s6 =	sadd.s32 s1, s30  }
0x14: {  	s11 =	sadd.s32 s12, s25;
	s12 =	sadd.s32 s12, s30;
	s25 =	simm.s32 $0x100  }
0x15: {  	s7 =	sadd.s32 s9, s31;
	s18 =	sadd.s32 $0x280, s31;
	s8 =	sadd.s32 s10, s31  }
0x16: {  	s9 =	sadd.s32 s9, s18;
	s10 =	sadd.s32 s10, s18;
	s18 =	simm.s32 $0x80  }
.LBB2_7:
0x17: {  	_ =	swait.ge [sflag:s26], $0x4000  }
0x18: {  	[sflag:s26] =	ssyncset.done $0x0  }
0x19: {  	[sflag:s26] =	ssyncadd.s32 $0xFFFFC000  }
0x1a: {  	[bflag:$0x0] =	sbarrier.arrive $0xFFFF  }
0x1b: {  	[hbm:s11], [sflag:s5] =	dma.local [spmem:s14], $0x2700  }
0x1c: {  	s28 =	sadd.s32 $0x1, s28;
	_ =	swait.ge [sflag:s15], $0x2700  }
0x1d: {  	p1 =	sne.s32 s28, s13;
	[sflag:s15] =	ssyncset.done $0x0  }
.Ltmp1:
0x1e: {  	s29 =	simm.s32 @!p0 $0x5;
	[sflag:s15] =	ssyncadd.s32 $0xFFFFD900;
	(pc) =	sbr.rel @!p1 .LBB2_8-.Ltmp1, $4  }
0x1f: {  	[hbm:s12], [sflag:s5] =	dma.local @!p0 [spmem:s16], $0x100  }
0x20: {  	_ =	swait.ge @!p0 [sflag:s29], $0x100  }
0x21: {  	[sflag:s29] =	ssyncset.done @!p0 $0x0  }
0x22: {  	[sflag:s29] =	ssyncadd.s32 @!p0 $0xFFFFFF00  }
.LBB2_1:
0x23: {  	[spmem:s14], [sflag:s5] =	dma.local [hbm:s4], $0x2700  }
0x24: {  	_ =	swait.ge [sflag:s15], $0x2700  }
0x25: {  	[sflag:s15] =	ssyncset.done $0x0  }
0x26: {  	s29 =	simm.s32 @!p0 $0x5;
	[sflag:s15] =	ssyncadd.s32 $0xFFFFD900  }
0x27: {  	[spmem:s16], [sflag:s5] =	dma.local @!p0 [hbm:s6], $0x100  }
0x28: {  	_ =	swait.ge @!p0 [sflag:s29], $0x100  }
0x29: {  	[sflag:s29] =	ssyncset.done @!p0 $0x0  }
0x2a: {  	[sflag:s29] =	ssyncadd.s32 @!p0 $0xFFFFFF00  }
0x2b: {  	[bflag:$0x0] =	sbarrier.arrive $0xFFFF  }
0x2c: {  	[tilespmem:s3], [sflag:$0x5] =	stream.linear.gather [hbm4b:s7+s3], $0x1400, $0x38;
	[tilespmem:$0x1F080] =	vst v63  }
0x2d: {  	_ =	swait.ge [sflag:s15], $0x1400  }
0x2e: {  	[sflag:s15] =	ssyncset.done $0x0  }
0x2f: {  	[sflag:s15] =	ssyncadd.s32 $0xFFFFEC00  }
0x30: {  	[tilespmem:s17], [sflag:$0x5] =	stream.linear.gather [hbm4b:s8+s3], $0x1400, $0x38;
	[tilespmem:$0x1F080] =	vst v63  }
0x31: {  	_ =	swait.ge [sflag:s15], $0x1400  }
0x32: {  	[sflag:s15] =	ssyncset.done $0x0  }
0x33: {  	[sflag:s15] =	ssyncadd.s32 $0xFFFFEC00  }
0x34: {  	[tilespmem:s19], [sflag:$0x1] =	stream.indirect.gather [hbm4b:s1+s18], $0x80, s3, s18, $0xb8;
	[tilespmem:$0x1F080] =	vst v63  }
0x35: {  	_ =	swait.ge [sflag:s20], $0x4000  }
0x36: {  	[sflag:s20] =	ssyncset.done $0x0  }
0x37: {  	[sflag:s20] =	ssyncadd.s32 $0xFFFFC000  }
0x38: {  	[spmem:s2] =	stream.indirect.scatter.add.f32 [tilespmem:s19], [sflag:$0x3], $0x80, s17, s18, $0xb8;
	[tilespmem:$0x1F080] =	vst v63  }
0x39: {  	_ = 	snop  }
0x3a: {  	[tilespmem:s21], [sflag:$0x2] =	stream.indirect.gather [hbm4b:s1+s18], $0x80, s18, s18, $0xb8;
	[tilespmem:$0x1F080] =	vst v63  }
0x3b: {  	_ =	swait.ge [sflag:s22], $0x4000  }
0x3c: {  	[sflag:s22] =	ssyncset.done $0x0  }
0x3d: {  	[sflag:s22] =	ssyncadd.s32 $0xFFFFC000  }
0x3e: {  	[spmem:s2] =	stream.indirect.scatter.add.f32 [tilespmem:s21], [sflag:$0x4], $0x80, s23, s18, $0xb8;
	[tilespmem:$0x1F080] =	vst v63  }
0x3f: {  	_ =	swait.ge [sflag:s24], $0x4000  }
0x40: {  	[sflag:s24] =	ssyncset.done $0x0  }
0x41: {  	s29 =	simm.s32 $0xFFFFB800;
	[sflag:s24] =	ssyncadd.s32 $0xFFFFC000  }
0x42: {  	[tilespmem:s19], [sflag:$0x1] =	stream.indirect.gather [hbm4b:s1+s18], $0x80, s25, s18, $0xb8;
	[tilespmem:$0x1F080] =	vst v63  }
.LBB2_2:
0x43: {  	_ =	swait.ge [sflag:s20], $0x4000  }
0x44: {  	s30 =	sshra.s32 s29, $0x2;
	[sflag:s20] =	ssyncset.done $0x0  }
0x45: {  	s31 =	sadd.s32 $0x2700, s30;
	[sflag:s20] =	ssyncadd.s32 $0xFFFFC000  }
0x46: {  	[spmem:s2] =	stream.indirect.scatter.add.f32 [tilespmem:s19], [sflag:$0x3], $0x80, s31, s18, $0xb8;
	[tilespmem:$0x1F080] =	vst v63  }
0x47: {  	_ =	swait.ge [sflag:s26], $0x4000  }
0x48: {  	[sflag:s26] =	ssyncset.done $0x0  }
0x49: {  	s31 =	sadd.s32 $0x1380, s30;
	[sflag:s26] =	ssyncadd.s32 $0xFFFFC000  }
0x4a: {  	[tilespmem:s21], [sflag:$0x2] =	stream.indirect.gather [hbm4b:s1+s18], $0x80, s31, s18, $0xb8;
	[tilespmem:$0x1F080] =	vst v63  }
0x4b: {  	_ =	swait.ge [sflag:s22], $0x4000  }
0x4c: {  	p1 =	seq.s32 s29, $0x0;
	[sflag:s22] =	ssyncset.done $0x0  }
.Ltmp2:
0x4d: {  	s31 =	sadd.s32 $0x2780, s30;
	[sflag:s22] =	ssyncadd.s32 $0xFFFFC000;
	(pc) =	sbr.rel @p1 .LBB2_4-.Ltmp2, $4  }
0x4e: {  	[spmem:s2] =	stream.indirect.scatter.add.f32 [tilespmem:s21], [sflag:$0x4], $0x80, s31, s18, $0xb8;
	[tilespmem:$0x1F080] =	vst v63  }
0x4f: {  	_ =	swait.ge [sflag:s24], $0x4000  }
0x50: {  	[sflag:s24] =	ssyncset.done $0x0  }
0x51: {  	[sflag:s24] =	ssyncadd.s32 $0xFFFFC000  }
.Ltmp3:
0x52: {  	(pc) =	sbr.rel .LBB2_2-.Ltmp3, $3  }
0x53: {  	_ =	sdelay $0x1  }
0x54: {  	s30 =	sadd.s32 $0x1400, s30;
	s29 =	sadd.s32 $0x400, s29  }
0x55: {  	[tilespmem:s19], [sflag:$0x1] =	stream.indirect.gather [hbm4b:s1+s18], $0x80, s30, s18, $0xb8;
	[tilespmem:$0x1F080] =	vst v63  }
.LBB2_4:
0x56: {  	_ =	swait.ge [sflag:s26], $0x4000  }
0x57: {  	[sflag:s26] =	ssyncset.done $0x0  }
0x58: {  	[sflag:s26] =	ssyncadd.s32 $0xFFFFC000  }
0x59: {  	[tilespmem:s3], [sflag:$0x5] =	stream.linear.gather [hbm4b:s9+s3], $0x1400, $0x38;
	[tilespmem:$0x1F080] =	vst v63  }
0x5a: {  	_ =	swait.ge [sflag:s15], $0x1400  }
0x5b: {  	[sflag:s15] =	ssyncset.done $0x0  }
0x5c: {  	[sflag:s15] =	ssyncadd.s32 $0xFFFFEC00  }
0x5d: {  	[tilespmem:s17], [sflag:$0x5] =	stream.linear.gather [hbm4b:s10+s3], $0x1400, $0x38;
	[tilespmem:$0x1F080] =	vst v63  }
0x5e: {  	_ =	swait.ge [sflag:s15], $0x1400  }
0x5f: {  	[sflag:s15] =	ssyncset.done $0x0  }
0x60: {  	[sflag:s15] =	ssyncadd.s32 $0xFFFFEC00  }
0x61: {  	[tilespmem:s19], [sflag:$0x1] =	stream.indirect.gather [hbm4b:s1+s18], $0x80, s3, s18, $0xb8;
	[tilespmem:$0x1F080] =	vst v63  }
0x62: {  	_ =	swait.ge [sflag:s20], $0x4000  }
0x63: {  	[sflag:s20] =	ssyncset.done $0x0  }
0x64: {  	[sflag:s20] =	ssyncadd.s32 $0xFFFFC000  }
0x65: {  	[spmem:s2] =	stream.indirect.scatter.add.f32 [tilespmem:s19], [sflag:$0x3], $0x80, s17, s18, $0xb8;
	[tilespmem:$0x1F080] =	vst v63  }
0x66: {  	_ = 	snop  }
0x67: {  	[tilespmem:s21], [sflag:$0x2] =	stream.indirect.gather [hbm4b:s1+s18], $0x80, s18, s18, $0xb8;
	[tilespmem:$0x1F080] =	vst v63  }
0x68: {  	_ =	swait.ge [sflag:s22], $0x4000  }
0x69: {  	[sflag:s22] =	ssyncset.done $0x0  }
0x6a: {  	[sflag:s22] =	ssyncadd.s32 $0xFFFFC000  }
0x6b: {  	[spmem:s2] =	stream.indirect.scatter.add.f32 [tilespmem:s21], [sflag:$0x4], $0x80, s23, s18, $0xb8;
	[tilespmem:$0x1F080] =	vst v63  }
0x6c: {  	_ =	swait.ge [sflag:s24], $0x4000  }
0x6d: {  	[sflag:s24] =	ssyncset.done $0x0  }
0x6e: {  	s29 =	simm.s32 $0xFFFFB800;
	[sflag:s24] =	ssyncadd.s32 $0xFFFFC000  }
0x6f: {  	[tilespmem:s19], [sflag:$0x1] =	stream.indirect.gather [hbm4b:s1+s18], $0x80, s25, s18, $0xb8;
	[tilespmem:$0x1F080] =	vst v63  }
.LBB2_5:
0x70: {  	_ =	swait.ge [sflag:s20], $0x4000  }
0x71: {  	s30 =	sshra.s32 s29, $0x2;
	[sflag:s20] =	ssyncset.done $0x0  }
0x72: {  	s31 =	sadd.s32 $0x2700, s30;
	[sflag:s20] =	ssyncadd.s32 $0xFFFFC000  }
0x73: {  	[spmem:s2] =	stream.indirect.scatter.add.f32 [tilespmem:s19], [sflag:$0x3], $0x80, s31, s18, $0xb8;
	[tilespmem:$0x1F080] =	vst v63  }
0x74: {  	_ =	swait.ge [sflag:s26], $0x4000  }
0x75: {  	[sflag:s26] =	ssyncset.done $0x0  }
0x76: {  	s31 =	sadd.s32 $0x1380, s30;
	[sflag:s26] =	ssyncadd.s32 $0xFFFFC000  }
0x77: {  	[tilespmem:s21], [sflag:$0x2] =	stream.indirect.gather [hbm4b:s1+s18], $0x80, s31, s18, $0xb8;
	[tilespmem:$0x1F080] =	vst v63  }
0x78: {  	_ =	swait.ge [sflag:s22], $0x4000  }
0x79: {  	p1 =	seq.s32 s29, $0x0;
	[sflag:s22] =	ssyncset.done $0x0  }
.Ltmp4:
0x7a: {  	s31 =	sadd.s32 $0x2780, s30;
	[sflag:s22] =	ssyncadd.s32 $0xFFFFC000;
	(pc) =	sbr.rel @p1 .LBB2_7-.Ltmp4, $4  }
0x7b: {  	[spmem:s2] =	stream.indirect.scatter.add.f32 [tilespmem:s21], [sflag:$0x4], $0x80, s31, s18, $0xb8;
	[tilespmem:$0x1F080] =	vst v63  }
0x7c: {  	_ =	swait.ge [sflag:s24], $0x4000  }
0x7d: {  	[sflag:s24] =	ssyncset.done $0x0  }
0x7e: {  	[sflag:s24] =	ssyncadd.s32 $0xFFFFC000  }
.Ltmp5:
0x7f: {  	(pc) =	sbr.rel .LBB2_5-.Ltmp5, $3  }
0x80: {  	_ =	sdelay $0x1  }
0x81: {  	s30 =	sadd.s32 $0x1400, s30;
	s29 =	sadd.s32 $0x400, s29  }
0x82: {  	[tilespmem:s19], [sflag:$0x1] =	stream.indirect.gather [hbm4b:s1+s18], $0x80, s30, s18, $0xb8;
	[tilespmem:$0x1F080] =	vst v63  }
.LBB2_8:
0x83: {  	_ =	sfence.sel $0x180000  }
0x84: {  	[bflag:$0x0] =	sbarrier.arrive $0xFFFF  }
0x85: {  	_ =	strace $0x9000004A  }
0x86: {  	s0 =	sadd.s32 @!p0 $0x100000, s0;
	[bflag:$0x2] =	sbarrier.arrive $0xFFFF  }
0x87: {  	[sflag:s0] =	ssyncadd.tile.s32 @!p0 $0x1;
	_ =	shalt  }
.Lfunc_end2:
_tile_overlayer_lowered:
.L_overlay_start_2:
0x88: {  	(tag) =	ssettag $0x2  }
0x89: {  	s0 =	rddreg [dreg:$0x0];
	s2 =	stileid.u32  }
0x8a: {  	s1 =	rddreg [dreg:$0x1];
	p0 =	sne.s32 s2, $0x0  }
0x8b: {  	s3 =	rddreg [dreg:$0x2];
	[bflag:$0x3] =	sbarrier.arrive $0xFFFF;
	s2 =	simm.s32 @!p0 $0x1C05  }
0x8c: {  	[timem:s3], [sflag:s2] =	dma.local @!p0 [hbm:s0], s1  }
0x8d: {  	s0 =	simm.s32 @!p0 $0x5  }
0x8e: {  	_ =	swait.ge @!p0 [sflag:s0], s1  }
0x8f: {  	s1 =	ssub.s32 @!p0 $0x0, s1;
	[sflag:s0] =	ssyncset.done @!p0 $0x0  }
0x90: {  	[sflag:s0] =	ssyncadd.s32 @!p0 s1  }
0x91: {  	[bflag:$0x3] =	sbarrier.arrive $0xFFFF  }
0x92: {  	_ =	shalt  }

// kernel: kernel.14.cloned.1.call-start
scs
__scs_entry_jumppad:
0x0: {  	(pc) =	sbr.rel $0x88, $3  }
0x1: {  	(tag) =	ssettag $0x0;
	lr =	simm.s32 $0x1  }
0x2: {  	[smem:$0x3F93] =	sst lr;
	_ =	strace $0xD0000000  }
0x3: {  	_ = 	snop  }
0x4: {  	_ = 	snop  }
0x5: {  	_ = 	snop  }
0x6: {  	_ = 	snop  }
0x7: {  	_ = 	snop  }
__scs_overlays_trampoline_lowered:
0x8: {  	[smem:$0x3FA2] =	sst s0  }
0x9: {  	[smem:$0x3FA3] =	sst s1  }
0xa: {  	[smem:$0x3FA4] =	sst s2  }
0xb: {  	[smem:$0x3FA5] =	sst s3  }
0xc: {  	[smem:$0x3FA6] =	sst s4  }
0xd: {  	[smem:$0x3FA7] =	sst s5  }
0xe: {  	[smem:$0x3FA8] =	sst s6  }
0xf: {  	[smem:$0x3FA9] =	sst s7  }
0x10: {  	[smem:$0x3FAA] =	sst s8  }
0x11: {  	[smem:$0x3FAB] =	sst s9;
	s0 =	simm.s32 @!p0 $0x0  }
0x12: {  	s1 =	sld [smem:$0x3F91];
	s0 =	simm.s32 @p0 $0x1  }
0x13: {  	[smem:$0x3FAC] =	sst s0;
	s0 =	simm.s32 @!p1 $0x0  }
0x14: {  	s2 =	sld [smem:$0x3F90];
	s0 =	simm.s32 @p1 $0x1  }
0x15: {  	[smem:$0x3FAD] =	sst s0;
	s0 =	simm.s32 @!p2 $0x0  }
0x16: {  	s3 =	sld [smem:$0x3FDB];
	s0 =	simm.s32 @p2 $0x1  }
0x17: {  	s4 =	simm.s32 $0x1BF5;
	[smem:$0x3FAF] =	sst s0  }
0x18: {  	s0 =	sld [smem:$0x3F92];
	_ =	swait.ge [sflag:s4], $0x0  }
0x19: {  	s7 =	sld [smem:$0x3F93]  }
0x1a: {  	s8 =	sadd.s32 $0xFFFFE003, lr  }
0x1b: {  	s9 =	sadd.s32 $0xFFFFFEF7, lr;
	s5 =	simm.s32 $0xFFFFFFFF;
	p2 =	slt.u32 s8, $0xFFFFF086  }
0x1c: {  	p1 =	slt.u32 s9, $0xF7A;
	s5 =	simm.s32 @!p2 $0x0  }
0x1d: {  	s5 =	simm.s32 @p1 $0x1;
	p0 =	seq.s32 s7, s2  }
0x1e: {  	s7 =	smul.u32 @!p0 $0xF7A, s2;
	p2 =	seq.s32 @!p0 s5, $0x0  }
0x1f: {  	s9 =	smul.u32 $0xF7A, s1;
	s8 =	simm.s32 @!p0 $0x1BF5;
	p2 =	por !p2, p0  }
0x20: {  	[sflag:s8] =	ssyncset.s32 @!p0 $0xFFFFF086;
	s6 =	sadd.s32 @!p0 s3, s7;
	s7 =	simm.s32 @!p0 $0x108  }
0x21: {  	s3 =	sadd.s32 s3, s9;
	s6 =	sadd.s32 @!p0 $0x88, s6;
	s7 =	simm.s32 @p2 $0x1082  }
0x22: {  	[simem:s7], [sflag:s8] =	dma.local @!p0 [hbm:s6], $0xF7A  }
0x23: {  	s9 =	sor.u32 $0xD0000000, s2;
	s6 =	simm.s32 $0x108;
	_ =	swait.ge @!p0 [sflag:s8], $0x0  }
0x24: {  	s3 =	sadd.s32 $0x88, s3;
	s6 =	simm.s32 @!p1 $0x1082;
	[sflag:s4] =	ssyncset.s32 $0xFFFFF086  }
0x25: {  	[simem:s6], [sflag:s4] =	dma.local [hbm:s3], $0xF7A  }
0x26: {  	[smem:$0x3F93] =	sst s1;
	(tag) =	ssettag s2;
	_ =	strace s9  }
0x27: {  	s1 =	sld [smem:$0x3FA3]  }
0x28: {  	s2 =	sld [smem:$0x3FA4]  }
0x29: {  	s4 =	sld [smem:$0x3FA6]  }
0x2a: {  	p0 =	seq.s32 s5, $0x0;
	s5 =	sld [smem:$0x3FA7]  }
0x2b: {  	s6 =	sld [smem:$0x3FA8]  }
0x2c: {  	s7 =	sld [smem:$0x3FA9]  }
0x2d: {  	s3 =	simm.s32 $0x108;
	s8 =	sld [smem:$0x3FAA]  }
0x2e: {  	s3 =	simm.s32 @!p0 $0x1082;
	s9 =	sld [smem:$0x3FAB]  }
0x2f: {  	lr =	sadd.s32 s0, s3;
	s0 =	sld [smem:$0x3FA2]  }
0x30: {  	s3 =	sld [smem:$0x3FA5]  }
0x31: {  	[smem:$0x3FAE] =	sst s10  }
0x32: {  	s10 =	sld [smem:$0x3FAC];
	_ =	sdelay $0x3  }
0x33: {  	p0 =	seq.s32 s10, $0x1;
	s10 =	sld [smem:$0x3FAE];
	_ =	sdelay $0x3  }
0x34: {  	[smem:$0x3FAE] =	sst s10  }
0x35: {  	s10 =	sld [smem:$0x3FAD];
	_ =	sdelay $0x3  }
0x36: {  	p1 =	seq.s32 s10, $0x1;
	s10 =	sld [smem:$0x3FAE];
	_ =	sdelay $0x3  }
0x37: {  	[smem:$0x3FAE] =	sst s10  }
0x38: {  	s10 =	sld [smem:$0x3FAF]  }
0x39: {  	_ = 	snop;
	(pc) =	sbr.ind lr, $3  }
0x3a: {  	_ = 	snop  }
0x3b: {  	_ = 	snop  }
0x3c: {  	p2 =	seq.s32 s10, $0x1;
	s10 =	sld [smem:$0x3FAE]  }
0x3d: {  	_ =	shalt  }
0x3e: {  	_ =	shalt  }
0x3f: {  	_ =	shalt  }
0x40: {  	_ =	shalt  }
0x41: {  	_ =	shalt  }
0x42: {  	_ =	shalt  }
0x43: {  	_ =	shalt  }
0x44: {  	_ =	shalt  }
0x45: {  	_ =	shalt  }
0x46: {  	_ =	shalt  }
0x47: {  	_ =	shalt  }
0x48: {  	_ =	shalt  }
0x49: {  	_ =	shalt  }
0x4a: {  	_ =	shalt  }
0x4b: {  	_ =	shalt  }
0x4c: {  	_ =	shalt  }
0x4d: {  	_ =	shalt  }
0x4e: {  	_ =	shalt  }
0x4f: {  	_ =	shalt  }
0x50: {  	_ =	shalt  }
0x51: {  	_ =	shalt  }
0x52: {  	_ =	shalt  }
0x53: {  	_ =	shalt  }
0x54: {  	_ =	shalt  }
0x55: {  	_ =	shalt  }
0x56: {  	_ =	shalt  }
0x57: {  	_ =	shalt  }
0x58: {  	_ =	shalt  }
0x59: {  	_ =	shalt  }
0x5a: {  	_ =	shalt  }
0x5b: {  	_ =	shalt  }
0x5c: {  	_ =	shalt  }
0x5d: {  	_ =	shalt  }
0x5e: {  	_ =	shalt  }
0x5f: {  	_ =	shalt  }
0x60: {  	_ =	shalt  }
0x61: {  	_ =	shalt  }
0x62: {  	_ =	shalt  }
0x63: {  	_ =	shalt  }
0x64: {  	_ =	shalt  }
0x65: {  	_ =	shalt  }
0x66: {  	_ =	shalt  }
0x67: {  	_ =	shalt  }
0x68: {  	_ =	shalt  }
0x69: {  	_ =	shalt  }
0x6a: {  	_ =	shalt  }
0x6b: {  	_ =	shalt  }
0x6c: {  	_ =	shalt  }
0x6d: {  	_ =	shalt  }
0x6e: {  	_ =	shalt  }
0x6f: {  	_ =	shalt  }
0x70: {  	_ =	shalt  }
0x71: {  	_ =	shalt  }
0x72: {  	_ =	shalt  }
0x73: {  	_ =	shalt  }
0x74: {  	_ =	shalt  }
0x75: {  	_ =	shalt  }
0x76: {  	_ =	shalt  }
0x77: {  	_ =	shalt  }
0x78: {  	_ =	shalt  }
0x79: {  	_ =	shalt  }
0x7a: {  	_ =	shalt  }
0x7b: {  	_ =	shalt  }
0x7c: {  	_ =	shalt  }
0x7d: {  	_ =	shalt  }
0x7e: {  	_ =	shalt  }
0x7f: {  	_ =	shalt  }
0x80: {  	_ =	shalt  }
0x81: {  	_ =	shalt  }
0x82: {  	_ =	shalt  }
0x83: {  	_ =	shalt  }
0x84: {  	_ =	shalt  }
0x85: {  	_ =	shalt  }
0x86: {  	_ =	shalt  }
0x87: {  	_ =	shalt  }
.Lfunc_end0:
.L_simem_size_0:
called_computation.2_lowered:
.L_overlay_start_0:
0x88: {  	s2 =	sld [smem:$0x3FD9]  }
0x89: {  	s3 =	sld [smem:$0x3FFE];
	_ =	sdelay $0x1  }
0x8a: {  	s1 =	srdreg.scid  }
0x8b: {  	s0 =	sand.u32 $0x1, s1  }
0x8c: {  	s17 =	sshll.u32 s0, $0xA;
	s2 =	sadd.s32 s3, s2  }
0x8d: {  	s2 =	sadd.s32 s2, s17  }
0x8e: {  	[smem:$0x3FBA] =	sst s2  }
0x8f: {  	_ = 	snop  }
0x90: {  	s2 =	sld [smem:$0x3FD0];
	(tm) =	ssettm $0x1  }
0x91: {  	s18 =	sld [smem:$0x3FFB];
	_ =	sdelay $0x3  }
0x92: {  	_ =	strace s18  }
0x93: {  	s3 =	sld [smem:$0x3FFC];
	_ =	sdelay $0x3  }
0x94: {  	_ =	strace s3  }
0x95: {  	s3 =	sld [smem:$0x3FFD];
	_ =	sdelay $0x3  }
0x96: {  	_ =	strace s3  }
0x97: {  	_ =	strace $0x8FFFFFFF  }
0x98: {  	s19 =	sld [smem:$0x3FDB];
	_ =	sdelay $0x1  }
0x99: {  	s4 =	simm.s32 $_scs_section_size  }
0x9a: {  	s5 =	simm.s32 $_size__tile_overlayer_lowered;
	s6 =	simm.s32 $_tile_overlayer_lowered  }
0x9b: {  	s22 =	simm.s32 $0x1BFF;
	s21 =	sshll.u32 s6, $0x1;
	s3 =	sadd.s32 s4, s19  }
0x9c: {  	s7 =	simm.s32 $0x0;
	s20 =	sshll.u32 s5, $0x1;
	s5 =	sadd.s32 s21, s3  }
0x9d: {  	[timem:s7], [sflag:s22] =	dma.local [hbm:s5], s20  }
0x9e: {  	_ =	swait.ge [sflag:s22], s20  }
0x9f: {  	s4 =	ssub.s32 $0x0, s20;
	[sflag:s22] =	ssyncset.done $0x0  }
0xa0: {  	[sflag:s22] =	ssyncadd.s32 s4;
	_ =	sdelay $0x1  }
0xa1: {  	s23 =	simm.s32 $0x1B8B  }
0xa2: {  	_ =	swait.ge [sflag:s23], $0x1  }
0xa3: {  	[sflag:s23] =	ssyncset.done $0x0  }
0xa4: {  	s25 =	simm.s32 $0x1B8E;
	s24 =	sld [smem:$0x3FFE];
	[sflag:s23] =	ssyncadd.s32 $0xFFFFFFFF  }
0xa5: {  	s26 =	simm.s32 $execute0_lowered;
	[smem:$0x3FD2] =	sst s25  }
0xa6: {  	s5 =	sshll.u32 s26, $0x1;
	_ =	strace $0x8000004C;
	[dreg:$0x1] =	wrdreg $0xFFFFFFFF  }
0xa7: {  	s28 =	simm.s32 $_size_execute0_lowered;
	s3 =	sadd.s32 s3, s5;
	[dreg:$0x0] =	wrdreg $0x0  }
0xa8: {  	s5 =	sshll.u32 s28, $0x1;
	[dreg:$0x2] =	wrdreg s3  }
0xa9: {  	[dreg:$0x3] =	wrdreg s5  }
0xaa: {  	[dreg:$0x4] =	wrdreg $0xC0  }
0xab: {  	_ =	task [dreg:s7], $0x5FFFF  }
0xac: {  	[dreg:$0x1] =	wrdreg $0xFFFFFFFF  }
0xad: {  	[dreg:$0x0] =	wrdreg $0x60  }
0xae: {  	[dreg:$0x2] =	wrdreg s2  }
0xaf: {  	[dreg:$0x3] =	wrdreg s24  }
0xb0: {  	[dreg:$0x4] =	wrdreg $0xA8000  }
0xb1: {  	[dreg:$0x5] =	wrdreg $0x9  }
0xb2: {  	_ =	task.clear_ibuf [dreg:s7], $0x6FFFF;
	_ =	strace $0x9000004C  }
0xb3: {  	s29 =	simm.s32 $0x9;
	_ =	strace $0x8000004E  }
0xb4: {  	_ =	swait.ge [sflag:s29], $0x1  }
0xb5: {  	[sflag:s29] =	ssyncadd.s32 $0xFFFFFFFF  }
0xb6: {  	_ =	strace $0x9000004E  }
0xb7: {  	_ =	sfence  }
0xb8: {  	s30 =	sld [smem:$0x0];
	_ =	sdelay $0x2  }
0xb9: {  	s31 =	sshll.u32 s1, $0xD;
	s1 =	sshrl.u32 s1, $0x2  }
0xba: {  	s3 =	sand.u32 $0x4000, s31;
	s1 =	sadd.s32 s1, s30  }
0xbb: {  	s0 =	sor.u32 s3, s0;
	s1 =	sshll.u32 s1, $0x11  }
0xbc: {  	s0 =	sor.u32 s1, s0  }
0xbd: {  	s0 =	sadd.s32 $0x8F2B, s0  }
0xbe: {  	[sflag:s0] =	ssyncadd.remote.s32 $0x1  }
0xbf: {  	_ =	sfence.sel $0xFFFF  }
0xc0: {  	[dreg:$0x0] =	wrdreg $0xFFFFFFFF;
	(pc) =	sbr.abs _section_cstart, $3  }
0xc1: {  	[dreg:$0x1] =	wrdreg $0xFFFFFFFF  }
0xc2: {  	_ =	task.clear_ibuf [dreg:s7], $0x2FFFF;
	_ =	strace $0x9FFFFFFF  }
0xc3: {  	(tm) =	ssettm $0x7FFFFFFF  }
tec
execute0_lowered:
.L_overlay_start_1:
0x0: {  	(tag) =	ssettag $0x1  }
0x1: {  	s1 =	rddreg [dreg:$0x0]  }
0x2: {  	s4 =	rddreg [dreg:$0x1]  }
0x3: {  	s2 =	rddreg [dreg:$0x2]  }
0x4: {  	s0 =	rddreg [dreg:$0x3];
	s3 =	simm.s32 $0x0  }
0x5: {  	s5 =	srdreg.scid;
	s14 =	stileid.u32;
	s19 =	simm.s32 $0x2800  }
0x6: {  	s20 =	simm.s32 $0x1;
	s28 =	simm.s32 $0x0;
	[smem:$0x7FF] =	sst s3  }
0x7: {  	s9 =	sadd.s32 $0x2A00, s4;
	s10 =	sadd.s32 $0xCA00, s4;
	s6 =	smul.u32 $0x4E000, s14  }
0x8: {  	s5 =	sand.u32 $0x1, s5;
	s12 =	sadd.s32 $0x16A00, s4;
	s13 =	smul.u32 $0x270, s14  }
0x9: {  	s26 =	sshll.u32 s14, $0x6;
	s17 =	sadd.s32 $0x138000, s2;
	p0 =	sne.s32 s14, $0x0  }
0xa: {  	_ =	strace $0x8000004D;
	s21 =	ssub.s32 $0x2, s5;
	s7 =	smul.u32 $0x2710, s5  }
0xb: {  	s11 =	sshll.u32 s5, $0x4;
	s24 =	smul.u32 $0x138800, s5;
	s5 =	sor.u32 $0x1C05, s26  }
0xc: {  	s26 =	simm.s32 $0x4;
	s8 =	sshrl.u32 s21, $0x1;
	s6 =	sshrl.u32 s6, $0x2  }
0xd: {  	s22 =	sor.u32 s14, s11;
	s15 =	ssub.s32 s21, s8;
	s16 =	sadd.s32 s6, s2  }
0xe: {  	s23 =	sadd.s32 s13, s7;
	s29 =	smul.u32 $0x2800, s22;
	s7 =	sshrl.u32 s24, $0x3  }
0xf: {  	s21 =	simm.s32 $0x6800;
	s22 =	simm.s32 $0x2;
	s24 =	simm.s32 $0x3  }
0x10: {  	s25 =	sshll.u32 s23, $0x4;
	s30 =	sadd.s32 $0x27000, s7;
	s13 =	smax.u32 s15, $0x1  }
0x11: {  	s14 =	sshrl.u32 s16, $0x3;
	s15 =	simm.s32 $0x5;
	s16 =	sshrl.u32 @!p0 s17, $0x3  }
.Ltmp0:
0x12: {  	s17 =	simm.s32 $0x1400;
	s23 =	simm.s32 $0x1480;
	(pc) =	sbr.rel .LBB2_1-.Ltmp0, $4  }
0x13: {  	s4 =	sadd.s32 s1, s25;
	s31 =	sshrl.u32 s29, $0x3;
	s6 =	sadd.s32 s1, s30  }
0x14: {  	s11 =	sadd.s32 s12, s25;
	s12 =	sadd.s32 s12, s30;
	s25 =	simm.s32 $0x100  }
0x15: {  	s7 =	sadd.s32 s9, s31;
	s18 =	sadd.s32 $0x280, s31;
	s8 =	sadd.s32 s10, s31  }
0x16: {  	s9 =	sadd.s32 s9, s18;
	s10 =	sadd.s32 s10, s18;
	s18 =	simm.s32 $0x80  }
.LBB2_7:
0x17: {  	_ =	swait.ge [sflag:s26], $0x4000  }
0x18: {  	[sflag:s26] =	ssyncset.done $0x0  }
0x19: {  	[sflag:s26] =	ssyncadd.s32 $0xFFFFC000  }
0x1a: {  	[bflag:$0x0] =	sbarrier.arrive $0xFFFF  }
0x1b: {  	[hbm:s11], [sflag:s5] =	dma.local [spmem:s14], $0x2700  }
0x1c: {  	s28 =	sadd.s32 $0x1, s28;
	_ =	swait.ge [sflag:s15], $0x2700  }
0x1d: {  	p1 =	sne.s32 s28, s13;
	[sflag:s15] =	ssyncset.done $0x0  }
.Ltmp1:
0x1e: {  	s29 =	simm.s32 @!p0 $0x5;
	[sflag:s15] =	ssyncadd.s32 $0xFFFFD900;
	(pc) =	sbr.rel @!p1 .LBB2_8-.Ltmp1, $4  }
0x1f: {  	[hbm:s12], [sflag:s5] =	dma.local @!p0 [spmem:s16], $0x100  }
0x20: {  	_ =	swait.ge @!p0 [sflag:s29], $0x100  }
0x21: {  	[sflag:s29] =	ssyncset.done @!p0 $0x0  }
0x22: {  	[sflag:s29] =	ssyncadd.s32 @!p0 $0xFFFFFF00  }
.LBB2_1:
0x23: {  	[spmem:s14], [sflag:s5] =	dma.local [hbm:s4], $0x2700  }
0x24: {  	_ =	swait.ge [sflag:s15], $0x2700  }
0x25: {  	[sflag:s15] =	ssyncset.done $0x0  }
0x26: {  	s29 =	simm.s32 @!p0 $0x5;
	[sflag:s15] =	ssyncadd.s32 $0xFFFFD900  }
0x27: {  	[spmem:s16], [sflag:s5] =	dma.local @!p0 [hbm:s6], $0x100  }
0x28: {  	_ =	swait.ge @!p0 [sflag:s29], $0x100  }
0x29: {  	[sflag:s29] =	ssyncset.done @!p0 $0x0  }
0x2a: {  	[sflag:s29] =	ssyncadd.s32 @!p0 $0xFFFFFF00  }
0x2b: {  	[bflag:$0x0] =	sbarrier.arrive $0xFFFF  }
0x2c: {  	[tilespmem:s3], [sflag:$0x5] =	stream.linear.gather [hbm4b:s7+s3], $0x1400, $0x38;
	[tilespmem:$0x1F080] =	vst v63  }
0x2d: {  	_ =	swait.ge [sflag:s15], $0x1400  }
0x2e: {  	[sflag:s15] =	ssyncset.done $0x0  }
0x2f: {  	[sflag:s15] =	ssyncadd.s32 $0xFFFFEC00  }
0x30: {  	[tilespmem:s17], [sflag:$0x5] =	stream.linear.gather [hbm4b:s8+s3], $0x1400, $0x38;
	[tilespmem:$0x1F080] =	vst v63  }
0x31: {  	_ =	swait.ge [sflag:s15], $0x1400  }
0x32: {  	[sflag:s15] =	ssyncset.done $0x0  }
0x33: {  	[sflag:s15] =	ssyncadd.s32 $0xFFFFEC00  }
0x34: {  	[tilespmem:s19], [sflag:$0x1] =	stream.indirect.gather [hbm4b:s1+s18], $0x80, s3, s18, $0xb8;
	[tilespmem:$0x1F080] =	vst v63  }
0x35: {  	_ =	swait.ge [sflag:s20], $0x4000  }
0x36: {  	[sflag:s20] =	ssyncset.done $0x0  }
0x37: {  	[sflag:s20] =	ssyncadd.s32 $0xFFFFC000  }
0x38: {  	[spmem:s2] =	stream.indirect.scatter.add.f32 [tilespmem:s19], [sflag:$0x3], $0x80, s17, s18, $0xb8;
	[tilespmem:$0x1F080] =	vst v63  }
0x39: {  	_ = 	snop  }
0x3a: {  	[tilespmem:s21], [sflag:$0x2] =	stream.indirect.gather [hbm4b:s1+s18], $0x80, s18, s18, $0xb8;
	[tilespmem:$0x1F080] =	vst v63  }
0x3b: {  	_ =	swait.ge [sflag:s22], $0x4000  }
0x3c: {  	[sflag:s22] =	ssyncset.done $0x0  }
0x3d: {  	[sflag:s22] =	ssyncadd.s32 $0xFFFFC000  }
0x3e: {  	[spmem:s2] =	stream.indirect.scatter.add.f32 [tilespmem:s21], [sflag:$0x4], $0x80, s23, s18, $0xb8;
	[tilespmem:$0x1F080] =	vst v63  }
0x3f: {  	_ =	swait.ge [sflag:s24], $0x4000  }
0x40: {  	[sflag:s24] =	ssyncset.done $0x0  }
0x41: {  	s29 =	simm.s32 $0xFFFFB800;
	[sflag:s24] =	ssyncadd.s32 $0xFFFFC000  }
0x42: {  	[tilespmem:s19], [sflag:$0x1] =	stream.indirect.gather [hbm4b:s1+s18], $0x80, s25, s18, $0xb8;
	[tilespmem:$0x1F080] =	vst v63  }
.LBB2_2:
0x43: {  	_ =	swait.ge [sflag:s20], $0x4000  }
0x44: {  	s30 =	sshra.s32 s29, $0x2;
	[sflag:s20] =	ssyncset.done $0x0  }
0x45: {  	s31 =	sadd.s32 $0x2700, s30;
	[sflag:s20] =	ssyncadd.s32 $0xFFFFC000  }
0x46: {  	[spmem:s2] =	stream.indirect.scatter.add.f32 [tilespmem:s19], [sflag:$0x3], $0x80, s31, s18, $0xb8;
	[tilespmem:$0x1F080] =	vst v63  }
0x47: {  	_ =	swait.ge [sflag:s26], $0x4000  }
0x48: {  	[sflag:s26] =	ssyncset.done $0x0  }
0x49: {  	s31 =	sadd.s32 $0x1380, s30;
	[sflag:s26] =	ssyncadd.s32 $0xFFFFC000  }
0x4a: {  	[tilespmem:s21], [sflag:$0x2] =	stream.indirect.gather [hbm4b:s1+s18], $0x80, s31, s18, $0xb8;
	[tilespmem:$0x1F080] =	vst v63  }
0x4b: {  	_ =	swait.ge [sflag:s22], $0x4000  }
0x4c: {  	p1 =	seq.s32 s29, $0x0;
	[sflag:s22] =	ssyncset.done $0x0  }
.Ltmp2:
0x4d: {  	s31 =	sadd.s32 $0x2780, s30;
	[sflag:s22] =	ssyncadd.s32 $0xFFFFC000;
	(pc) =	sbr.rel @p1 .LBB2_4-.Ltmp2, $4  }
0x4e: {  	[spmem:s2] =	stream.indirect.scatter.add.f32 [tilespmem:s21], [sflag:$0x4], $0x80, s31, s18, $0xb8;
	[tilespmem:$0x1F080] =	vst v63  }
0x4f: {  	_ =	swait.ge [sflag:s24], $0x4000  }
0x50: {  	[sflag:s24] =	ssyncset.done $0x0  }
0x51: {  	[sflag:s24] =	ssyncadd.s32 $0xFFFFC000  }
.Ltmp3:
0x52: {  	(pc) =	sbr.rel .LBB2_2-.Ltmp3, $3  }
0x53: {  	_ =	sdelay $0x1  }
0x54: {  	s30 =	sadd.s32 $0x1400, s30;
	s29 =	sadd.s32 $0x400, s29  }
0x55: {  	[tilespmem:s19], [sflag:$0x1] =	stream.indirect.gather [hbm4b:s1+s18], $0x80, s30, s18, $0xb8;
	[tilespmem:$0x1F080] =	vst v63  }
.LBB2_4:
0x56: {  	_ =	swait.ge [sflag:s26], $0x4000  }
0x57: {  	[sflag:s26] =	ssyncset.done $0x0  }
0x58: {  	[sflag:s26] =	ssyncadd.s32 $0xFFFFC000  }
0x59: {  	[tilespmem:s3], [sflag:$0x5] =	stream.linear.gather [hbm4b:s9+s3], $0x1400, $0x38;
	[tilespmem:$0x1F080] =	vst v63  }
0x5a: {  	_ =	swait.ge [sflag:s15], $0x1400  }
0x5b: {  	[sflag:s15] =	ssyncset.done $0x0  }
0x5c: {  	[sflag:s15] =	ssyncadd.s32 $0xFFFFEC00  }
0x5d: {  	[tilespmem:s17], [sflag:$0x5] =	stream.linear.gather [hbm4b:s10+s3], $0x1400, $0x38;
	[tilespmem:$0x1F080] =	vst v63  }
0x5e: {  	_ =	swait.ge [sflag:s15], $0x1400  }
0x5f: {  	[sflag:s15] =	ssyncset.done $0x0  }
0x60: {  	[sflag:s15] =	ssyncadd.s32 $0xFFFFEC00  }
0x61: {  	[tilespmem:s19], [sflag:$0x1] =	stream.indirect.gather [hbm4b:s1+s18], $0x80, s3, s18, $0xb8;
	[tilespmem:$0x1F080] =	vst v63  }
0x62: {  	_ =	swait.ge [sflag:s20], $0x4000  }
0x63: {  	[sflag:s20] =	ssyncset.done $0x0  }
0x64: {  	[sflag:s20] =	ssyncadd.s32 $0xFFFFC000  }
0x65: {  	[spmem:s2] =	stream.indirect.scatter.add.f32 [tilespmem:s19], [sflag:$0x3], $0x80, s17, s18, $0xb8;
	[tilespmem:$0x1F080] =	vst v63  }
0x66: {  	_ = 	snop  }
0x67: {  	[tilespmem:s21], [sflag:$0x2] =	stream.indirect.gather [hbm4b:s1+s18], $0x80, s18, s18, $0xb8;
	[tilespmem:$0x1F080] =	vst v63  }
0x68: {  	_ =	swait.ge [sflag:s22], $0x4000  }
0x69: {  	[sflag:s22] =	ssyncset.done $0x0  }
0x6a: {  	[sflag:s22] =	ssyncadd.s32 $0xFFFFC000  }
0x6b: {  	[spmem:s2] =	stream.indirect.scatter.add.f32 [tilespmem:s21], [sflag:$0x4], $0x80, s23, s18, $0xb8;
	[tilespmem:$0x1F080] =	vst v63  }
0x6c: {  	_ =	swait.ge [sflag:s24], $0x4000  }
0x6d: {  	[sflag:s24] =	ssyncset.done $0x0  }
0x6e: {  	s29 =	simm.s32 $0xFFFFB800;
	[sflag:s24] =	ssyncadd.s32 $0xFFFFC000  }
0x6f: {  	[tilespmem:s19], [sflag:$0x1] =	stream.indirect.gather [hbm4b:s1+s18], $0x80, s25, s18, $0xb8;
	[tilespmem:$0x1F080] =	vst v63  }
.LBB2_5:
0x70: {  	_ =	swait.ge [sflag:s20], $0x4000  }
0x71: {  	s30 =	sshra.s32 s29, $0x2;
	[sflag:s20] =	ssyncset.done $0x0  }
0x72: {  	s31 =	sadd.s32 $0x2700, s30;
	[sflag:s20] =	ssyncadd.s32 $0xFFFFC000  }
0x73: {  	[spmem:s2] =	stream.indirect.scatter.add.f32 [tilespmem:s19], [sflag:$0x3], $0x80, s31, s18, $0xb8;
	[tilespmem:$0x1F080] =	vst v63  }
0x74: {  	_ =	swait.ge [sflag:s26], $0x4000  }
0x75: {  	[sflag:s26] =	ssyncset.done $0x0  }
0x76: {  	s31 =	sadd.s32 $0x1380, s30;
	[sflag:s26] =	ssyncadd.s32 $0xFFFFC000  }
0x77: {  	[tilespmem:s21], [sflag:$0x2] =	stream.indirect.gather [hbm4b:s1+s18], $0x80, s31, s18, $0xb8;
	[tilespmem:$0x1F080] =	vst v63  }
0x78: {  	_ =	swait.ge [sflag:s22], $0x4000  }
0x79: {  	p1 =	seq.s32 s29, $0x0;
	[sflag:s22] =	ssyncset.done $0x0  }
.Ltmp4:
0x7a: {  	s31 =	sadd.s32 $0x2780, s30;
	[sflag:s22] =	ssyncadd.s32 $0xFFFFC000;
	(pc) =	sbr.rel @p1 .LBB2_7-.Ltmp4, $4  }
0x7b: {  	[spmem:s2] =	stream.indirect.scatter.add.f32 [tilespmem:s21], [sflag:$0x4], $0x80, s31, s18, $0xb8;
	[tilespmem:$0x1F080] =	vst v63  }
0x7c: {  	_ =	swait.ge [sflag:s24], $0x4000  }
0x7d: {  	[sflag:s24] =	ssyncset.done $0x0  }
0x7e: {  	[sflag:s24] =	ssyncadd.s32 $0xFFFFC000  }
.Ltmp5:
0x7f: {  	(pc) =	sbr.rel .LBB2_5-.Ltmp5, $3  }
0x80: {  	_ =	sdelay $0x1  }
0x81: {  	s30 =	sadd.s32 $0x1400, s30;
	s29 =	sadd.s32 $0x400, s29  }
0x82: {  	[tilespmem:s19], [sflag:$0x1] =	stream.indirect.gather [hbm4b:s1+s18], $0x80, s30, s18, $0xb8;
	[tilespmem:$0x1F080] =	vst v63  }
.LBB2_8:
0x83: {  	_ =	sfence.sel $0x180000  }
0x84: {  	[bflag:$0x0] =	sbarrier.arrive $0xFFFF  }
0x85: {  	_ =	strace $0x9000004D  }
0x86: {  	s0 =	sadd.s32 @!p0 $0x100000, s0;
	[bflag:$0x2] =	sbarrier.arrive $0xFFFF  }
0x87: {  	[sflag:s0] =	ssyncadd.tile.s32 @!p0 $0x1;
	_ =	shalt  }
.Lfunc_end2:
_tile_overlayer_lowered:
.L_overlay_start_2:
0x88: {  	(tag) =	ssettag $0x2  }
0x89: {  	s0 =	rddreg [dreg:$0x0];
	s2 =	stileid.u32  }
0x8a: {  	s1 =	rddreg [dreg:$0x1];
	p0 =	sne.s32 s2, $0x0  }
0x8b: {  	s3 =	rddreg [dreg:$0x2];
	[bflag:$0x3] =	sbarrier.arrive $0xFFFF;
	s2 =	simm.s32 @!p0 $0x1C05  }
0x8c: {  	[timem:s3], [sflag:s2] =	dma.local @!p0 [hbm:s0], s1  }
0x8d: {  	s0 =	simm.s32 @!p0 $0x5  }
0x8e: {  	_ =	swait.ge @!p0 [sflag:s0], s1  }
0x8f: {  	s1 =	ssub.s32 @!p0 $0x0, s1;
	[sflag:s0] =	ssyncset.done @!p0 $0x0  }
0x90: {  	[sflag:s0] =	ssyncadd.s32 @!p0 s1  }
0x91: {  	[bflag:$0x3] =	sbarrier.arrive $0xFFFF  }
0x92: {  	_ =	shalt  }

// kernel: kernel.8.cloned.1.call-start
scs
__scs_entry_jumppad:
0x0: {  	(pc) =	sbr.rel $0x88, $3  }
0x1: {  	(tag) =	ssettag $0x0;
	lr =	simm.s32 $0x1  }
0x2: {  	[smem:$0x3F93] =	sst lr;
	_ =	strace $0xD0000000  }
0x3: {  	_ = 	snop  }
0x4: {  	_ = 	snop  }
0x5: {  	_ = 	snop  }
0x6: {  	_ = 	snop  }
0x7: {  	_ = 	snop  }
__scs_overlays_trampoline_lowered:
0x8: {  	[smem:$0x3FA2] =	sst s0  }
0x9: {  	[smem:$0x3FA3] =	sst s1  }
0xa: {  	[smem:$0x3FA4] =	sst s2  }
0xb: {  	[smem:$0x3FA5] =	sst s3  }
0xc: {  	[smem:$0x3FA6] =	sst s4  }
0xd: {  	[smem:$0x3FA7] =	sst s5  }
0xe: {  	[smem:$0x3FA8] =	sst s6  }
0xf: {  	[smem:$0x3FA9] =	sst s7  }
0x10: {  	[smem:$0x3FAA] =	sst s8  }
0x11: {  	[smem:$0x3FAB] =	sst s9;
	s0 =	simm.s32 @!p0 $0x0  }
0x12: {  	s1 =	sld [smem:$0x3F91];
	s0 =	simm.s32 @p0 $0x1  }
0x13: {  	[smem:$0x3FAC] =	sst s0;
	s0 =	simm.s32 @!p1 $0x0  }
0x14: {  	s2 =	sld [smem:$0x3F90];
	s0 =	simm.s32 @p1 $0x1  }
0x15: {  	[smem:$0x3FAD] =	sst s0;
	s0 =	simm.s32 @!p2 $0x0  }
0x16: {  	s3 =	sld [smem:$0x3FDB];
	s0 =	simm.s32 @p2 $0x1  }
0x17: {  	s4 =	simm.s32 $0x1BF5;
	[smem:$0x3FAF] =	sst s0  }
0x18: {  	s0 =	sld [smem:$0x3F92];
	_ =	swait.ge [sflag:s4], $0x0  }
0x19: {  	s7 =	sld [smem:$0x3F93]  }
0x1a: {  	s8 =	sadd.s32 $0xFFFFE003, lr  }
0x1b: {  	s9 =	sadd.s32 $0xFFFFFEF7, lr;
	s5 =	simm.s32 $0xFFFFFFFF;
	p2 =	slt.u32 s8, $0xFFFFF086  }
0x1c: {  	p1 =	slt.u32 s9, $0xF7A;
	s5 =	simm.s32 @!p2 $0x0  }
0x1d: {  	s5 =	simm.s32 @p1 $0x1;
	p0 =	seq.s32 s7, s2  }
0x1e: {  	s7 =	smul.u32 @!p0 $0xF7A, s2;
	p2 =	seq.s32 @!p0 s5, $0x0  }
0x1f: {  	s9 =	smul.u32 $0xF7A, s1;
	s8 =	simm.s32 @!p0 $0x1BF5;
	p2 =	por !p2, p0  }
0x20: {  	[sflag:s8] =	ssyncset.s32 @!p0 $0xFFFFF086;
	s6 =	sadd.s32 @!p0 s3, s7;
	s7 =	simm.s32 @!p0 $0x108  }
0x21: {  	s3 =	sadd.s32 s3, s9;
	s6 =	sadd.s32 @!p0 $0x88, s6;
	s7 =	simm.s32 @p2 $0x1082  }
0x22: {  	[simem:s7], [sflag:s8] =	dma.local @!p0 [hbm:s6], $0xF7A  }
0x23: {  	s9 =	sor.u32 $0xD0000000, s2;
	s6 =	simm.s32 $0x108;
	_ =	swait.ge @!p0 [sflag:s8], $0x0  }
0x24: {  	s3 =	sadd.s32 $0x88, s3;
	s6 =	simm.s32 @!p1 $0x1082;
	[sflag:s4] =	ssyncset.s32 $0xFFFFF086  }
0x25: {  	[simem:s6], [sflag:s4] =	dma.local [hbm:s3], $0xF7A  }
0x26: {  	[smem:$0x3F93] =	sst s1;
	(tag) =	ssettag s2;
	_ =	strace s9  }
0x27: {  	s1 =	sld [smem:$0x3FA3]  }
0x28: {  	s2 =	sld [smem:$0x3FA4]  }
0x29: {  	s4 =	sld [smem:$0x3FA6]  }
0x2a: {  	p0 =	seq.s32 s5, $0x0;
	s5 =	sld [smem:$0x3FA7]  }
0x2b: {  	s6 =	sld [smem:$0x3FA8]  }
0x2c: {  	s7 =	sld [smem:$0x3FA9]  }
0x2d: {  	s3 =	simm.s32 $0x108;
	s8 =	sld [smem:$0x3FAA]  }
0x2e: {  	s3 =	simm.s32 @!p0 $0x1082;
	s9 =	sld [smem:$0x3FAB]  }
0x2f: {  	lr =	sadd.s32 s0, s3;
	s0 =	sld [smem:$0x3FA2]  }
0x30: {  	s3 =	sld [smem:$0x3FA5]  }
0x31: {  	[smem:$0x3FAE] =	sst s10  }
0x32: {  	s10 =	sld [smem:$0x3FAC];
	_ =	sdelay $0x3  }
0x33: {  	p0 =	seq.s32 s10, $0x1;
	s10 =	sld [smem:$0x3FAE];
	_ =	sdelay $0x3  }
0x34: {  	[smem:$0x3FAE] =	sst s10  }
0x35: {  	s10 =	sld [smem:$0x3FAD];
	_ =	sdelay $0x3  }
0x36: {  	p1 =	seq.s32 s10, $0x1;
	s10 =	sld [smem:$0x3FAE];
	_ =	sdelay $0x3  }
0x37: {  	[smem:$0x3FAE] =	sst s10  }
0x38: {  	s10 =	sld [smem:$0x3FAF]  }
0x39: {  	_ = 	snop;
	(pc) =	sbr.ind lr, $3  }
0x3a: {  	_ = 	snop  }
0x3b: {  	_ = 	snop  }
0x3c: {  	p2 =	seq.s32 s10, $0x1;
	s10 =	sld [smem:$0x3FAE]  }
0x3d: {  	_ =	shalt  }
0x3e: {  	_ =	shalt  }
0x3f: {  	_ =	shalt  }
0x40: {  	_ =	shalt  }
0x41: {  	_ =	shalt  }
0x42: {  	_ =	shalt  }
0x43: {  	_ =	shalt  }
0x44: {  	_ =	shalt  }
0x45: {  	_ =	shalt  }
0x46: {  	_ =	shalt  }
0x47: {  	_ =	shalt  }
0x48: {  	_ =	shalt  }
0x49: {  	_ =	shalt  }
0x4a: {  	_ =	shalt  }
0x4b: {  	_ =	shalt  }
0x4c: {  	_ =	shalt  }
0x4d: {  	_ =	shalt  }
0x4e: {  	_ =	shalt  }
0x4f: {  	_ =	shalt  }
0x50: {  	_ =	shalt  }
0x51: {  	_ =	shalt  }
0x52: {  	_ =	shalt  }
0x53: {  	_ =	shalt  }
0x54: {  	_ =	shalt  }
0x55: {  	_ =	shalt  }
0x56: {  	_ =	shalt  }
0x57: {  	_ =	shalt  }
0x58: {  	_ =	shalt  }
0x59: {  	_ =	shalt  }
0x5a: {  	_ =	shalt  }
0x5b: {  	_ =	shalt  }
0x5c: {  	_ =	shalt  }
0x5d: {  	_ =	shalt  }
0x5e: {  	_ =	shalt  }
0x5f: {  	_ =	shalt  }
0x60: {  	_ =	shalt  }
0x61: {  	_ =	shalt  }
0x62: {  	_ =	shalt  }
0x63: {  	_ =	shalt  }
0x64: {  	_ =	shalt  }
0x65: {  	_ =	shalt  }
0x66: {  	_ =	shalt  }
0x67: {  	_ =	shalt  }
0x68: {  	_ =	shalt  }
0x69: {  	_ =	shalt  }
0x6a: {  	_ =	shalt  }
0x6b: {  	_ =	shalt  }
0x6c: {  	_ =	shalt  }
0x6d: {  	_ =	shalt  }
0x6e: {  	_ =	shalt  }
0x6f: {  	_ =	shalt  }
0x70: {  	_ =	shalt  }
0x71: {  	_ =	shalt  }
0x72: {  	_ =	shalt  }
0x73: {  	_ =	shalt  }
0x74: {  	_ =	shalt  }
0x75: {  	_ =	shalt  }
0x76: {  	_ =	shalt  }
0x77: {  	_ =	shalt  }
0x78: {  	_ =	shalt  }
0x79: {  	_ =	shalt  }
0x7a: {  	_ =	shalt  }
0x7b: {  	_ =	shalt  }
0x7c: {  	_ =	shalt  }
0x7d: {  	_ =	shalt  }
0x7e: {  	_ =	shalt  }
0x7f: {  	_ =	shalt  }
0x80: {  	_ =	shalt  }
0x81: {  	_ =	shalt  }
0x82: {  	_ =	shalt  }
0x83: {  	_ =	shalt  }
0x84: {  	_ =	shalt  }
0x85: {  	_ =	shalt  }
0x86: {  	_ =	shalt  }
0x87: {  	_ =	shalt  }
.Lfunc_end0:
.L_simem_size_0:
called_computation_lowered:
.L_overlay_start_0:
0x88: {  	s2 =	sld [smem:$0x3FD9]  }
0x89: {  	s3 =	sld [smem:$0x3FFE];
	_ =	sdelay $0x1  }
0x8a: {  	s1 =	srdreg.scid  }
0x8b: {  	s0 =	sand.u32 $0x1, s1  }
0x8c: {  	s17 =	sshll.u32 s0, $0xA;
	s2 =	sadd.s32 s3, s2  }
0x8d: {  	s2 =	sadd.s32 s2, s17  }
0x8e: {  	[smem:$0x3FBA] =	sst s2  }
0x8f: {  	_ = 	snop  }
0x90: {  	s2 =	sld [smem:$0x3FD0];
	(tm) =	ssettm $0x1  }
0x91: {  	s18 =	sld [smem:$0x3FFB];
	_ =	sdelay $0x3  }
0x92: {  	_ =	strace s18  }
0x93: {  	s3 =	sld [smem:$0x3FFC];
	_ =	sdelay $0x3  }
0x94: {  	_ =	strace s3  }
0x95: {  	s3 =	sld [smem:$0x3FFD];
	_ =	sdelay $0x3  }
0x96: {  	_ =	strace s3  }
0x97: {  	_ =	strace $0x8FFFFFFF  }
0x98: {  	s19 =	sld [smem:$0x3FDB];
	_ =	sdelay $0x1  }
0x99: {  	s4 =	simm.s32 $_scs_section_size  }
0x9a: {  	s5 =	simm.s32 $_size__tile_overlayer_lowered;
	s6 =	simm.s32 $_tile_overlayer_lowered  }
0x9b: {  	s22 =	simm.s32 $0x1BFF;
	s21 =	sshll.u32 s6, $0x1;
	s3 =	sadd.s32 s4, s19  }
0x9c: {  	s7 =	simm.s32 $0x0;
	s20 =	sshll.u32 s5, $0x1;
	s5 =	sadd.s32 s21, s3  }
0x9d: {  	[timem:s7], [sflag:s22] =	dma.local [hbm:s5], s20  }
0x9e: {  	_ =	swait.ge [sflag:s22], s20  }
0x9f: {  	s4 =	ssub.s32 $0x0, s20;
	[sflag:s22] =	ssyncset.done $0x0  }
0xa0: {  	[sflag:s22] =	ssyncadd.s32 s4;
	_ =	sdelay $0x1  }
0xa1: {  	s23 =	simm.s32 $0x1B8B  }
0xa2: {  	_ =	swait.ge [sflag:s23], $0x1  }
0xa3: {  	[sflag:s23] =	ssyncset.done $0x0  }
0xa4: {  	s25 =	simm.s32 $0x1B8E;
	s24 =	sld [smem:$0x3FFE];
	[sflag:s23] =	ssyncadd.s32 $0xFFFFFFFF  }
0xa5: {  	s26 =	simm.s32 $execute0_lowered;
	[smem:$0x3FD2] =	sst s25  }
0xa6: {  	s5 =	sshll.u32 s26, $0x1;
	_ =	strace $0x80000046;
	[dreg:$0x1] =	wrdreg $0xFFFFFFFF  }
0xa7: {  	s28 =	simm.s32 $_size_execute0_lowered;
	s3 =	sadd.s32 s3, s5;
	[dreg:$0x0] =	wrdreg $0x0  }
0xa8: {  	s5 =	sshll.u32 s28, $0x1;
	[dreg:$0x2] =	wrdreg s3  }
0xa9: {  	[dreg:$0x3] =	wrdreg s5  }
0xaa: {  	[dreg:$0x4] =	wrdreg $0xC0  }
0xab: {  	_ =	task [dreg:s7], $0x5FFFF  }
0xac: {  	[dreg:$0x1] =	wrdreg $0xFFFFFFFF  }
0xad: {  	[dreg:$0x0] =	wrdreg $0x60  }
0xae: {  	[dreg:$0x2] =	wrdreg s2  }
0xaf: {  	[dreg:$0x3] =	wrdreg s24  }
0xb0: {  	[dreg:$0x4] =	wrdreg $0xA8000  }
0xb1: {  	[dreg:$0x5] =	wrdreg $0x9  }
0xb2: {  	_ =	task.clear_ibuf [dreg:s7], $0x6FFFF;
	_ =	strace $0x90000046  }
0xb3: {  	s29 =	simm.s32 $0x9;
	_ =	strace $0x80000048  }
0xb4: {  	_ =	swait.ge [sflag:s29], $0x1  }
0xb5: {  	[sflag:s29] =	ssyncadd.s32 $0xFFFFFFFF  }
0xb6: {  	_ =	strace $0x90000048  }
0xb7: {  	_ =	sfence  }
0xb8: {  	s30 =	sld [smem:$0x0];
	_ =	sdelay $0x2  }
0xb9: {  	s31 =	sshll.u32 s1, $0xD;
	s1 =	sshrl.u32 s1, $0x2  }
0xba: {  	s3 =	sand.u32 $0x4000, s31;
	s1 =	sadd.s32 s1, s30  }
0xbb: {  	s0 =	sor.u32 s3, s0;
	s1 =	sshll.u32 s1, $0x11  }
0xbc: {  	s0 =	sor.u32 s1, s0  }
0xbd: {  	s0 =	sadd.s32 $0x8F2B, s0  }
0xbe: {  	[sflag:s0] =	ssyncadd.remote.s32 $0x1  }
0xbf: {  	_ =	sfence.sel $0xFFFF  }
0xc0: {  	[dreg:$0x0] =	wrdreg $0xFFFFFFFF;
	(pc) =	sbr.abs _section_cstart, $3  }
0xc1: {  	[dreg:$0x1] =	wrdreg $0xFFFFFFFF  }
0xc2: {  	_ =	task.clear_ibuf [dreg:s7], $0x2FFFF;
	_ =	strace $0x9FFFFFFF  }
0xc3: {  	(tm) =	ssettm $0x7FFFFFFF  }
tec
execute0_lowered:
.L_overlay_start_1:
0x0: {  	(tag) =	ssettag $0x1  }
0x1: {  	s1 =	rddreg [dreg:$0x0]  }
0x2: {  	s4 =	rddreg [dreg:$0x1]  }
0x3: {  	s2 =	rddreg [dreg:$0x2]  }
0x4: {  	s0 =	rddreg [dreg:$0x3];
	s3 =	simm.s32 $0x0  }
0x5: {  	s5 =	srdreg.scid;
	s14 =	stileid.u32;
	s19 =	simm.s32 $0x2800  }
0x6: {  	s20 =	simm.s32 $0x1;
	s28 =	simm.s32 $0x0;
	[smem:$0x7FF] =	sst s3  }
0x7: {  	s9 =	sadd.s32 $0x2A00, s4;
	s10 =	sadd.s32 $0xCA00, s4;
	s6 =	smul.u32 $0x4E000, s14  }
0x8: {  	s5 =	sand.u32 $0x1, s5;
	s12 =	sadd.s32 $0x16A00, s4;
	s13 =	smul.u32 $0x270, s14  }
0x9: {  	s26 =	sshll.u32 s14, $0x6;
	s17 =	sadd.s32 $0x138000, s2;
	p0 =	sne.s32 s14, $0x0  }
0xa: {  	_ =	strace $0x80000047;
	s21 =	ssub.s32 $0x2, s5;
	s7 =	smul.u32 $0x2710, s5  }
0xb: {  	s11 =	sshll.u32 s5, $0x4;
	s24 =	smul.u32 $0x138800, s5;
	s5 =	sor.u32 $0x1C05, s26  }
0xc: {  	s26 =	simm.s32 $0x4;
	s8 =	sshrl.u32 s21, $0x1;
	s6 =	sshrl.u32 s6, $0x2  }
0xd: {  	s22 =	sor.u32 s14, s11;
	s15 =	ssub.s32 s21, s8;
	s16 =	sadd.s32 s6, s2  }
0xe: {  	s23 =	sadd.s32 s13, s7;
	s29 =	smul.u32 $0x2800, s22;
	s7 =	sshrl.u32 s24, $0x3  }
0xf: {  	s21 =	simm.s32 $0x6800;
	s22 =	simm.s32 $0x2;
	s24 =	simm.s32 $0x3  }
0x10: {  	s25 =	sshll.u32 s23, $0x4;
	s30 =	sadd.s32 $0x27000, s7;
	s13 =	smax.u32 s15, $0x1  }
0x11: {  	s14 =	sshrl.u32 s16, $0x3;
	s15 =	simm.s32 $0x5;
	s16 =	sshrl.u32 @!p0 s17, $0x3  }
.Ltmp0:
0x12: {  	s17 =	simm.s32 $0x1400;
	s23 =	simm.s32 $0x1480;
	(pc) =	sbr.rel .LBB2_1-.Ltmp0, $4  }
0x13: {  	s4 =	sadd.s32 s1, s25;
	s31 =	sshrl.u32 s29, $0x3;
	s6 =	sadd.s32 s1, s30  }
0x14: {  	s11 =	sadd.s32 s12, s25;
	s12 =	sadd.s32 s12, s30;
	s25 =	simm.s32 $0x100  }
0x15: {  	s7 =	sadd.s32 s9, s31;
	s18 =	sadd.s32 $0x280, s31;
	s8 =	sadd.s32 s10, s31  }
0x16: {  	s9 =	sadd.s32 s9, s18;
	s10 =	sadd.s32 s10, s18;
	s18 =	simm.s32 $0x80  }
.LBB2_7:
0x17: {  	_ =	swait.ge [sflag:s26], $0x4000  }
0x18: {  	[sflag:s26] =	ssyncset.done $0x0  }
0x19: {  	[sflag:s26] =	ssyncadd.s32 $0xFFFFC000  }
0x1a: {  	[bflag:$0x0] =	sbarrier.arrive $0xFFFF  }
0x1b: {  	[hbm:s11], [sflag:s5] =	dma.local [spmem:s14], $0x2700  }
0x1c: {  	s28 =	sadd.s32 $0x1, s28;
	_ =	swait.ge [sflag:s15], $0x2700  }
0x1d: {  	p1 =	sne.s32 s28, s13;
	[sflag:s15] =	ssyncset.done $0x0  }
.Ltmp1:
0x1e: {  	s29 =	simm.s32 @!p0 $0x5;
	[sflag:s15] =	ssyncadd.s32 $0xFFFFD900;
	(pc) =	sbr.rel @!p1 .LBB2_8-.Ltmp1, $4  }
0x1f: {  	[hbm:s12], [sflag:s5] =	dma.local @!p0 [spmem:s16], $0x100  }
0x20: {  	_ =	swait.ge @!p0 [sflag:s29], $0x100  }
0x21: {  	[sflag:s29] =	ssyncset.done @!p0 $0x0  }
0x22: {  	[sflag:s29] =	ssyncadd.s32 @!p0 $0xFFFFFF00  }
.LBB2_1:
0x23: {  	[spmem:s14], [sflag:s5] =	dma.local [hbm:s4], $0x2700  }
0x24: {  	_ =	swait.ge [sflag:s15], $0x2700  }
0x25: {  	[sflag:s15] =	ssyncset.done $0x0  }
0x26: {  	s29 =	simm.s32 @!p0 $0x5;
	[sflag:s15] =	ssyncadd.s32 $0xFFFFD900  }
0x27: {  	[spmem:s16], [sflag:s5] =	dma.local @!p0 [hbm:s6], $0x100  }
0x28: {  	_ =	swait.ge @!p0 [sflag:s29], $0x100  }
0x29: {  	[sflag:s29] =	ssyncset.done @!p0 $0x0  }
0x2a: {  	[sflag:s29] =	ssyncadd.s32 @!p0 $0xFFFFFF00  }
0x2b: {  	[bflag:$0x0] =	sbarrier.arrive $0xFFFF  }
0x2c: {  	[tilespmem:s3], [sflag:$0x5] =	stream.linear.gather [hbm4b:s7+s3], $0x1400, $0x38;
	[tilespmem:$0x1F080] =	vst v63  }
0x2d: {  	_ =	swait.ge [sflag:s15], $0x1400  }
0x2e: {  	[sflag:s15] =	ssyncset.done $0x0  }
0x2f: {  	[sflag:s15] =	ssyncadd.s32 $0xFFFFEC00  }
0x30: {  	[tilespmem:s17], [sflag:$0x5] =	stream.linear.gather [hbm4b:s8+s3], $0x1400, $0x38;
	[tilespmem:$0x1F080] =	vst v63  }
0x31: {  	_ =	swait.ge [sflag:s15], $0x1400  }
0x32: {  	[sflag:s15] =	ssyncset.done $0x0  }
0x33: {  	[sflag:s15] =	ssyncadd.s32 $0xFFFFEC00  }
0x34: {  	[tilespmem:s19], [sflag:$0x1] =	stream.indirect.gather [hbm4b:s1+s18], $0x80, s3, s18, $0xb8;
	[tilespmem:$0x1F080] =	vst v63  }
0x35: {  	_ =	swait.ge [sflag:s20], $0x4000  }
0x36: {  	[sflag:s20] =	ssyncset.done $0x0  }
0x37: {  	[sflag:s20] =	ssyncadd.s32 $0xFFFFC000  }
0x38: {  	[spmem:s2] =	stream.indirect.scatter.add.f32 [tilespmem:s19], [sflag:$0x3], $0x80, s17, s18, $0xb8;
	[tilespmem:$0x1F080] =	vst v63  }
0x39: {  	_ = 	snop  }
0x3a: {  	[tilespmem:s21], [sflag:$0x2] =	stream.indirect.gather [hbm4b:s1+s18], $0x80, s18, s18, $0xb8;
	[tilespmem:$0x1F080] =	vst v63  }
0x3b: {  	_ =	swait.ge [sflag:s22], $0x4000  }
0x3c: {  	[sflag:s22] =	ssyncset.done $0x0  }
0x3d: {  	[sflag:s22] =	ssyncadd.s32 $0xFFFFC000  }
0x3e: {  	[spmem:s2] =	stream.indirect.scatter.add.f32 [tilespmem:s21], [sflag:$0x4], $0x80, s23, s18, $0xb8;
	[tilespmem:$0x1F080] =	vst v63  }
0x3f: {  	_ =	swait.ge [sflag:s24], $0x4000  }
0x40: {  	[sflag:s24] =	ssyncset.done $0x0  }
0x41: {  	s29 =	simm.s32 $0xFFFFB800;
	[sflag:s24] =	ssyncadd.s32 $0xFFFFC000  }
0x42: {  	[tilespmem:s19], [sflag:$0x1] =	stream.indirect.gather [hbm4b:s1+s18], $0x80, s25, s18, $0xb8;
	[tilespmem:$0x1F080] =	vst v63  }
.LBB2_2:
0x43: {  	_ =	swait.ge [sflag:s20], $0x4000  }
0x44: {  	s30 =	sshra.s32 s29, $0x2;
	[sflag:s20] =	ssyncset.done $0x0  }
0x45: {  	s31 =	sadd.s32 $0x2700, s30;
	[sflag:s20] =	ssyncadd.s32 $0xFFFFC000  }
0x46: {  	[spmem:s2] =	stream.indirect.scatter.add.f32 [tilespmem:s19], [sflag:$0x3], $0x80, s31, s18, $0xb8;
	[tilespmem:$0x1F080] =	vst v63  }
0x47: {  	_ =	swait.ge [sflag:s26], $0x4000  }
0x48: {  	[sflag:s26] =	ssyncset.done $0x0  }
0x49: {  	s31 =	sadd.s32 $0x1380, s30;
	[sflag:s26] =	ssyncadd.s32 $0xFFFFC000  }
0x4a: {  	[tilespmem:s21], [sflag:$0x2] =	stream.indirect.gather [hbm4b:s1+s18], $0x80, s31, s18, $0xb8;
	[tilespmem:$0x1F080] =	vst v63  }
0x4b: {  	_ =	swait.ge [sflag:s22], $0x4000  }
0x4c: {  	p1 =	seq.s32 s29, $0x0;
	[sflag:s22] =	ssyncset.done $0x0  }
.Ltmp2:
0x4d: {  	s31 =	sadd.s32 $0x2780, s30;
	[sflag:s22] =	ssyncadd.s32 $0xFFFFC000;
	(pc) =	sbr.rel @p1 .LBB2_4-.Ltmp2, $4  }
0x4e: {  	[spmem:s2] =	stream.indirect.scatter.add.f32 [tilespmem:s21], [sflag:$0x4], $0x80, s31, s18, $0xb8;
	[tilespmem:$0x1F080] =	vst v63  }
0x4f: {  	_ =	swait.ge [sflag:s24], $0x4000  }
0x50: {  	[sflag:s24] =	ssyncset.done $0x0  }
0x51: {  	[sflag:s24] =	ssyncadd.s32 $0xFFFFC000  }
.Ltmp3:
0x52: {  	(pc) =	sbr.rel .LBB2_2-.Ltmp3, $3  }
0x53: {  	_ =	sdelay $0x1  }
0x54: {  	s30 =	sadd.s32 $0x1400, s30;
	s29 =	sadd.s32 $0x400, s29  }
0x55: {  	[tilespmem:s19], [sflag:$0x1] =	stream.indirect.gather [hbm4b:s1+s18], $0x80, s30, s18, $0xb8;
	[tilespmem:$0x1F080] =	vst v63  }
.LBB2_4:
0x56: {  	_ =	swait.ge [sflag:s26], $0x4000  }
0x57: {  	[sflag:s26] =	ssyncset.done $0x0  }
0x58: {  	[sflag:s26] =	ssyncadd.s32 $0xFFFFC000  }
0x59: {  	[tilespmem:s3], [sflag:$0x5] =	stream.linear.gather [hbm4b:s9+s3], $0x1400, $0x38;
	[tilespmem:$0x1F080] =	vst v63  }
0x5a: {  	_ =	swait.ge [sflag:s15], $0x1400  }
0x5b: {  	[sflag:s15] =	ssyncset.done $0x0  }
0x5c: {  	[sflag:s15] =	ssyncadd.s32 $0xFFFFEC00  }
0x5d: {  	[tilespmem:s17], [sflag:$0x5] =	stream.linear.gather [hbm4b:s10+s3], $0x1400, $0x38;
	[tilespmem:$0x1F080] =	vst v63  }
0x5e: {  	_ =	swait.ge [sflag:s15], $0x1400  }
0x5f: {  	[sflag:s15] =	ssyncset.done $0x0  }
0x60: {  	[sflag:s15] =	ssyncadd.s32 $0xFFFFEC00  }
0x61: {  	[tilespmem:s19], [sflag:$0x1] =	stream.indirect.gather [hbm4b:s1+s18], $0x80, s3, s18, $0xb8;
	[tilespmem:$0x1F080] =	vst v63  }
0x62: {  	_ =	swait.ge [sflag:s20], $0x4000  }
0x63: {  	[sflag:s20] =	ssyncset.done $0x0  }
0x64: {  	[sflag:s20] =	ssyncadd.s32 $0xFFFFC000  }
0x65: {  	[spmem:s2] =	stream.indirect.scatter.add.f32 [tilespmem:s19], [sflag:$0x3], $0x80, s17, s18, $0xb8;
	[tilespmem:$0x1F080] =	vst v63  }
0x66: {  	_ = 	snop  }
0x67: {  	[tilespmem:s21], [sflag:$0x2] =	stream.indirect.gather [hbm4b:s1+s18], $0x80, s18, s18, $0xb8;
	[tilespmem:$0x1F080] =	vst v63  }
0x68: {  	_ =	swait.ge [sflag:s22], $0x4000  }
0x69: {  	[sflag:s22] =	ssyncset.done $0x0  }
0x6a: {  	[sflag:s22] =	ssyncadd.s32 $0xFFFFC000  }
0x6b: {  	[spmem:s2] =	stream.indirect.scatter.add.f32 [tilespmem:s21], [sflag:$0x4], $0x80, s23, s18, $0xb8;
	[tilespmem:$0x1F080] =	vst v63  }
0x6c: {  	_ =	swait.ge [sflag:s24], $0x4000  }
0x6d: {  	[sflag:s24] =	ssyncset.done $0x0  }
0x6e: {  	s29 =	simm.s32 $0xFFFFB800;
	[sflag:s24] =	ssyncadd.s32 $0xFFFFC000  }
0x6f: {  	[tilespmem:s19], [sflag:$0x1] =	stream.indirect.gather [hbm4b:s1+s18], $0x80, s25, s18, $0xb8;
	[tilespmem:$0x1F080] =	vst v63  }
.LBB2_5:
0x70: {  	_ =	swait.ge [sflag:s20], $0x4000  }
0x71: {  	s30 =	sshra.s32 s29, $0x2;
	[sflag:s20] =	ssyncset.done $0x0  }
0x72: {  	s31 =	sadd.s32 $0x2700, s30;
	[sflag:s20] =	ssyncadd.s32 $0xFFFFC000  }
0x73: {  	[spmem:s2] =	stream.indirect.scatter.add.f32 [tilespmem:s19], [sflag:$0x3], $0x80, s31, s18, $0xb8;
	[tilespmem:$0x1F080] =	vst v63  }
0x74: {  	_ =	swait.ge [sflag:s26], $0x4000  }
0x75: {  	[sflag:s26] =	ssyncset.done $0x0  }
0x76: {  	s31 =	sadd.s32 $0x1380, s30;
	[sflag:s26] =	ssyncadd.s32 $0xFFFFC000  }
0x77: {  	[tilespmem:s21], [sflag:$0x2] =	stream.indirect.gather [hbm4b:s1+s18], $0x80, s31, s18, $0xb8;
	[tilespmem:$0x1F080] =	vst v63  }
0x78: {  	_ =	swait.ge [sflag:s22], $0x4000  }
0x79: {  	p1 =	seq.s32 s29, $0x0;
	[sflag:s22] =	ssyncset.done $0x0  }
.Ltmp4:
0x7a: {  	s31 =	sadd.s32 $0x2780, s30;
	[sflag:s22] =	ssyncadd.s32 $0xFFFFC000;
	(pc) =	sbr.rel @p1 .LBB2_7-.Ltmp4, $4  }
0x7b: {  	[spmem:s2] =	stream.indirect.scatter.add.f32 [tilespmem:s21], [sflag:$0x4], $0x80, s31, s18, $0xb8;
	[tilespmem:$0x1F080] =	vst v63  }
0x7c: {  	_ =	swait.ge [sflag:s24], $0x4000  }
0x7d: {  	[sflag:s24] =	ssyncset.done $0x0  }
0x7e: {  	[sflag:s24] =	ssyncadd.s32 $0xFFFFC000  }
.Ltmp5:
0x7f: {  	(pc) =	sbr.rel .LBB2_5-.Ltmp5, $3  }
0x80: {  	_ =	sdelay $0x1  }
0x81: {  	s30 =	sadd.s32 $0x1400, s30;
	s29 =	sadd.s32 $0x400, s29  }
0x82: {  	[tilespmem:s19], [sflag:$0x1] =	stream.indirect.gather [hbm4b:s1+s18], $0x80, s30, s18, $0xb8;
	[tilespmem:$0x1F080] =	vst v63  }
.LBB2_8:
0x83: {  	_ =	sfence.sel $0x180000  }
0x84: {  	[bflag:$0x0] =	sbarrier.arrive $0xFFFF  }
0x85: {  	_ =	strace $0x90000047  }
0x86: {  	s0 =	sadd.s32 @!p0 $0x100000, s0;
	[bflag:$0x2] =	sbarrier.arrive $0xFFFF  }
0x87: {  	[sflag:s0] =	ssyncadd.tile.s32 @!p0 $0x1;
	_ =	shalt  }
.Lfunc_end2:
_tile_overlayer_lowered:
.L_overlay_start_2:
0x88: {  	(tag) =	ssettag $0x2  }
0x89: {  	s0 =	rddreg [dreg:$0x0];
	s2 =	stileid.u32  }
0x8a: {  	s1 =	rddreg [dreg:$0x1];
	p0 =	sne.s32 s2, $0x0  }
0x8b: {  	s3 =	rddreg [dreg:$0x2];
	[bflag:$0x3] =	sbarrier.arrive $0xFFFF;
	s2 =	simm.s32 @!p0 $0x1C05  }
0x8c: {  	[timem:s3], [sflag:s2] =	dma.local @!p0 [hbm:s0], s1  }
0x8d: {  	s0 =	simm.s32 @!p0 $0x5  }
0x8e: {  	_ =	swait.ge @!p0 [sflag:s0], s1  }
0x8f: {  	s1 =	ssub.s32 @!p0 $0x0, s1;
	[sflag:s0] =	ssyncset.done @!p0 $0x0  }
0x90: {  	[sflag:s0] =	ssyncadd.s32 @!p0 s1  }
0x91: {  	[bflag:$0x3] =	sbarrier.arrive $0xFFFF  }
0x92: {  	_ =	shalt  }

</sc_bundles>
